<compile_context>
chip_gen: v7x
topology: tpu7x:2x2x1
jax: 0.10.2.dev20260603
libtpu: 0.0.44.dev20260713+nightly
codegen_flags: <defaults>
</compile_context>

<pallas_src>
import functools

import jax
import jax.numpy as jnp
from jax import lax
from jax.experimental import pallas as pl
from jax.experimental.pallas import tpu as pltpu
from jax.experimental.pallas import tpu_sc as plsc

N_NODES = 10000
N_EDGES = 320000
IN_CH = 128
HID_CH = 64
OUT_CH = 64

NC, NS = 2, 16
NW = NC * NS
CHUNK = 128
NBUF = 3
NA, NB = 78, 79
NBMAX = max(NA, NB)
TOTCH = NS * (NA + NB)
EPAD = TOTCH * CHUNK
NPAD = 10112
ROWS_PER_SUB = NPAD // NS
BLK = NPAD // 8

@functools.cache
def _sc_aggregate_fn():
    mesh = plsc.VectorSubcoreMesh(core_axis_name="c", subcore_axis_name="s",
                                  num_cores=NC, num_subcores=NS)
    return functools.partial(
        pl.kernel,
        out_type=jax.ShapeDtypeStruct((NC, NPAD, HID_CH), jnp.float32),
        mesh=mesh,
        scratch_types=[
            pltpu.VMEM((NBMAX, CHUNK), jnp.int32),
            pltpu.VMEM((NBMAX, CHUNK), jnp.int32),
            pltpu.VMEM((NBUF, CHUNK, HID_CH), jnp.float32),
            pltpu.VMEM_SHARED((NPAD, HID_CH), jnp.float32),
            pltpu.VMEM_SHARED((NPAD, HID_CH), jnp.float32),
            pltpu.SemaphoreType.DMA,
            pltpu.SemaphoreType.DMA,
            pltpu.SemaphoreType.DMA,
            pltpu.SemaphoreType.DMA,
            pltpu.SemaphoreType.DMA,
            pltpu.SemaphoreType.DMA,
        ],
        compiler_params=pltpu.CompilerParams(use_tc_tiling_on_sc=False),
    )(_sc_aggregate_body)


def _sc_aggregate_body(h_hbm, srca_hbm, dsta_hbm, srcb_hbm, dstb_hbm, z_hbm,
                       out_hbm, src_v, dst_v, rows_v, acc, h_s,
                       sem0, sem1, sem2, sem3, sem4, sem5):
    sem_g = (sem0, sem1, sem2)
    sem_s = (sem3, sem4, sem5)
    c = lax.axis_index("c")
    s = lax.axis_index("s")
    row0 = s * ROWS_PER_SUB
    def run(src_hbm, dst_hbm, n):
        pltpu.async_copy(z_hbm, acc.at[pl.ds(row0, ROWS_PER_SUB)], sem_s[0])
        pltpu.async_copy(h_hbm.at[pl.ds(row0, ROWS_PER_SUB)],
                         h_s.at[pl.ds(row0, ROWS_PER_SUB)], sem_s[1])
        pltpu.async_copy(src_hbm.at[s], src_v.at[pl.ds(0, n)], sem_g[0])
        pltpu.async_copy(dst_hbm.at[s], dst_v.at[pl.ds(0, n)], sem_g[1])
        pltpu.make_async_copy(z_hbm, acc.at[pl.ds(row0, ROWS_PER_SUB)],
                              sem_s[0]).wait()
        pltpu.make_async_copy(h_hbm.at[pl.ds(row0, ROWS_PER_SUB)],
                              h_s.at[pl.ds(row0, ROWS_PER_SUB)],
                              sem_s[1]).wait()
        pltpu.make_async_copy(src_hbm.at[s], src_v.at[pl.ds(0, n)],
                              sem_g[0]).wait()
        pltpu.make_async_copy(dst_hbm.at[s], dst_v.at[pl.ds(0, n)],
                              sem_g[1]).wait()
        plsc.subcore_barrier()

        pltpu.async_copy(h_s.at[src_v.at[0]], rows_v.at[0], sem_g[0])
        pltpu.async_copy(h_s.at[src_v.at[1]], rows_v.at[1], sem_g[1])

        def body(j, _):
            buf = lax.rem(j, 3)

            def step(cur, nn):
                pltpu.make_async_copy(h_s.at[src_v.at[j]],
                                      rows_v.at[cur], sem_g[cur]).wait()
                pltpu.async_copy(rows_v.at[cur], acc.at[dst_v.at[j]],
                                 sem_s[cur], add=True)

                @pl.when(j >= 1)
                def _():
                    pltpu.make_async_copy(rows_v.at[nn],
                                          acc.at[dst_v.at[0]],
                                          sem_s[nn]).wait()

                @pl.when(j + 2 < n)
                def _():
                    pltpu.async_copy(h_s.at[src_v.at[j + 2]],
                                     rows_v.at[nn], sem_g[nn])

            for k in range(3):
                @pl.when(buf == k)
                def _(k=k):
                    step(k, (k + 2) % 3)

            return 0

        lax.fori_loop(0, n, body, 0)
        pltpu.make_async_copy(rows_v.at[(n - 1) % 3], acc.at[dst_v.at[0]],
                              sem_s[(n - 1) % 3]).wait()

    @pl.when(c == 0)
    def _():
        run(srca_hbm, dsta_hbm, NA)

    @pl.when(c == 1)
    def _():
        run(srcb_hbm, dstb_hbm, NB)

    plsc.subcore_barrier()
    pltpu.sync_copy(acc.at[pl.ds(row0, ROWS_PER_SUB)],
                    out_hbm.at[c, pl.ds(row0, ROWS_PER_SUB)])


def _mm1_body(x_ref, w_ref, o_ref):
    o_ref[...] = jnp.dot(x_ref[...], w_ref[...],
                         preferred_element_type=jnp.float32)


def _mid_body(p_ref, b_ref, w_ref, o_ref):
    i = pl.program_id(0)
    h = p_ref[0] + p_ref[1] + b_ref[...]
    h = jnp.maximum(h, 0.0)
    rows = i * BLK + lax.broadcasted_iota(jnp.int32, (BLK, 1), 0)
    h = jnp.where(rows < N_NODES, h, 0.0)
    o_ref[...] = jnp.dot(h, w_ref[...], preferred_element_type=jnp.float32)


def _out_body(p_ref, b_ref, o_ref):
    z = p_ref[0] + p_ref[1] + b_ref[...]
    m = jnp.max(z, axis=-1, keepdims=True)
    e = jnp.exp(z - m)
    o_ref[...] = (z - m) - jnp.log(jnp.sum(e, axis=-1, keepdims=True))


def kernel(x, edge_index, W1, b1, W2, b2):
    x_pad = jnp.pad(x, ((0, NPAD - N_NODES), (0, 0)))
    ei = edge_index.astype(jnp.int32)
    src = jnp.pad(ei[0], (0, EPAD - N_EDGES), constant_values=N_NODES)
    dst = jnp.pad(ei[1], (0, EPAD - N_EDGES), constant_values=0)
    srcc = src.reshape(TOTCH, CHUNK)
    dstc = dst.reshape(TOTCH, CHUNK)
    srcA = srcc[:NS * NA].reshape(NS, NA, CHUNK)
    dstA = dstc[:NS * NA].reshape(NS, NA, CHUNK)
    srcB = srcc[NS * NA:].reshape(NS, NB, CHUNK)
    dstB = dstc[NS * NA:].reshape(NS, NB, CHUNK)
    zblk = jnp.zeros((ROWS_PER_SUB, HID_CH), jnp.float32)

    h1 = pl.pallas_call(
        _mm1_body,
        grid=(8,),
        in_specs=[pl.BlockSpec((BLK, IN_CH), lambda i: (i, 0)),
                  pl.BlockSpec((IN_CH, HID_CH), lambda i: (0, 0))],
        out_specs=pl.BlockSpec((BLK, HID_CH), lambda i: (i, 0)),
        out_shape=jax.ShapeDtypeStruct((NPAD, HID_CH), jnp.float32),
    )(x_pad, W1)

    p1 = _sc_aggregate_fn()(h1, srcA, dstA, srcB, dstB, zblk)

    h2 = pl.pallas_call(
        _mid_body,
        grid=(8,),
        in_specs=[pl.BlockSpec((NC, BLK, HID_CH), lambda i: (0, i, 0)),
                  pl.BlockSpec((1, HID_CH), lambda i: (0, 0)),
                  pl.BlockSpec((HID_CH, OUT_CH), lambda i: (0, 0))],
        out_specs=pl.BlockSpec((BLK, OUT_CH), lambda i: (i, 0)),
        out_shape=jax.ShapeDtypeStruct((NPAD, OUT_CH), jnp.float32),
    )(p1, b1.reshape(1, HID_CH), W2)

    p2 = _sc_aggregate_fn()(h2, srcA, dstA, srcB, dstB, zblk)

    out = pl.pallas_call(
        _out_body,
        grid=(8,),
        in_specs=[pl.BlockSpec((NC, BLK, OUT_CH), lambda i: (0, i, 0)),
                  pl.BlockSpec((1, OUT_CH), lambda i: (0, 0))],
        out_specs=pl.BlockSpec((BLK, OUT_CH), lambda i: (i, 0)),
        out_shape=jax.ShapeDtypeStruct((NPAD, OUT_CH), jnp.float32),
    )(p2, b2.reshape(1, OUT_CH))

    return out[:N_NODES]

# --- scband reference (transcript-rebuilt; emitter-appended) ---
"""Pipeline reference for scband-gcn-30485677867756 (READ-ONLY COPY).

The authoritative reference and input builder live on the scoring server;
editing this copy changes nothing except your own understanding.
"""

import jax, jax.numpy as jnp
import numpy as np

N_NODES = 10000
N_EDGES = 320000
IN_CH = 128
HID_CH = 64
OUT_CH = 64


def _gcn_conv(x, edge_index, W, b):
    # GCNConv with normalize=False: linear transform, then sum-aggregate
    # messages from source nodes onto destination nodes, then add bias.
    h = x @ W
    src = edge_index[0]
    dst = edge_index[1]
    msg = jnp.take(h, src, axis=0)
    out = jax.ops.segment_sum(msg, dst, num_segments=N_NODES)
    return out + b


def setup_inputs(seed: int = 0) -> dict:
    key = jax.random.key(seed)
    k1, k2, k3, k4, k5, k6 = jax.random.split(key, 6)
    x = jax.random.normal(k1, (N_NODES, IN_CH), dtype=jnp.float32)
    edge_index = jax.random.randint(k2, (2, N_EDGES), 0, N_NODES).astype(jnp.int64)
    # Glorot-style init for the two GCNConv weight matrices + zero biases
    W1 = jax.random.normal(k3, (IN_CH, HID_CH), dtype=jnp.float32) * np.sqrt(2.0 / (IN_CH + HID_CH))
    b1 = jnp.zeros((HID_CH,), dtype=jnp.float32)
    W2 = jax.random.normal(k4, (HID_CH, OUT_CH), dtype=jnp.float32) * np.sqrt(2.0 / (HID_CH + OUT_CH))
    b2 = jnp.zeros((OUT_CH,), dtype=jnp.float32)
    return {"x": x, "edge_index": edge_index, "W1": W1, "b1": b1, "W2": W2, "b2": b2}


def reference(x, edge_index, W1, b1, W2, b2):
    # layer 1
    h = _gcn_conv(x, edge_index, W1, b1)
    h = jax.nn.relu(h)
    # dropout is identity at inference (training=False)
    # layer 2 (output layer)
    h = _gcn_conv(h, edge_index, W2, b2)
    return jax.nn.log_softmax(h, axis=-1)

if __name__ == "__main__":
    import jax
    _d = setup_inputs()
    print(jax.jit(kernel)(*tuple(_d.values())))

</pallas_src>

<mosaic_0001>
#map = affine_map<(d0, d1) -> (0, 0)>
#map1 = affine_map<(d0, d1) -> (0, 0, 0)>
module attributes {stable_mosaic.version = 14 : i64} {
  func.func @_sc_aggregate_body(%arg0: i32, %arg1: i32, %arg2: memref<10112x64xf32, #tpu.memory_space<hbm>>, %arg3: memref<16x78x128xi32, #tpu.memory_space<hbm>>, %arg4: memref<16x78x128xi32, #tpu.memory_space<hbm>>, %arg5: memref<16x79x128xi32, #tpu.memory_space<hbm>>, %arg6: memref<16x79x128xi32, #tpu.memory_space<hbm>>, %arg7: memref<632x64xf32, #tpu.memory_space<hbm>>, %arg8: memref<2x10112x64xf32, #tpu.memory_space<hbm>>, %arg9: memref<79x128xi32, #tpu.memory_space<vmem>>, %arg10: memref<79x128xi32, #tpu.memory_space<vmem>>, %arg11: memref<3x128x64xf32, #tpu.memory_space<vmem>>, %arg12: memref<10112x64xf32, #tpu.memory_space<vmem_shared>>, %arg13: memref<10112x64xf32, #tpu.memory_space<vmem_shared>>, %arg14: memref<!tpu.dma_semaphore, #tpu.memory_space<semaphore_mem>>, %arg15: memref<!tpu.dma_semaphore, #tpu.memory_space<semaphore_mem>>, %arg16: memref<!tpu.dma_semaphore, #tpu.memory_space<semaphore_mem>>, %arg17: memref<!tpu.dma_semaphore, #tpu.memory_space<semaphore_mem>>, %arg18: memref<!tpu.dma_semaphore, #tpu.memory_space<semaphore_mem>>, %arg19: memref<!tpu.dma_semaphore, #tpu.memory_space<semaphore_mem>>) attributes {dimension_semantics = [#tpu.dimension_semantics<core_parallel>, #tpu.dimension_semantics<subcore_parallel>], iteration_bounds = array<i64: 2, 16>, scalar_prefetch = 0 : i64, scratch_operands = 11 : i64, tpu.core_type = #tpu.core_type<sc_vector_subcore>, window_params = [{transform_indices = #map}, {transform_indices = #map1}, {transform_indices = #map1}, {transform_indices = #map1}, {transform_indices = #map1}, {transform_indices = #map}, {transform_indices = #map1}]} {
    %mul3A = arith.constant 632 : i32
    %mul3A_0 = arith.muli %arg1, %mul3A : i32
    %eq3A = arith.constant 0 : i32
    %eq3A_1 = arith.cmpi eq, %arg0, %eq3A : i32
    %convert_element_type3A = arith.extui %eq3A_1 : i1 to i32
    %cond3A = arith.constant 0 : i32
    %cond3A_2 = arith.cmpi ne, %convert_element_type3A, %cond3A : i32
    scf.if %cond3A_2 {
      %dma_start3A = arith.constant 0 : i32
      %dma_start3A_8 = tpu.memref_slice %arg12[%mul3A_0, %dma_start3A] : memref<10112x64xf32, #tpu.memory_space<vmem_shared>> -> memref<632x64xf32, #tpu.memory_space<vmem_shared>>
      tpu.enqueue_dma source(%arg7 : memref<632x64xf32, #tpu.memory_space<hbm>>) target(%dma_start3A_8 : memref<632x64xf32, #tpu.memory_space<vmem_shared>>) target_semaphore(%arg17 : memref<!tpu.dma_semaphore, #tpu.memory_space<semaphore_mem>>)
      %dma_start3A_9 = arith.constant 0 : i32
      %dma_start3A_10 = tpu.memref_slice %arg13[%mul3A_0, %dma_start3A_9] : memref<10112x64xf32, #tpu.memory_space<vmem_shared>> -> memref<632x64xf32, #tpu.memory_space<vmem_shared>>
      %dma_start3A_11 = arith.constant 0 : i32
      %dma_start3A_12 = tpu.memref_slice %arg2[%mul3A_0, %dma_start3A_11] : memref<10112x64xf32, #tpu.memory_space<hbm>> -> memref<632x64xf32, #tpu.memory_space<hbm>>
      tpu.enqueue_dma source(%dma_start3A_12 : memref<632x64xf32, #tpu.memory_space<hbm>>) target(%dma_start3A_10 : memref<632x64xf32, #tpu.memory_space<vmem_shared>>) target_semaphore(%arg18 : memref<!tpu.dma_semaphore, #tpu.memory_space<semaphore_mem>>)
      %dma_start3A_13 = arith.constant 0 : i32
      %dma_start3A_14 = arith.constant 0 : i32
      %dma_start3A_15 = tpu.memref_slice %arg9[%dma_start3A_13, %dma_start3A_14] : memref<79x128xi32, #tpu.memory_space<vmem>> -> memref<78x128xi32, #tpu.memory_space<vmem>>
      %dma_start3A_16 = arith.constant 0 : i32
      %dma_start3A_17 = arith.constant 0 : i32
      %dma_start3A_18 = tpu.memref_slice %arg3[%arg1, %dma_start3A_16, %dma_start3A_17] : memref<16x78x128xi32, #tpu.memory_space<hbm>> -> memref<1x78x128xi32, #tpu.memory_space<hbm>>
      %dma_start3A_19 = tpu.memref_squeeze %dma_start3A_18 : memref<1x78x128xi32, #tpu.memory_space<hbm>> -> memref<78x128xi32, #tpu.memory_space<hbm>>
      %dma_start3A_20 = arith.constant 0 : i32
      %dma_start3A_21 = arith.constant 0 : i32
      %dma_start3A_22 = tpu.memref_slice %arg9[%dma_start3A_20, %dma_start3A_21] : memref<79x128xi32, #tpu.memory_space<vmem>> -> memref<78x128xi32, #tpu.memory_space<vmem>>
      %dma_start3A_23 = arith.constant 0 : i32
      %dma_start3A_24 = arith.constant 0 : i32
      %dma_start3A_25 = tpu.memref_slice %arg3[%arg1, %dma_start3A_23, %dma_start3A_24] : memref<16x78x128xi32, #tpu.memory_space<hbm>> -> memref<1x78x128xi32, #tpu.memory_space<hbm>>
      %dma_start3A_26 = tpu.memref_squeeze %dma_start3A_25 : memref<1x78x128xi32, #tpu.memory_space<hbm>> -> memref<78x128xi32, #tpu.memory_space<hbm>>
      tpu.enqueue_dma source(%dma_start3A_26 : memref<78x128xi32, #tpu.memory_space<hbm>>) target(%dma_start3A_22 : memref<78x128xi32, #tpu.memory_space<vmem>>) target_semaphore(%arg14 : memref<!tpu.dma_semaphore, #tpu.memory_space<semaphore_mem>>)
      %dma_start3A_27 = arith.constant 0 : i32
      %dma_start3A_28 = arith.constant 0 : i32
      %dma_start3A_29 = tpu.memref_slice %arg10[%dma_start3A_27, %dma_start3A_28] : memref<79x128xi32, #tpu.memory_space<vmem>> -> memref<78x128xi32, #tpu.memory_space<vmem>>
      %dma_start3A_30 = arith.constant 0 : i32
      %dma_start3A_31 = arith.constant 0 : i32
      %dma_start3A_32 = tpu.memref_slice %arg4[%arg1, %dma_start3A_30, %dma_start3A_31] : memref<16x78x128xi32, #tpu.memory_space<hbm>> -> memref<1x78x128xi32, #tpu.memory_space<hbm>>
      %dma_start3A_33 = tpu.memref_squeeze %dma_start3A_32 : memref<1x78x128xi32, #tpu.memory_space<hbm>> -> memref<78x128xi32, #tpu.memory_space<hbm>>
      %dma_start3A_34 = arith.constant 0 : i32
      %dma_start3A_35 = arith.constant 0 : i32
      %dma_start3A_36 = tpu.memref_slice %arg10[%dma_start3A_34, %dma_start3A_35] : memref<79x128xi32, #tpu.memory_space<vmem>> -> memref<78x128xi32, #tpu.memory_space<vmem>>
      %dma_start3A_37 = arith.constant 0 : i32
      %dma_start3A_38 = arith.constant 0 : i32
      %dma_start3A_39 = tpu.memref_slice %arg4[%arg1, %dma_start3A_37, %dma_start3A_38] : memref<16x78x128xi32, #tpu.memory_space<hbm>> -> memref<1x78x128xi32, #tpu.memory_space<hbm>>
      %dma_start3A_40 = tpu.memref_squeeze %dma_start3A_39 : memref<1x78x128xi32, #tpu.memory_space<hbm>> -> memref<78x128xi32, #tpu.memory_space<hbm>>
      tpu.enqueue_dma source(%dma_start3A_40 : memref<78x128xi32, #tpu.memory_space<hbm>>) target(%dma_start3A_36 : memref<78x128xi32, #tpu.memory_space<vmem>>) target_semaphore(%arg15 : memref<!tpu.dma_semaphore, #tpu.memory_space<semaphore_mem>>)
      %dma_wait3A = arith.constant 0 : i32
      %dma_wait3A_41 = tpu.memref_slice %arg12[%mul3A_0, %dma_wait3A] : memref<10112x64xf32, #tpu.memory_space<vmem_shared>> -> memref<632x64xf32, #tpu.memory_space<vmem_shared>>
      tpu.wait_dma2 semaphore(%arg17 : memref<!tpu.dma_semaphore, #tpu.memory_space<semaphore_mem>>) src(%arg7 : memref<632x64xf32, #tpu.memory_space<hbm>>) dst(%dma_wait3A_41 : memref<632x64xf32, #tpu.memory_space<vmem_shared>>)
      %dma_wait3A_42 = arith.constant 0 : i32
      %dma_wait3A_43 = tpu.memref_slice %arg13[%mul3A_0, %dma_wait3A_42] : memref<10112x64xf32, #tpu.memory_space<vmem_shared>> -> memref<632x64xf32, #tpu.memory_space<vmem_shared>>
      %dma_wait3A_44 = arith.constant 0 : i32
      %dma_wait3A_45 = tpu.memref_slice %arg2[%mul3A_0, %dma_wait3A_44] : memref<10112x64xf32, #tpu.memory_space<hbm>> -> memref<632x64xf32, #tpu.memory_space<hbm>>
      tpu.wait_dma2 semaphore(%arg18 : memref<!tpu.dma_semaphore, #tpu.memory_space<semaphore_mem>>) src(%dma_wait3A_45 : memref<632x64xf32, #tpu.memory_space<hbm>>) dst(%dma_wait3A_43 : memref<632x64xf32, #tpu.memory_space<vmem_shared>>)
      %dma_wait3A_46 = arith.constant 0 : i32
      %dma_wait3A_47 = arith.constant 0 : i32
      %dma_wait3A_48 = tpu.memref_slice %arg9[%dma_wait3A_46, %dma_wait3A_47] : memref<79x128xi32, #tpu.memory_space<vmem>> -> memref<78x128xi32, #tpu.memory_space<vmem>>
      %dma_wait3A_49 = arith.constant 0 : i32
      %dma_wait3A_50 = arith.constant 0 : i32
      %dma_wait3A_51 = tpu.memref_slice %arg3[%arg1, %dma_wait3A_49, %dma_wait3A_50] : memref<16x78x128xi32, #tpu.memory_space<hbm>> -> memref<1x78x128xi32, #tpu.memory_space<hbm>>
      %dma_wait3A_52 = tpu.memref_squeeze %dma_wait3A_51 : memref<1x78x128xi32, #tpu.memory_space<hbm>> -> memref<78x128xi32, #tpu.memory_space<hbm>>
      %dma_wait3A_53 = arith.constant 0 : i32
      %dma_wait3A_54 = arith.constant 0 : i32
      %dma_wait3A_55 = tpu.memref_slice %arg9[%dma_wait3A_53, %dma_wait3A_54] : memref<79x128xi32, #tpu.memory_space<vmem>> -> memref<78x128xi32, #tpu.memory_space<vmem>>
      %dma_wait3A_56 = arith.constant 0 : i32
      %dma_wait3A_57 = arith.constant 0 : i32
      %dma_wait3A_58 = tpu.memref_slice %arg3[%arg1, %dma_wait3A_56, %dma_wait3A_57] : memref<16x78x128xi32, #tpu.memory_space<hbm>> -> memref<1x78x128xi32, #tpu.memory_space<hbm>>
      %dma_wait3A_59 = tpu.memref_squeeze %dma_wait3A_58 : memref<1x78x128xi32, #tpu.memory_space<hbm>> -> memref<78x128xi32, #tpu.memory_space<hbm>>
      tpu.wait_dma2 semaphore(%arg14 : memref<!tpu.dma_semaphore, #tpu.memory_space<semaphore_mem>>) src(%dma_wait3A_59 : memref<78x128xi32, #tpu.memory_space<hbm>>) dst(%dma_wait3A_55 : memref<78x128xi32, #tpu.memory_space<vmem>>)
      %dma_wait3A_60 = arith.constant 0 : i32
      %dma_wait3A_61 = arith.constant 0 : i32
      %dma_wait3A_62 = tpu.memref_slice %arg10[%dma_wait3A_60, %dma_wait3A_61] : memref<79x128xi32, #tpu.memory_space<vmem>> -> memref<78x128xi32, #tpu.memory_space<vmem>>
      %dma_wait3A_63 = arith.constant 0 : i32
      %dma_wait3A_64 = arith.constant 0 : i32
      %dma_wait3A_65 = tpu.memref_slice %arg4[%arg1, %dma_wait3A_63, %dma_wait3A_64] : memref<16x78x128xi32, #tpu.memory_space<hbm>> -> memref<1x78x128xi32, #tpu.memory_space<hbm>>
      %dma_wait3A_66 = tpu.memref_squeeze %dma_wait3A_65 : memref<1x78x128xi32, #tpu.memory_space<hbm>> -> memref<78x128xi32, #tpu.memory_space<hbm>>
      %dma_wait3A_67 = arith.constant 0 : i32
      %dma_wait3A_68 = arith.constant 0 : i32
      %dma_wait3A_69 = tpu.memref_slice %arg10[%dma_wait3A_67, %dma_wait3A_68] : memref<79x128xi32, #tpu.memory_space<vmem>> -> memref<78x128xi32, #tpu.memory_space<vmem>>
      %dma_wait3A_70 = arith.constant 0 : i32
      %dma_wait3A_71 = arith.constant 0 : i32
      %dma_wait3A_72 = tpu.memref_slice %arg4[%arg1, %dma_wait3A_70, %dma_wait3A_71] : memref<16x78x128xi32, #tpu.memory_space<hbm>> -> memref<1x78x128xi32, #tpu.memory_space<hbm>>
      %dma_wait3A_73 = tpu.memref_squeeze %dma_wait3A_72 : memref<1x78x128xi32, #tpu.memory_space<hbm>> -> memref<78x128xi32, #tpu.memory_space<hbm>>
      tpu.wait_dma2 semaphore(%arg15 : memref<!tpu.dma_semaphore, #tpu.memory_space<semaphore_mem>>) src(%dma_wait3A_73 : memref<78x128xi32, #tpu.memory_space<hbm>>) dst(%dma_wait3A_69 : memref<78x128xi32, #tpu.memory_space<vmem>>)
      %barrier3A_74 = arith.constant 0 : index
      tpu.barrier barrier_id(%barrier3A_74)
      %dma_start3A_75 = arith.constant 0 : i32
      %dma_start3A_76 = arith.constant 0 : i32
      %dma_start3A_77 = arith.constant 0 : i32
      %dma_start3A_78 = arith.constant 0 : i32
      %dma_start3A_79 = tpu.memref_slice %arg11[%dma_start3A_76, %dma_start3A_77, %dma_start3A_78] : memref<3x128x64xf32, #tpu.memory_space<vmem>> -> memref<1x128x64xf32, #tpu.memory_space<vmem>>
      %dma_start3A_80 = tpu.memref_squeeze %dma_start3A_79 : memref<1x128x64xf32, #tpu.memory_space<vmem>> -> memref<128x64xf32, #tpu.memory_space<vmem>>
      %dma_start3A_81 = arith.constant 0 : i32
      %dma_start3A_82 = tpu.memref_slice %arg9[%dma_start3A_75, %dma_start3A_81] : memref<79x128xi32, #tpu.memory_space<vmem>> -> memref<1x128xi32, #tpu.memory_space<vmem>>
      %dma_start3A_83 = tpu.memref_squeeze %dma_start3A_82 : memref<1x128xi32, #tpu.memory_space<vmem>> -> memref<128xi32, #tpu.memory_space<vmem>>
      %dma_start3A_84 = arith.constant 0 : i32
      %dma_start3A_85 = arith.constant 0 : i32
      %dma_start3A_86 = tpu.memref_slice %arg13[%dma_start3A_84, %dma_start3A_85] : memref<10112x64xf32, #tpu.memory_space<vmem_shared>> -> memref<10112x64xf32, #tpu.memory_space<vmem_shared>>
      tpu.enqueue_indirect_dma source(%dma_start3A_86 : memref<10112x64xf32, #tpu.memory_space<vmem_shared>>) target(%dma_start3A_80 : memref<128x64xf32, #tpu.memory_space<vmem>>) offsets(%dma_start3A_83 : memref<128xi32, #tpu.memory_space<vmem>>) semaphore(%arg14 : memref<!tpu.dma_semaphore, #tpu.memory_space<semaphore_mem>>)
      %dma_start3A_87 = arith.constant 1 : i32
      %dma_start3A_88 = arith.constant 1 : i32
      %dma_start3A_89 = arith.constant 0 : i32
      %dma_start3A_90 = arith.constant 0 : i32
      %dma_start3A_91 = tpu.memref_slice %arg11[%dma_start3A_88, %dma_start3A_89, %dma_start3A_90] : memref<3x128x64xf32, #tpu.memory_space<vmem>> -> memref<1x128x64xf32, #tpu.memory_space<vmem>>
      %dma_start3A_92 = tpu.memref_squeeze %dma_start3A_91 : memref<1x128x64xf32, #tpu.memory_space<vmem>> -> memref<128x64xf32, #tpu.memory_space<vmem>>
      %dma_start3A_93 = arith.constant 0 : i32
      %dma_start3A_94 = tpu.memref_slice %arg9[%dma_start3A_87, %dma_start3A_93] : memref<79x128xi32, #tpu.memory_space<vmem>> -> memref<1x128xi32, #tpu.memory_space<vmem>>
      %dma_start3A_95 = tpu.memref_squeeze %dma_start3A_94 : memref<1x128xi32, #tpu.memory_space<vmem>> -> memref<128xi32, #tpu.memory_space<vmem>>
      %dma_start3A_96 = arith.constant 0 : i32
      %dma_start3A_97 = arith.constant 0 : i32
      %dma_start3A_98 = tpu.memref_slice %arg13[%dma_start3A_96, %dma_start3A_97] : memref<10112x64xf32, #tpu.memory_space<vmem_shared>> -> memref<10112x64xf32, #tpu.memory_space<vmem_shared>>
      tpu.enqueue_indirect_dma source(%dma_start3A_98 : memref<10112x64xf32, #tpu.memory_space<vmem_shared>>) target(%dma_start3A_92 : memref<128x64xf32, #tpu.memory_space<vmem>>) offsets(%dma_start3A_95 : memref<128xi32, #tpu.memory_space<vmem>>) semaphore(%arg15 : memref<!tpu.dma_semaphore, #tpu.memory_space<semaphore_mem>>)
      %scan3A = arith.constant 0 : i32
      %scan3A_99 = arith.constant 0 : i32
      %scan3A_100 = arith.constant 78 : i32
      %scan3A_101 = arith.addi %scan3A_99, %scan3A_100 : i32
      %scan3A_102 = arith.constant 1 : i32
      %scan3A_103 = scf.for %scan3A_117 = %scan3A_99 to %scan3A_101 step %scan3A_102 iter_args(%scan3A_118 = %scan3A) -> (i32)  : i32 {
        %rem3A = arith.constant 3 : i32
        %rem3A_119 = arith.remsi %scan3A_117, %rem3A : i32
        %eq3A_120 = arith.constant 0 : i32
        %eq3A_121 = arith.cmpi eq, %rem3A_119, %eq3A_120 : i32
        %convert_element_type3A_122 = arith.extui %eq3A_121 : i1 to i32
        %cond3A_123 = arith.constant 0 : i32
        %cond3A_124 = arith.cmpi ne, %convert_element_type3A_122, %cond3A_123 : i32
        scf.if %cond3A_124 {
          %dma_wait3A_136 = arith.constant 0 : i32
          %dma_wait3A_137 = arith.constant 0 : i32
          %dma_wait3A_138 = arith.constant 0 : i32
          %dma_wait3A_139 = tpu.memref_slice %arg11[%dma_wait3A_136, %dma_wait3A_137, %dma_wait3A_138] : memref<3x128x64xf32, #tpu.memory_space<vmem>> -> memref<1x128x64xf32, #tpu.memory_space<vmem>>
          %dma_wait3A_140 = tpu.memref_squeeze %dma_wait3A_139 : memref<1x128x64xf32, #tpu.memory_space<vmem>> -> memref<128x64xf32, #tpu.memory_space<vmem>>
          %dma_wait3A_141 = arith.constant 0 : i32
          %dma_wait3A_142 = tpu.memref_slice %arg9[%scan3A_117, %dma_wait3A_141] : memref<79x128xi32, #tpu.memory_space<vmem>> -> memref<1x128xi32, #tpu.memory_space<vmem>>
          %dma_wait3A_143 = tpu.memref_squeeze %dma_wait3A_142 : memref<1x128xi32, #tpu.memory_space<vmem>> -> memref<128xi32, #tpu.memory_space<vmem>>
          %dma_wait3A_144 = arith.constant 0 : i32
          %dma_wait3A_145 = arith.constant 0 : i32
          %dma_wait3A_146 = tpu.memref_slice %arg13[%dma_wait3A_144, %dma_wait3A_145] : memref<10112x64xf32, #tpu.memory_space<vmem_shared>> -> memref<10112x64xf32, #tpu.memory_space<vmem_shared>>
          tpu.wait_indirect_dma semaphore(%arg14 : memref<!tpu.dma_semaphore, #tpu.memory_space<semaphore_mem>>) src(%dma_wait3A_146 : memref<10112x64xf32, #tpu.memory_space<vmem_shared>>) dst(%dma_wait3A_140 : memref<128x64xf32, #tpu.memory_space<vmem>>)
          %dma_start3A_147 = arith.constant 0 : i32
          %dma_start3A_148 = arith.constant 0 : i32
          %dma_start3A_149 = arith.constant 0 : i32
          %dma_start3A_150 = tpu.memref_slice %arg11[%dma_start3A_147, %dma_start3A_148, %dma_start3A_149] : memref<3x128x64xf32, #tpu.memory_space<vmem>> -> memref<1x128x64xf32, #tpu.memory_space<vmem>>
          %dma_start3A_151 = tpu.memref_squeeze %dma_start3A_150 : memref<1x128x64xf32, #tpu.memory_space<vmem>> -> memref<128x64xf32, #tpu.memory_space<vmem>>
          %dma_start3A_152 = arith.constant 0 : i32
          %dma_start3A_153 = tpu.memref_slice %arg10[%scan3A_117, %dma_start3A_152] : memref<79x128xi32, #tpu.memory_space<vmem>> -> memref<1x128xi32, #tpu.memory_space<vmem>>
          %dma_start3A_154 = tpu.memref_squeeze %dma_start3A_153 : memref<1x128xi32, #tpu.memory_space<vmem>> -> memref<128xi32, #tpu.memory_space<vmem>>
          %dma_start3A_155 = arith.constant 0 : i32
          %dma_start3A_156 = arith.constant 0 : i32
          %dma_start3A_157 = tpu.memref_slice %arg12[%dma_start3A_155, %dma_start3A_156] : memref<10112x64xf32, #tpu.memory_space<vmem_shared>> -> memref<10112x64xf32, #tpu.memory_space<vmem_shared>>
          tpu.enqueue_indirect_dma source(%dma_start3A_151 : memref<128x64xf32, #tpu.memory_space<vmem>>) target(%dma_start3A_157 : memref<10112x64xf32, #tpu.memory_space<vmem_shared>>) offsets(%dma_start3A_154 : memref<128xi32, #tpu.memory_space<vmem>>) semaphore(%arg17 : memref<!tpu.dma_semaphore, #tpu.memory_space<semaphore_mem>>) {add = true}
          %ge3A = arith.constant 1 : i32
          %ge3A_158 = arith.cmpi sge, %scan3A_117, %ge3A : i32
          %convert_element_type3A_159 = arith.extui %ge3A_158 : i1 to i32
          %cond3A_160 = arith.constant 0 : i32
          %cond3A_161 = arith.cmpi ne, %convert_element_type3A_159, %cond3A_160 : i32
          scf.if %cond3A_161 {
            %dma_wait3A_167 = arith.constant 2 : i32
            %dma_wait3A_168 = arith.constant 0 : i32
            %dma_wait3A_169 = arith.constant 0 : i32
            %dma_wait3A_170 = arith.constant 0 : i32
            %dma_wait3A_171 = tpu.memref_slice %arg11[%dma_wait3A_167, %dma_wait3A_169, %dma_wait3A_170] : memref<3x128x64xf32, #tpu.memory_space<vmem>> -> memref<1x128x64xf32, #tpu.memory_space<vmem>>
            %dma_wait3A_172 = tpu.memref_squeeze %dma_wait3A_171 : memref<1x128x64xf32, #tpu.memory_space<vmem>> -> memref<128x64xf32, #tpu.memory_space<vmem>>
            %dma_wait3A_173 = arith.constant 0 : i32
            %dma_wait3A_174 = tpu.memref_slice %arg10[%dma_wait3A_168, %dma_wait3A_173] : memref<79x128xi32, #tpu.memory_space<vmem>> -> memref<1x128xi32, #tpu.memory_space<vmem>>
            %dma_wait3A_175 = tpu.memref_squeeze %dma_wait3A_174 : memref<1x128xi32, #tpu.memory_space<vmem>> -> memref<128xi32, #tpu.memory_space<vmem>>
            %dma_wait3A_176 = arith.constant 0 : i32
            %dma_wait3A_177 = arith.constant 0 : i32
            %dma_wait3A_178 = tpu.memref_slice %arg12[%dma_wait3A_176, %dma_wait3A_177] : memref<10112x64xf32, #tpu.memory_space<vmem_shared>> -> memref<10112x64xf32, #tpu.memory_space<vmem_shared>>
            tpu.wait_indirect_dma semaphore(%arg19 : memref<!tpu.dma_semaphore, #tpu.memory_space<semaphore_mem>>) src(%dma_wait3A_172 : memref<128x64xf32, #tpu.memory_space<vmem>>) dst(%dma_wait3A_178 : memref<10112x64xf32, #tpu.memory_space<vmem_shared>>)
          } else {
          }
          %add3A = arith.constant 2 : i32
          %add3A_162 = arith.addi %scan3A_117, %add3A : i32
          %lt3A = arith.constant 78 : i32
          %lt3A_163 = arith.cmpi slt, %add3A_162, %lt3A : i32
          %convert_element_type3A_164 = arith.extui %lt3A_163 : i1 to i32
          %cond3A_165 = arith.constant 0 : i32
          %cond3A_166 = arith.cmpi ne, %convert_element_type3A_164, %cond3A_165 : i32
          scf.if %cond3A_166 {
            %add3A_167 = arith.constant 2 : i32
            %add3A_168 = arith.addi %scan3A_117, %add3A_167 : i32
            %dma_start3A_169 = arith.constant 2 : i32
            %dma_start3A_170 = arith.constant 0 : i32
            %dma_start3A_171 = arith.constant 0 : i32
            %dma_start3A_172 = tpu.memref_slice %arg11[%dma_start3A_169, %dma_start3A_170, %dma_start3A_171] : memref<3x128x64xf32, #tpu.memory_space<vmem>> -> memref<1x128x64xf32, #tpu.memory_space<vmem>>
            %dma_start3A_173 = tpu.memref_squeeze %dma_start3A_172 : memref<1x128x64xf32, #tpu.memory_space<vmem>> -> memref<128x64xf32, #tpu.memory_space<vmem>>
            %dma_start3A_174 = arith.constant 0 : i32
            %dma_start3A_175 = tpu.memref_slice %arg9[%add3A_168, %dma_start3A_174] : memref<79x128xi32, #tpu.memory_space<vmem>> -> memref<1x128xi32, #tpu.memory_space<vmem>>
            %dma_start3A_176 = tpu.memref_squeeze %dma_start3A_175 : memref<1x128xi32, #tpu.memory_space<vmem>> -> memref<128xi32, #tpu.memory_space<vmem>>
            %dma_start3A_177 = arith.constant 0 : i32
            %dma_start3A_178 = arith.constant 0 : i32
            %dma_start3A_179 = tpu.memref_slice %arg13[%dma_start3A_177, %dma_start3A_178] : memref<10112x64xf32, #tpu.memory_space<vmem_shared>> -> memref<10112x64xf32, #tpu.memory_space<vmem_shared>>
            tpu.enqueue_indirect_dma source(%dma_start3A_179 : memref<10112x64xf32, #tpu.memory_space<vmem_shared>>) target(%dma_start3A_173 : memref<128x64xf32, #tpu.memory_space<vmem>>) offsets(%dma_start3A_176 : memref<128xi32, #tpu.memory_space<vmem>>) semaphore(%arg16 : memref<!tpu.dma_semaphore, #tpu.memory_space<semaphore_mem>>)
          } else {
          }
        } else {
        }
        %eq3A_125 = arith.constant 1 : i32
        %eq3A_126 = arith.cmpi eq, %rem3A_119, %eq3A_125 : i32
        %convert_element_type3A_127 = arith.extui %eq3A_126 : i1 to i32
        %cond3A_128 = arith.constant 0 : i32
        %cond3A_129 = arith.cmpi ne, %convert_element_type3A_127, %cond3A_128 : i32
        scf.if %cond3A_129 {
          %dma_wait3A_136 = arith.constant 1 : i32
          %dma_wait3A_137 = arith.constant 0 : i32
          %dma_wait3A_138 = arith.constant 0 : i32
          %dma_wait3A_139 = tpu.memref_slice %arg11[%dma_wait3A_136, %dma_wait3A_137, %dma_wait3A_138] : memref<3x128x64xf32, #tpu.memory_space<vmem>> -> memref<1x128x64xf32, #tpu.memory_space<vmem>>
          %dma_wait3A_140 = tpu.memref_squeeze %dma_wait3A_139 : memref<1x128x64xf32, #tpu.memory_space<vmem>> -> memref<128x64xf32, #tpu.memory_space<vmem>>
          %dma_wait3A_141 = arith.constant 0 : i32
          %dma_wait3A_142 = tpu.memref_slice %arg9[%scan3A_117, %dma_wait3A_141] : memref<79x128xi32, #tpu.memory_space<vmem>> -> memref<1x128xi32, #tpu.memory_space<vmem>>
          %dma_wait3A_143 = tpu.memref_squeeze %dma_wait3A_142 : memref<1x128xi32, #tpu.memory_space<vmem>> -> memref<128xi32, #tpu.memory_space<vmem>>
          %dma_wait3A_144 = arith.constant 0 : i32
          %dma_wait3A_145 = arith.constant 0 : i32
          %dma_wait3A_146 = tpu.memref_slice %arg13[%dma_wait3A_144, %dma_wait3A_145] : memref<10112x64xf32, #tpu.memory_space<vmem_shared>> -> memref<10112x64xf32, #tpu.memory_space<vmem_shared>>
          tpu.wait_indirect_dma semaphore(%arg15 : memref<!tpu.dma_semaphore, #tpu.memory_space<semaphore_mem>>) src(%dma_wait3A_146 : memref<10112x64xf32, #tpu.memory_space<vmem_shared>>) dst(%dma_wait3A_140 : memref<128x64xf32, #tpu.memory_space<vmem>>)
          %dma_start3A_147 = arith.constant 1 : i32
          %dma_start3A_148 = arith.constant 0 : i32
          %dma_start3A_149 = arith.constant 0 : i32
          %dma_start3A_150 = tpu.memref_slice %arg11[%dma_start3A_147, %dma_start3A_148, %dma_start3A_149] : memref<3x128x64xf32, #tpu.memory_space<vmem>> -> memref<1x128x64xf32, #tpu.memory_space<vmem>>
          %dma_start3A_151 = tpu.memref_squeeze %dma_start3A_150 : memref<1x128x64xf32, #tpu.memory_space<vmem>> -> memref<128x64xf32, #tpu.memory_space<vmem>>
          %dma_start3A_152 = arith.constant 0 : i32
          %dma_start3A_153 = tpu.memref_slice %arg10[%scan3A_117, %dma_start3A_152] : memref<79x128xi32, #tpu.memory_space<vmem>> -> memref<1x128xi32, #tpu.memory_space<vmem>>
          %dma_start3A_154 = tpu.memref_squeeze %dma_start3A_153 : memref<1x128xi32, #tpu.memory_space<vmem>> -> memref<128xi32, #tpu.memory_space<vmem>>
          %dma_start3A_155 = arith.constant 0 : i32
          %dma_start3A_156 = arith.constant 0 : i32
          %dma_start3A_157 = tpu.memref_slice %arg12[%dma_start3A_155, %dma_start3A_156] : memref<10112x64xf32, #tpu.memory_space<vmem_shared>> -> memref<10112x64xf32, #tpu.memory_space<vmem_shared>>
          tpu.enqueue_indirect_dma source(%dma_start3A_151 : memref<128x64xf32, #tpu.memory_space<vmem>>) target(%dma_start3A_157 : memref<10112x64xf32, #tpu.memory_space<vmem_shared>>) offsets(%dma_start3A_154 : memref<128xi32, #tpu.memory_space<vmem>>) semaphore(%arg18 : memref<!tpu.dma_semaphore, #tpu.memory_space<semaphore_mem>>) {add = true}
          %ge3A = arith.constant 1 : i32
          %ge3A_158 = arith.cmpi sge, %scan3A_117, %ge3A : i32
          %convert_element_type3A_159 = arith.extui %ge3A_158 : i1 to i32
          %cond3A_160 = arith.constant 0 : i32
          %cond3A_161 = arith.cmpi ne, %convert_element_type3A_159, %cond3A_160 : i32
          scf.if %cond3A_161 {
            %dma_wait3A_167 = arith.constant 0 : i32
            %dma_wait3A_168 = arith.constant 0 : i32
            %dma_wait3A_169 = arith.constant 0 : i32
            %dma_wait3A_170 = arith.constant 0 : i32
            %dma_wait3A_171 = tpu.memref_slice %arg11[%dma_wait3A_167, %dma_wait3A_169, %dma_wait3A_170] : memref<3x128x64xf32, #tpu.memory_space<vmem>> -> memref<1x128x64xf32, #tpu.memory_space<vmem>>
            %dma_wait3A_172 = tpu.memref_squeeze %dma_wait3A_171 : memref<1x128x64xf32, #tpu.memory_space<vmem>> -> memref<128x64xf32, #tpu.memory_space<vmem>>
            %dma_wait3A_173 = arith.constant 0 : i32
            %dma_wait3A_174 = tpu.memref_slice %arg10[%dma_wait3A_168, %dma_wait3A_173] : memref<79x128xi32, #tpu.memory_space<vmem>> -> memref<1x128xi32, #tpu.memory_space<vmem>>
            %dma_wait3A_175 = tpu.memref_squeeze %dma_wait3A_174 : memref<1x128xi32, #tpu.memory_space<vmem>> -> memref<128xi32, #tpu.memory_space<vmem>>
            %dma_wait3A_176 = arith.constant 0 : i32
            %dma_wait3A_177 = arith.constant 0 : i32
            %dma_wait3A_178 = tpu.memref_slice %arg12[%dma_wait3A_176, %dma_wait3A_177] : memref<10112x64xf32, #tpu.memory_space<vmem_shared>> -> memref<10112x64xf32, #tpu.memory_space<vmem_shared>>
            tpu.wait_indirect_dma semaphore(%arg17 : memref<!tpu.dma_semaphore, #tpu.memory_space<semaphore_mem>>) src(%dma_wait3A_172 : memref<128x64xf32, #tpu.memory_space<vmem>>) dst(%dma_wait3A_178 : memref<10112x64xf32, #tpu.memory_space<vmem_shared>>)
          } else {
          }
          %add3A = arith.constant 2 : i32
          %add3A_162 = arith.addi %scan3A_117, %add3A : i32
          %lt3A = arith.constant 78 : i32
          %lt3A_163 = arith.cmpi slt, %add3A_162, %lt3A : i32
          %convert_element_type3A_164 = arith.extui %lt3A_163 : i1 to i32
          %cond3A_165 = arith.constant 0 : i32
          %cond3A_166 = arith.cmpi ne, %convert_element_type3A_164, %cond3A_165 : i32
          scf.if %cond3A_166 {
            %add3A_167 = arith.constant 2 : i32
            %add3A_168 = arith.addi %scan3A_117, %add3A_167 : i32
            %dma_start3A_169 = arith.constant 0 : i32
            %dma_start3A_170 = arith.constant 0 : i32
            %dma_start3A_171 = arith.constant 0 : i32
            %dma_start3A_172 = tpu.memref_slice %arg11[%dma_start3A_169, %dma_start3A_170, %dma_start3A_171] : memref<3x128x64xf32, #tpu.memory_space<vmem>> -> memref<1x128x64xf32, #tpu.memory_space<vmem>>
            %dma_start3A_173 = tpu.memref_squeeze %dma_start3A_172 : memref<1x128x64xf32, #tpu.memory_space<vmem>> -> memref<128x64xf32, #tpu.memory_space<vmem>>
            %dma_start3A_174 = arith.constant 0 : i32
            %dma_start3A_175 = tpu.memref_slice %arg9[%add3A_168, %dma_start3A_174] : memref<79x128xi32, #tpu.memory_space<vmem>> -> memref<1x128xi32, #tpu.memory_space<vmem>>
            %dma_start3A_176 = tpu.memref_squeeze %dma_start3A_175 : memref<1x128xi32, #tpu.memory_space<vmem>> -> memref<128xi32, #tpu.memory_space<vmem>>
            %dma_start3A_177 = arith.constant 0 : i32
            %dma_start3A_178 = arith.constant 0 : i32
            %dma_start3A_179 = tpu.memref_slice %arg13[%dma_start3A_177, %dma_start3A_178] : memref<10112x64xf32, #tpu.memory_space<vmem_shared>> -> memref<10112x64xf32, #tpu.memory_space<vmem_shared>>
            tpu.enqueue_indirect_dma source(%dma_start3A_179 : memref<10112x64xf32, #tpu.memory_space<vmem_shared>>) target(%dma_start3A_173 : memref<128x64xf32, #tpu.memory_space<vmem>>) offsets(%dma_start3A_176 : memref<128xi32, #tpu.memory_space<vmem>>) semaphore(%arg14 : memref<!tpu.dma_semaphore, #tpu.memory_space<semaphore_mem>>)
          } else {
          }
        } else {
        }
        %eq3A_130 = arith.constant 2 : i32
        %eq3A_131 = arith.cmpi eq, %rem3A_119, %eq3A_130 : i32
        %convert_element_type3A_132 = arith.extui %eq3A_131 : i1 to i32
        %cond3A_133 = arith.constant 0 : i32
        %cond3A_134 = arith.cmpi ne, %convert_element_type3A_132, %cond3A_133 : i32
        scf.if %cond3A_134 {
          %dma_wait3A_136 = arith.constant 2 : i32
          %dma_wait3A_137 = arith.constant 0 : i32
          %dma_wait3A_138 = arith.constant 0 : i32
          %dma_wait3A_139 = tpu.memref_slice %arg11[%dma_wait3A_136, %dma_wait3A_137, %dma_wait3A_138] : memref<3x128x64xf32, #tpu.memory_space<vmem>> -> memref<1x128x64xf32, #tpu.memory_space<vmem>>
          %dma_wait3A_140 = tpu.memref_squeeze %dma_wait3A_139 : memref<1x128x64xf32, #tpu.memory_space<vmem>> -> memref<128x64xf32, #tpu.memory_space<vmem>>
          %dma_wait3A_141 = arith.constant 0 : i32
          %dma_wait3A_142 = tpu.memref_slice %arg9[%scan3A_117, %dma_wait3A_141] : memref<79x128xi32, #tpu.memory_space<vmem>> -> memref<1x128xi32, #tpu.memory_space<vmem>>
          %dma_wait3A_143 = tpu.memref_squeeze %dma_wait3A_142 : memref<1x128xi32, #tpu.memory_space<vmem>> -> memref<128xi32, #tpu.memory_space<vmem>>
          %dma_wait3A_144 = arith.constant 0 : i32
          %dma_wait3A_145 = arith.constant 0 : i32
          %dma_wait3A_146 = tpu.memref_slice %arg13[%dma_wait3A_144, %dma_wait3A_145] : memref<10112x64xf32, #tpu.memory_space<vmem_shared>> -> memref<10112x64xf32, #tpu.memory_space<vmem_shared>>
          tpu.wait_indirect_dma semaphore(%arg16 : memref<!tpu.dma_semaphore, #tpu.memory_space<semaphore_mem>>) src(%dma_wait3A_146 : memref<10112x64xf32, #tpu.memory_space<vmem_shared>>) dst(%dma_wait3A_140 : memref<128x64xf32, #tpu.memory_space<vmem>>)
          %dma_start3A_147 = arith.constant 2 : i32
          %dma_start3A_148 = arith.constant 0 : i32
          %dma_start3A_149 = arith.constant 0 : i32
          %dma_start3A_150 = tpu.memref_slice %arg11[%dma_start3A_147, %dma_start3A_148, %dma_start3A_149] : memref<3x128x64xf32, #tpu.memory_space<vmem>> -> memref<1x128x64xf32, #tpu.memory_space<vmem>>
          %dma_start3A_151 = tpu.memref_squeeze %dma_start3A_150 : memref<1x128x64xf32, #tpu.memory_space<vmem>> -> memref<128x64xf32, #tpu.memory_space<vmem>>
          %dma_start3A_152 = arith.constant 0 : i32
          %dma_start3A_153 = tpu.memref_slice %arg10[%scan3A_117, %dma_start3A_152] : memref<79x128xi32, #tpu.memory_space<vmem>> -> memref<1x128xi32, #tpu.memory_space<vmem>>
          %dma_start3A_154 = tpu.memref_squeeze %dma_start3A_153 : memref<1x128xi32, #tpu.memory_space<vmem>> -> memref<128xi32, #tpu.memory_space<vmem>>
          %dma_start3A_155 = arith.constant 0 : i32
          %dma_start3A_156 = arith.constant 0 : i32
          %dma_start3A_157 = tpu.memref_slice %arg12[%dma_start3A_155, %dma_start3A_156] : memref<10112x64xf32, #tpu.memory_space<vmem_shared>> -> memref<10112x64xf32, #tpu.memory_space<vmem_shared>>
          tpu.enqueue_indirect_dma source(%dma_start3A_151 : memref<128x64xf32, #tpu.memory_space<vmem>>) target(%dma_start3A_157 : memref<10112x64xf32, #tpu.memory_space<vmem_shared>>) offsets(%dma_start3A_154 : memref<128xi32, #tpu.memory_space<vmem>>) semaphore(%arg19 : memref<!tpu.dma_semaphore, #tpu.memory_space<semaphore_mem>>) {add = true}
          %ge3A = arith.constant 1 : i32
          %ge3A_158 = arith.cmpi sge, %scan3A_117, %ge3A : i32
          %convert_element_type3A_159 = arith.extui %ge3A_158 : i1 to i32
          %cond3A_160 = arith.constant 0 : i32
          %cond3A_161 = arith.cmpi ne, %convert_element_type3A_159, %cond3A_160 : i32
          scf.if %cond3A_161 {
            %dma_wait3A_167 = arith.constant 1 : i32
            %dma_wait3A_168 = arith.constant 0 : i32
            %dma_wait3A_169 = arith.constant 0 : i32
            %dma_wait3A_170 = arith.constant 0 : i32
            %dma_wait3A_171 = tpu.memref_slice %arg11[%dma_wait3A_167, %dma_wait3A_169, %dma_wait3A_170] : memref<3x128x64xf32, #tpu.memory_space<vmem>> -> memref<1x128x64xf32, #tpu.memory_space<vmem>>
            %dma_wait3A_172 = tpu.memref_squeeze %dma_wait3A_171 : memref<1x128x64xf32, #tpu.memory_space<vmem>> -> memref<128x64xf32, #tpu.memory_space<vmem>>
            %dma_wait3A_173 = arith.constant 0 : i32
            %dma_wait3A_174 = tpu.memref_slice %arg10[%dma_wait3A_168, %dma_wait3A_173] : memref<79x128xi32, #tpu.memory_space<vmem>> -> memref<1x128xi32, #tpu.memory_space<vmem>>
            %dma_wait3A_175 = tpu.memref_squeeze %dma_wait3A_174 : memref<1x128xi32, #tpu.memory_space<vmem>> -> memref<128xi32, #tpu.memory_space<vmem>>
            %dma_wait3A_176 = arith.constant 0 : i32
            %dma_wait3A_177 = arith.constant 0 : i32
            %dma_wait3A_178 = tpu.memref_slice %arg12[%dma_wait3A_176, %dma_wait3A_177] : memref<10112x64xf32, #tpu.memory_space<vmem_shared>> -> memref<10112x64xf32, #tpu.memory_space<vmem_shared>>
            tpu.wait_indirect_dma semaphore(%arg18 : memref<!tpu.dma_semaphore, #tpu.memory_space<semaphore_mem>>) src(%dma_wait3A_172 : memref<128x64xf32, #tpu.memory_space<vmem>>) dst(%dma_wait3A_178 : memref<10112x64xf32, #tpu.memory_space<vmem_shared>>)
          } else {
          }
          %add3A = arith.constant 2 : i32
          %add3A_162 = arith.addi %scan3A_117, %add3A : i32
          %lt3A = arith.constant 78 : i32
          %lt3A_163 = arith.cmpi slt, %add3A_162, %lt3A : i32
          %convert_element_type3A_164 = arith.extui %lt3A_163 : i1 to i32
          %cond3A_165 = arith.constant 0 : i32
          %cond3A_166 = arith.cmpi ne, %convert_element_type3A_164, %cond3A_165 : i32
          scf.if %cond3A_166 {
            %add3A_167 = arith.constant 2 : i32
            %add3A_168 = arith.addi %scan3A_117, %add3A_167 : i32
            %dma_start3A_169 = arith.constant 1 : i32
            %dma_start3A_170 = arith.constant 0 : i32
            %dma_start3A_171 = arith.constant 0 : i32
            %dma_start3A_172 = tpu.memref_slice %arg11[%dma_start3A_169, %dma_start3A_170, %dma_start3A_171] : memref<3x128x64xf32, #tpu.memory_space<vmem>> -> memref<1x128x64xf32, #tpu.memory_space<vmem>>
            %dma_start3A_173 = tpu.memref_squeeze %dma_start3A_172 : memref<1x128x64xf32, #tpu.memory_space<vmem>> -> memref<128x64xf32, #tpu.memory_space<vmem>>
            %dma_start3A_174 = arith.constant 0 : i32
            %dma_start3A_175 = tpu.memref_slice %arg9[%add3A_168, %dma_start3A_174] : memref<79x128xi32, #tpu.memory_space<vmem>> -> memref<1x128xi32, #tpu.memory_space<vmem>>
            %dma_start3A_176 = tpu.memref_squeeze %dma_start3A_175 : memref<1x128xi32, #tpu.memory_space<vmem>> -> memref<128xi32, #tpu.memory_space<vmem>>
            %dma_start3A_177 = arith.constant 0 : i32
            %dma_start3A_178 = arith.constant 0 : i32
            %dma_start3A_179 = tpu.memref_slice %arg13[%dma_start3A_177, %dma_start3A_178] : memref<10112x64xf32, #tpu.memory_space<vmem_shared>> -> memref<10112x64xf32, #tpu.memory_space<vmem_shared>>
            tpu.enqueue_indirect_dma source(%dma_start3A_179 : memref<10112x64xf32, #tpu.memory_space<vmem_shared>>) target(%dma_start3A_173 : memref<128x64xf32, #tpu.memory_space<vmem>>) offsets(%dma_start3A_176 : memref<128xi32, #tpu.memory_space<vmem>>) semaphore(%arg15 : memref<!tpu.dma_semaphore, #tpu.memory_space<semaphore_mem>>)
          } else {
          }
        } else {
        }
        %scan3A_135 = arith.constant 0 : i32
        scf.yield %scan3A_135 : i32
      }
      %scan3A_104 = arith.constant 78 : i32
      %dma_wait3A_105 = arith.constant 2 : i32
      %dma_wait3A_106 = arith.constant 0 : i32
      %dma_wait3A_107 = arith.constant 0 : i32
      %dma_wait3A_108 = arith.constant 0 : i32
      %dma_wait3A_109 = tpu.memref_slice %arg11[%dma_wait3A_105, %dma_wait3A_107, %dma_wait3A_108] : memref<3x128x64xf32, #tpu.memory_space<vmem>> -> memref<1x128x64xf32, #tpu.memory_space<vmem>>
      %dma_wait3A_110 = tpu.memref_squeeze %dma_wait3A_109 : memref<1x128x64xf32, #tpu.memory_space<vmem>> -> memref<128x64xf32, #tpu.memory_space<vmem>>
      %dma_wait3A_111 = arith.constant 0 : i32
      %dma_wait3A_112 = tpu.memref_slice %arg10[%dma_wait3A_106, %dma_wait3A_111] : memref<79x128xi32, #tpu.memory_space<vmem>> -> memref<1x128xi32, #tpu.memory_space<vmem>>
      %dma_wait3A_113 = tpu.memref_squeeze %dma_wait3A_112 : memref<1x128xi32, #tpu.memory_space<vmem>> -> memref<128xi32, #tpu.memory_space<vmem>>
      %dma_wait3A_114 = arith.constant 0 : i32
      %dma_wait3A_115 = arith.constant 0 : i32
      %dma_wait3A_116 = tpu.memref_slice %arg12[%dma_wait3A_114, %dma_wait3A_115] : memref<10112x64xf32, #tpu.memory_space<vmem_shared>> -> memref<10112x64xf32, #tpu.memory_space<vmem_shared>>
      tpu.wait_indirect_dma semaphore(%arg19 : memref<!tpu.dma_semaphore, #tpu.memory_space<semaphore_mem>>) src(%dma_wait3A_110 : memref<128x64xf32, #tpu.memory_space<vmem>>) dst(%dma_wait3A_116 : memref<10112x64xf32, #tpu.memory_space<vmem_shared>>)
    } else {
    }
    %eq3A_3 = arith.constant 1 : i32
    %eq3A_4 = arith.cmpi eq, %arg0, %eq3A_3 : i32
    %convert_element_type3A_5 = arith.extui %eq3A_4 : i1 to i32
    %cond3A_6 = arith.constant 0 : i32
    %cond3A_7 = arith.cmpi ne, %convert_element_type3A_5, %cond3A_6 : i32
    scf.if %cond3A_7 {
      %dma_start3A = arith.constant 0 : i32
      %dma_start3A_8 = tpu.memref_slice %arg12[%mul3A_0, %dma_start3A] : memref<10112x64xf32, #tpu.memory_space<vmem_shared>> -> memref<632x64xf32, #tpu.memory_space<vmem_shared>>
      tpu.enqueue_dma source(%arg7 : memref<632x64xf32, #tpu.memory_space<hbm>>) target(%dma_start3A_8 : memref<632x64xf32, #tpu.memory_space<vmem_shared>>) target_semaphore(%arg17 : memref<!tpu.dma_semaphore, #tpu.memory_space<semaphore_mem>>)
      %dma_start3A_9 = arith.constant 0 : i32
      %dma_start3A_10 = tpu.memref_slice %arg13[%mul3A_0, %dma_start3A_9] : memref<10112x64xf32, #tpu.memory_space<vmem_shared>> -> memref<632x64xf32, #tpu.memory_space<vmem_shared>>
      %dma_start3A_11 = arith.constant 0 : i32
      %dma_start3A_12 = tpu.memref_slice %arg2[%mul3A_0, %dma_start3A_11] : memref<10112x64xf32, #tpu.memory_space<hbm>> -> memref<632x64xf32, #tpu.memory_space<hbm>>
      tpu.enqueue_dma source(%dma_start3A_12 : memref<632x64xf32, #tpu.memory_space<hbm>>) target(%dma_start3A_10 : memref<632x64xf32, #tpu.memory_space<vmem_shared>>) target_semaphore(%arg18 : memref<!tpu.dma_semaphore, #tpu.memory_space<semaphore_mem>>)
      %dma_start3A_13 = arith.constant 0 : i32
      %dma_start3A_14 = arith.constant 0 : i32
      %dma_start3A_15 = tpu.memref_slice %arg9[%dma_start3A_13, %dma_start3A_14] : memref<79x128xi32, #tpu.memory_space<vmem>> -> memref<79x128xi32, #tpu.memory_space<vmem>>
      %dma_start3A_16 = arith.constant 0 : i32
      %dma_start3A_17 = arith.constant 0 : i32
      %dma_start3A_18 = tpu.memref_slice %arg5[%arg1, %dma_start3A_16, %dma_start3A_17] : memref<16x79x128xi32, #tpu.memory_space<hbm>> -> memref<1x79x128xi32, #tpu.memory_space<hbm>>
      %dma_start3A_19 = tpu.memref_squeeze %dma_start3A_18 : memref<1x79x128xi32, #tpu.memory_space<hbm>> -> memref<79x128xi32, #tpu.memory_space<hbm>>
      %dma_start3A_20 = arith.constant 0 : i32
      %dma_start3A_21 = arith.constant 0 : i32
      %dma_start3A_22 = tpu.memref_slice %arg9[%dma_start3A_20, %dma_start3A_21] : memref<79x128xi32, #tpu.memory_space<vmem>> -> memref<79x128xi32, #tpu.memory_space<vmem>>
      %dma_start3A_23 = arith.constant 0 : i32
      %dma_start3A_24 = arith.constant 0 : i32
      %dma_start3A_25 = tpu.memref_slice %arg5[%arg1, %dma_start3A_23, %dma_start3A_24] : memref<16x79x128xi32, #tpu.memory_space<hbm>> -> memref<1x79x128xi32, #tpu.memory_space<hbm>>
      %dma_start3A_26 = tpu.memref_squeeze %dma_start3A_25 : memref<1x79x128xi32, #tpu.memory_space<hbm>> -> memref<79x128xi32, #tpu.memory_space<hbm>>
      tpu.enqueue_dma source(%dma_start3A_26 : memref<79x128xi32, #tpu.memory_space<hbm>>) target(%dma_start3A_22 : memref<79x128xi32, #tpu.memory_space<vmem>>) target_semaphore(%arg14 : memref<!tpu.dma_semaphore, #tpu.memory_space<semaphore_mem>>)
      %dma_start3A_27 = arith.constant 0 : i32
      %dma_start3A_28 = arith.constant 0 : i32
      %dma_start3A_29 = tpu.memref_slice %arg10[%dma_start3A_27, %dma_start3A_28] : memref<79x128xi32, #tpu.memory_space<vmem>> -> memref<79x128xi32, #tpu.memory_space<vmem>>
      %dma_start3A_30 = arith.constant 0 : i32
      %dma_start3A_31 = arith.constant 0 : i32
      %dma_start3A_32 = tpu.memref_slice %arg6[%arg1, %dma_start3A_30, %dma_start3A_31] : memref<16x79x128xi32, #tpu.memory_space<hbm>> -> memref<1x79x128xi32, #tpu.memory_space<hbm>>
      %dma_start3A_33 = tpu.memref_squeeze %dma_start3A_32 : memref<1x79x128xi32, #tpu.memory_space<hbm>> -> memref<79x128xi32, #tpu.memory_space<hbm>>
      %dma_start3A_34 = arith.constant 0 : i32
      %dma_start3A_35 = arith.constant 0 : i32
      %dma_start3A_36 = tpu.memref_slice %arg10[%dma_start3A_34, %dma_start3A_35] : memref<79x128xi32, #tpu.memory_space<vmem>> -> memref<79x128xi32, #tpu.memory_space<vmem>>
      %dma_start3A_37 = arith.constant 0 : i32
      %dma_start3A_38 = arith.constant 0 : i32
      %dma_start3A_39 = tpu.memref_slice %arg6[%arg1, %dma_start3A_37, %dma_start3A_38] : memref<16x79x128xi32, #tpu.memory_space<hbm>> -> memref<1x79x128xi32, #tpu.memory_space<hbm>>
      %dma_start3A_40 = tpu.memref_squeeze %dma_start3A_39 : memref<1x79x128xi32, #tpu.memory_space<hbm>> -> memref<79x128xi32, #tpu.memory_space<hbm>>
      tpu.enqueue_dma source(%dma_start3A_40 : memref<79x128xi32, #tpu.memory_space<hbm>>) target(%dma_start3A_36 : memref<79x128xi32, #tpu.memory_space<vmem>>) target_semaphore(%arg15 : memref<!tpu.dma_semaphore, #tpu.memory_space<semaphore_mem>>)
      %dma_wait3A = arith.constant 0 : i32
      %dma_wait3A_41 = tpu.memref_slice %arg12[%mul3A_0, %dma_wait3A] : memref<10112x64xf32, #tpu.memory_space<vmem_shared>> -> memref<632x64xf32, #tpu.memory_space<vmem_shared>>
      tpu.wait_dma2 semaphore(%arg17 : memref<!tpu.dma_semaphore, #tpu.memory_space<semaphore_mem>>) src(%arg7 : memref<632x64xf32, #tpu.memory_space<hbm>>) dst(%dma_wait3A_41 : memref<632x64xf32, #tpu.memory_space<vmem_shared>>)
      %dma_wait3A_42 = arith.constant 0 : i32
      %dma_wait3A_43 = tpu.memref_slice %arg13[%mul3A_0, %dma_wait3A_42] : memref<10112x64xf32, #tpu.memory_space<vmem_shared>> -> memref<632x64xf32, #tpu.memory_space<vmem_shared>>
      %dma_wait3A_44 = arith.constant 0 : i32
      %dma_wait3A_45 = tpu.memref_slice %arg2[%mul3A_0, %dma_wait3A_44] : memref<10112x64xf32, #tpu.memory_space<hbm>> -> memref<632x64xf32, #tpu.memory_space<hbm>>
      tpu.wait_dma2 semaphore(%arg18 : memref<!tpu.dma_semaphore, #tpu.memory_space<semaphore_mem>>) src(%dma_wait3A_45 : memref<632x64xf32, #tpu.memory_space<hbm>>) dst(%dma_wait3A_43 : memref<632x64xf32, #tpu.memory_space<vmem_shared>>)
      %dma_wait3A_46 = arith.constant 0 : i32
      %dma_wait3A_47 = arith.constant 0 : i32
      %dma_wait3A_48 = tpu.memref_slice %arg9[%dma_wait3A_46, %dma_wait3A_47] : memref<79x128xi32, #tpu.memory_space<vmem>> -> memref<79x128xi32, #tpu.memory_space<vmem>>
      %dma_wait3A_49 = arith.constant 0 : i32
      %dma_wait3A_50 = arith.constant 0 : i32
      %dma_wait3A_51 = tpu.memref_slice %arg5[%arg1, %dma_wait3A_49, %dma_wait3A_50] : memref<16x79x128xi32, #tpu.memory_space<hbm>> -> memref<1x79x128xi32, #tpu.memory_space<hbm>>
      %dma_wait3A_52 = tpu.memref_squeeze %dma_wait3A_51 : memref<1x79x128xi32, #tpu.memory_space<hbm>> -> memref<79x128xi32, #tpu.memory_space<hbm>>
      %dma_wait3A_53 = arith.constant 0 : i32
      %dma_wait3A_54 = arith.constant 0 : i32
      %dma_wait3A_55 = tpu.memref_slice %arg9[%dma_wait3A_53, %dma_wait3A_54] : memref<79x128xi32, #tpu.memory_space<vmem>> -> memref<79x128xi32, #tpu.memory_space<vmem>>
      %dma_wait3A_56 = arith.constant 0 : i32
      %dma_wait3A_57 = arith.constant 0 : i32
      %dma_wait3A_58 = tpu.memref_slice %arg5[%arg1, %dma_wait3A_56, %dma_wait3A_57] : memref<16x79x128xi32, #tpu.memory_space<hbm>> -> memref<1x79x128xi32, #tpu.memory_space<hbm>>
      %dma_wait3A_59 = tpu.memref_squeeze %dma_wait3A_58 : memref<1x79x128xi32, #tpu.memory_space<hbm>> -> memref<79x128xi32, #tpu.memory_space<hbm>>
      tpu.wait_dma2 semaphore(%arg14 : memref<!tpu.dma_semaphore, #tpu.memory_space<semaphore_mem>>) src(%dma_wait3A_59 : memref<79x128xi32, #tpu.memory_space<hbm>>) dst(%dma_wait3A_55 : memref<79x128xi32, #tpu.memory_space<vmem>>)
      %dma_wait3A_60 = arith.constant 0 : i32
      %dma_wait3A_61 = arith.constant 0 : i32
      %dma_wait3A_62 = tpu.memref_slice %arg10[%dma_wait3A_60, %dma_wait3A_61] : memref<79x128xi32, #tpu.memory_space<vmem>> -> memref<79x128xi32, #tpu.memory_space<vmem>>
      %dma_wait3A_63 = arith.constant 0 : i32
      %dma_wait3A_64 = arith.constant 0 : i32
      %dma_wait3A_65 = tpu.memref_slice %arg6[%arg1, %dma_wait3A_63, %dma_wait3A_64] : memref<16x79x128xi32, #tpu.memory_space<hbm>> -> memref<1x79x128xi32, #tpu.memory_space<hbm>>
      %dma_wait3A_66 = tpu.memref_squeeze %dma_wait3A_65 : memref<1x79x128xi32, #tpu.memory_space<hbm>> -> memref<79x128xi32, #tpu.memory_space<hbm>>
      %dma_wait3A_67 = arith.constant 0 : i32
      %dma_wait3A_68 = arith.constant 0 : i32
      %dma_wait3A_69 = tpu.memref_slice %arg10[%dma_wait3A_67, %dma_wait3A_68] : memref<79x128xi32, #tpu.memory_space<vmem>> -> memref<79x128xi32, #tpu.memory_space<vmem>>
      %dma_wait3A_70 = arith.constant 0 : i32
      %dma_wait3A_71 = arith.constant 0 : i32
      %dma_wait3A_72 = tpu.memref_slice %arg6[%arg1, %dma_wait3A_70, %dma_wait3A_71] : memref<16x79x128xi32, #tpu.memory_space<hbm>> -> memref<1x79x128xi32, #tpu.memory_space<hbm>>
      %dma_wait3A_73 = tpu.memref_squeeze %dma_wait3A_72 : memref<1x79x128xi32, #tpu.memory_space<hbm>> -> memref<79x128xi32, #tpu.memory_space<hbm>>
      tpu.wait_dma2 semaphore(%arg15 : memref<!tpu.dma_semaphore, #tpu.memory_space<semaphore_mem>>) src(%dma_wait3A_73 : memref<79x128xi32, #tpu.memory_space<hbm>>) dst(%dma_wait3A_69 : memref<79x128xi32, #tpu.memory_space<vmem>>)
      %barrier3A_74 = arith.constant 0 : index
      tpu.barrier barrier_id(%barrier3A_74)
      %dma_start3A_75 = arith.constant 0 : i32
      %dma_start3A_76 = arith.constant 0 : i32
      %dma_start3A_77 = arith.constant 0 : i32
      %dma_start3A_78 = arith.constant 0 : i32
      %dma_start3A_79 = tpu.memref_slice %arg11[%dma_start3A_76, %dma_start3A_77, %dma_start3A_78] : memref<3x128x64xf32, #tpu.memory_space<vmem>> -> memref<1x128x64xf32, #tpu.memory_space<vmem>>
      %dma_start3A_80 = tpu.memref_squeeze %dma_start3A_79 : memref<1x128x64xf32, #tpu.memory_space<vmem>> -> memref<128x64xf32, #tpu.memory_space<vmem>>
      %dma_start3A_81 = arith.constant 0 : i32
      %dma_start3A_82 = tpu.memref_slice %arg9[%dma_start3A_75, %dma_start3A_81] : memref<79x128xi32, #tpu.memory_space<vmem>> -> memref<1x128xi32, #tpu.memory_space<vmem>>
      %dma_start3A_83 = tpu.memref_squeeze %dma_start3A_82 : memref<1x128xi32, #tpu.memory_space<vmem>> -> memref<128xi32, #tpu.memory_space<vmem>>
      %dma_start3A_84 = arith.constant 0 : i32
      %dma_start3A_85 = arith.constant 0 : i32
      %dma_start3A_86 = tpu.memref_slice %arg13[%dma_start3A_84, %dma_start3A_85] : memref<10112x64xf32, #tpu.memory_space<vmem_shared>> -> memref<10112x64xf32, #tpu.memory_space<vmem_shared>>
      tpu.enqueue_indirect_dma source(%dma_start3A_86 : memref<10112x64xf32, #tpu.memory_space<vmem_shared>>) target(%dma_start3A_80 : memref<128x64xf32, #tpu.memory_space<vmem>>) offsets(%dma_start3A_83 : memref<128xi32, #tpu.memory_space<vmem>>) semaphore(%arg14 : memref<!tpu.dma_semaphore, #tpu.memory_space<semaphore_mem>>)
      %dma_start3A_87 = arith.constant 1 : i32
      %dma_start3A_88 = arith.constant 1 : i32
      %dma_start3A_89 = arith.constant 0 : i32
      %dma_start3A_90 = arith.constant 0 : i32
      %dma_start3A_91 = tpu.memref_slice %arg11[%dma_start3A_88, %dma_start3A_89, %dma_start3A_90] : memref<3x128x64xf32, #tpu.memory_space<vmem>> -> memref<1x128x64xf32, #tpu.memory_space<vmem>>
      %dma_start3A_92 = tpu.memref_squeeze %dma_start3A_91 : memref<1x128x64xf32, #tpu.memory_space<vmem>> -> memref<128x64xf32, #tpu.memory_space<vmem>>
      %dma_start3A_93 = arith.constant 0 : i32
      %dma_start3A_94 = tpu.memref_slice %arg9[%dma_start3A_87, %dma_start3A_93] : memref<79x128xi32, #tpu.memory_space<vmem>> -> memref<1x128xi32, #tpu.memory_space<vmem>>
      %dma_start3A_95 = tpu.memref_squeeze %dma_start3A_94 : memref<1x128xi32, #tpu.memory_space<vmem>> -> memref<128xi32, #tpu.memory_space<vmem>>
      %dma_start3A_96 = arith.constant 0 : i32
      %dma_start3A_97 = arith.constant 0 : i32
      %dma_start3A_98 = tpu.memref_slice %arg13[%dma_start3A_96, %dma_start3A_97] : memref<10112x64xf32, #tpu.memory_space<vmem_shared>> -> memref<10112x64xf32, #tpu.memory_space<vmem_shared>>
      tpu.enqueue_indirect_dma source(%dma_start3A_98 : memref<10112x64xf32, #tpu.memory_space<vmem_shared>>) target(%dma_start3A_92 : memref<128x64xf32, #tpu.memory_space<vmem>>) offsets(%dma_start3A_95 : memref<128xi32, #tpu.memory_space<vmem>>) semaphore(%arg15 : memref<!tpu.dma_semaphore, #tpu.memory_space<semaphore_mem>>)
      %scan3A = arith.constant 0 : i32
      %scan3A_99 = arith.constant 0 : i32
      %scan3A_100 = arith.constant 79 : i32
      %scan3A_101 = arith.addi %scan3A_99, %scan3A_100 : i32
      %scan3A_102 = arith.constant 1 : i32
      %scan3A_103 = scf.for %scan3A_117 = %scan3A_99 to %scan3A_101 step %scan3A_102 iter_args(%scan3A_118 = %scan3A) -> (i32)  : i32 {
        %rem3A = arith.constant 3 : i32
        %rem3A_119 = arith.remsi %scan3A_117, %rem3A : i32
        %eq3A_120 = arith.constant 0 : i32
        %eq3A_121 = arith.cmpi eq, %rem3A_119, %eq3A_120 : i32
        %convert_element_type3A_122 = arith.extui %eq3A_121 : i1 to i32
        %cond3A_123 = arith.constant 0 : i32
        %cond3A_124 = arith.cmpi ne, %convert_element_type3A_122, %cond3A_123 : i32
        scf.if %cond3A_124 {
          %dma_wait3A_136 = arith.constant 0 : i32
          %dma_wait3A_137 = arith.constant 0 : i32
          %dma_wait3A_138 = arith.constant 0 : i32
          %dma_wait3A_139 = tpu.memref_slice %arg11[%dma_wait3A_136, %dma_wait3A_137, %dma_wait3A_138] : memref<3x128x64xf32, #tpu.memory_space<vmem>> -> memref<1x128x64xf32, #tpu.memory_space<vmem>>
          %dma_wait3A_140 = tpu.memref_squeeze %dma_wait3A_139 : memref<1x128x64xf32, #tpu.memory_space<vmem>> -> memref<128x64xf32, #tpu.memory_space<vmem>>
          %dma_wait3A_141 = arith.constant 0 : i32
          %dma_wait3A_142 = tpu.memref_slice %arg9[%scan3A_117, %dma_wait3A_141] : memref<79x128xi32, #tpu.memory_space<vmem>> -> memref<1x128xi32, #tpu.memory_space<vmem>>
          %dma_wait3A_143 = tpu.memref_squeeze %dma_wait3A_142 : memref<1x128xi32, #tpu.memory_space<vmem>> -> memref<128xi32, #tpu.memory_space<vmem>>
          %dma_wait3A_144 = arith.constant 0 : i32
          %dma_wait3A_145 = arith.constant 0 : i32
          %dma_wait3A_146 = tpu.memref_slice %arg13[%dma_wait3A_144, %dma_wait3A_145] : memref<10112x64xf32, #tpu.memory_space<vmem_shared>> -> memref<10112x64xf32, #tpu.memory_space<vmem_shared>>
          tpu.wait_indirect_dma semaphore(%arg14 : memref<!tpu.dma_semaphore, #tpu.memory_space<semaphore_mem>>) src(%dma_wait3A_146 : memref<10112x64xf32, #tpu.memory_space<vmem_shared>>) dst(%dma_wait3A_140 : memref<128x64xf32, #tpu.memory_space<vmem>>)
          %dma_start3A_147 = arith.constant 0 : i32
          %dma_start3A_148 = arith.constant 0 : i32
          %dma_start3A_149 = arith.constant 0 : i32
          %dma_start3A_150 = tpu.memref_slice %arg11[%dma_start3A_147, %dma_start3A_148, %dma_start3A_149] : memref<3x128x64xf32, #tpu.memory_space<vmem>> -> memref<1x128x64xf32, #tpu.memory_space<vmem>>
          %dma_start3A_151 = tpu.memref_squeeze %dma_start3A_150 : memref<1x128x64xf32, #tpu.memory_space<vmem>> -> memref<128x64xf32, #tpu.memory_space<vmem>>
          %dma_start3A_152 = arith.constant 0 : i32
          %dma_start3A_153 = tpu.memref_slice %arg10[%scan3A_117, %dma_start3A_152] : memref<79x128xi32, #tpu.memory_space<vmem>> -> memref<1x128xi32, #tpu.memory_space<vmem>>
          %dma_start3A_154 = tpu.memref_squeeze %dma_start3A_153 : memref<1x128xi32, #tpu.memory_space<vmem>> -> memref<128xi32, #tpu.memory_space<vmem>>
          %dma_start3A_155 = arith.constant 0 : i32
          %dma_start3A_156 = arith.constant 0 : i32
          %dma_start3A_157 = tpu.memref_slice %arg12[%dma_start3A_155, %dma_start3A_156] : memref<10112x64xf32, #tpu.memory_space<vmem_shared>> -> memref<10112x64xf32, #tpu.memory_space<vmem_shared>>
          tpu.enqueue_indirect_dma source(%dma_start3A_151 : memref<128x64xf32, #tpu.memory_space<vmem>>) target(%dma_start3A_157 : memref<10112x64xf32, #tpu.memory_space<vmem_shared>>) offsets(%dma_start3A_154 : memref<128xi32, #tpu.memory_space<vmem>>) semaphore(%arg17 : memref<!tpu.dma_semaphore, #tpu.memory_space<semaphore_mem>>) {add = true}
          %ge3A = arith.constant 1 : i32
          %ge3A_158 = arith.cmpi sge, %scan3A_117, %ge3A : i32
          %convert_element_type3A_159 = arith.extui %ge3A_158 : i1 to i32
          %cond3A_160 = arith.constant 0 : i32
          %cond3A_161 = arith.cmpi ne, %convert_element_type3A_159, %cond3A_160 : i32
          scf.if %cond3A_161 {
            %dma_wait3A_167 = arith.constant 2 : i32
            %dma_wait3A_168 = arith.constant 0 : i32
            %dma_wait3A_169 = arith.constant 0 : i32
            %dma_wait3A_170 = arith.constant 0 : i32
            %dma_wait3A_171 = tpu.memref_slice %arg11[%dma_wait3A_167, %dma_wait3A_169, %dma_wait3A_170] : memref<3x128x64xf32, #tpu.memory_space<vmem>> -> memref<1x128x64xf32, #tpu.memory_space<vmem>>
            %dma_wait3A_172 = tpu.memref_squeeze %dma_wait3A_171 : memref<1x128x64xf32, #tpu.memory_space<vmem>> -> memref<128x64xf32, #tpu.memory_space<vmem>>
            %dma_wait3A_173 = arith.constant 0 : i32
            %dma_wait3A_174 = tpu.memref_slice %arg10[%dma_wait3A_168, %dma_wait3A_173] : memref<79x128xi32, #tpu.memory_space<vmem>> -> memref<1x128xi32, #tpu.memory_space<vmem>>
            %dma_wait3A_175 = tpu.memref_squeeze %dma_wait3A_174 : memref<1x128xi32, #tpu.memory_space<vmem>> -> memref<128xi32, #tpu.memory_space<vmem>>
            %dma_wait3A_176 = arith.constant 0 : i32
            %dma_wait3A_177 = arith.constant 0 : i32
            %dma_wait3A_178 = tpu.memref_slice %arg12[%dma_wait3A_176, %dma_wait3A_177] : memref<10112x64xf32, #tpu.memory_space<vmem_shared>> -> memref<10112x64xf32, #tpu.memory_space<vmem_shared>>
            tpu.wait_indirect_dma semaphore(%arg19 : memref<!tpu.dma_semaphore, #tpu.memory_space<semaphore_mem>>) src(%dma_wait3A_172 : memref<128x64xf32, #tpu.memory_space<vmem>>) dst(%dma_wait3A_178 : memref<10112x64xf32, #tpu.memory_space<vmem_shared>>)
          } else {
          }
          %add3A = arith.constant 2 : i32
          %add3A_162 = arith.addi %scan3A_117, %add3A : i32
          %lt3A = arith.constant 79 : i32
          %lt3A_163 = arith.cmpi slt, %add3A_162, %lt3A : i32
          %convert_element_type3A_164 = arith.extui %lt3A_163 : i1 to i32
          %cond3A_165 = arith.constant 0 : i32
          %cond3A_166 = arith.cmpi ne, %convert_element_type3A_164, %cond3A_165 : i32
          scf.if %cond3A_166 {
            %add3A_167 = arith.constant 2 : i32
            %add3A_168 = arith.addi %scan3A_117, %add3A_167 : i32
            %dma_start3A_169 = arith.constant 2 : i32
            %dma_start3A_170 = arith.constant 0 : i32
            %dma_start3A_171 = arith.constant 0 : i32
            %dma_start3A_172 = tpu.memref_slice %arg11[%dma_start3A_169, %dma_start3A_170, %dma_start3A_171] : memref<3x128x64xf32, #tpu.memory_space<vmem>> -> memref<1x128x64xf32, #tpu.memory_space<vmem>>
            %dma_start3A_173 = tpu.memref_squeeze %dma_start3A_172 : memref<1x128x64xf32, #tpu.memory_space<vmem>> -> memref<128x64xf32, #tpu.memory_space<vmem>>
            %dma_start3A_174 = arith.constant 0 : i32
            %dma_start3A_175 = tpu.memref_slice %arg9[%add3A_168, %dma_start3A_174] : memref<79x128xi32, #tpu.memory_space<vmem>> -> memref<1x128xi32, #tpu.memory_space<vmem>>
            %dma_start3A_176 = tpu.memref_squeeze %dma_start3A_175 : memref<1x128xi32, #tpu.memory_space<vmem>> -> memref<128xi32, #tpu.memory_space<vmem>>
            %dma_start3A_177 = arith.constant 0 : i32
            %dma_start3A_178 = arith.constant 0 : i32
            %dma_start3A_179 = tpu.memref_slice %arg13[%dma_start3A_177, %dma_start3A_178] : memref<10112x64xf32, #tpu.memory_space<vmem_shared>> -> memref<10112x64xf32, #tpu.memory_space<vmem_shared>>
            tpu.enqueue_indirect_dma source(%dma_start3A_179 : memref<10112x64xf32, #tpu.memory_space<vmem_shared>>) target(%dma_start3A_173 : memref<128x64xf32, #tpu.memory_space<vmem>>) offsets(%dma_start3A_176 : memref<128xi32, #tpu.memory_space<vmem>>) semaphore(%arg16 : memref<!tpu.dma_semaphore, #tpu.memory_space<semaphore_mem>>)
          } else {
          }
        } else {
        }
        %eq3A_125 = arith.constant 1 : i32
        %eq3A_126 = arith.cmpi eq, %rem3A_119, %eq3A_125 : i32
        %convert_element_type3A_127 = arith.extui %eq3A_126 : i1 to i32
        %cond3A_128 = arith.constant 0 : i32
        %cond3A_129 = arith.cmpi ne, %convert_element_type3A_127, %cond3A_128 : i32
        scf.if %cond3A_129 {
          %dma_wait3A_136 = arith.constant 1 : i32
          %dma_wait3A_137 = arith.constant 0 : i32
          %dma_wait3A_138 = arith.constant 0 : i32
          %dma_wait3A_139 = tpu.memref_slice %arg11[%dma_wait3A_136, %dma_wait3A_137, %dma_wait3A_138] : memref<3x128x64xf32, #tpu.memory_space<vmem>> -> memref<1x128x64xf32, #tpu.memory_space<vmem>>
          %dma_wait3A_140 = tpu.memref_squeeze %dma_wait3A_139 : memref<1x128x64xf32, #tpu.memory_space<vmem>> -> memref<128x64xf32, #tpu.memory_space<vmem>>
          %dma_wait3A_141 = arith.constant 0 : i32
          %dma_wait3A_142 = tpu.memref_slice %arg9[%scan3A_117, %dma_wait3A_141] : memref<79x128xi32, #tpu.memory_space<vmem>> -> memref<1x128xi32, #tpu.memory_space<vmem>>
          %dma_wait3A_143 = tpu.memref_squeeze %dma_wait3A_142 : memref<1x128xi32, #tpu.memory_space<vmem>> -> memref<128xi32, #tpu.memory_space<vmem>>
          %dma_wait3A_144 = arith.constant 0 : i32
          %dma_wait3A_145 = arith.constant 0 : i32
          %dma_wait3A_146 = tpu.memref_slice %arg13[%dma_wait3A_144, %dma_wait3A_145] : memref<10112x64xf32, #tpu.memory_space<vmem_shared>> -> memref<10112x64xf32, #tpu.memory_space<vmem_shared>>
          tpu.wait_indirect_dma semaphore(%arg15 : memref<!tpu.dma_semaphore, #tpu.memory_space<semaphore_mem>>) src(%dma_wait3A_146 : memref<10112x64xf32, #tpu.memory_space<vmem_shared>>) dst(%dma_wait3A_140 : memref<128x64xf32, #tpu.memory_space<vmem>>)
          %dma_start3A_147 = arith.constant 1 : i32
          %dma_start3A_148 = arith.constant 0 : i32
          %dma_start3A_149 = arith.constant 0 : i32
          %dma_start3A_150 = tpu.memref_slice %arg11[%dma_start3A_147, %dma_start3A_148, %dma_start3A_149] : memref<3x128x64xf32, #tpu.memory_space<vmem>> -> memref<1x128x64xf32, #tpu.memory_space<vmem>>
          %dma_start3A_151 = tpu.memref_squeeze %dma_start3A_150 : memref<1x128x64xf32, #tpu.memory_space<vmem>> -> memref<128x64xf32, #tpu.memory_space<vmem>>
          %dma_start3A_152 = arith.constant 0 : i32
          %dma_start3A_153 = tpu.memref_slice %arg10[%scan3A_117, %dma_start3A_152] : memref<79x128xi32, #tpu.memory_space<vmem>> -> memref<1x128xi32, #tpu.memory_space<vmem>>
          %dma_start3A_154 = tpu.memref_squeeze %dma_start3A_153 : memref<1x128xi32, #tpu.memory_space<vmem>> -> memref<128xi32, #tpu.memory_space<vmem>>
          %dma_start3A_155 = arith.constant 0 : i32
          %dma_start3A_156 = arith.constant 0 : i32
          %dma_start3A_157 = tpu.memref_slice %arg12[%dma_start3A_155, %dma_start3A_156] : memref<10112x64xf32, #tpu.memory_space<vmem_shared>> -> memref<10112x64xf32, #tpu.memory_space<vmem_shared>>
          tpu.enqueue_indirect_dma source(%dma_start3A_151 : memref<128x64xf32, #tpu.memory_space<vmem>>) target(%dma_start3A_157 : memref<10112x64xf32, #tpu.memory_space<vmem_shared>>) offsets(%dma_start3A_154 : memref<128xi32, #tpu.memory_space<vmem>>) semaphore(%arg18 : memref<!tpu.dma_semaphore, #tpu.memory_space<semaphore_mem>>) {add = true}
          %ge3A = arith.constant 1 : i32
          %ge3A_158 = arith.cmpi sge, %scan3A_117, %ge3A : i32
          %convert_element_type3A_159 = arith.extui %ge3A_158 : i1 to i32
          %cond3A_160 = arith.constant 0 : i32
          %cond3A_161 = arith.cmpi ne, %convert_element_type3A_159, %cond3A_160 : i32
          scf.if %cond3A_161 {
            %dma_wait3A_167 = arith.constant 0 : i32
            %dma_wait3A_168 = arith.constant 0 : i32
            %dma_wait3A_169 = arith.constant 0 : i32
            %dma_wait3A_170 = arith.constant 0 : i32
            %dma_wait3A_171 = tpu.memref_slice %arg11[%dma_wait3A_167, %dma_wait3A_169, %dma_wait3A_170] : memref<3x128x64xf32, #tpu.memory_space<vmem>> -> memref<1x128x64xf32, #tpu.memory_space<vmem>>
            %dma_wait3A_172 = tpu.memref_squeeze %dma_wait3A_171 : memref<1x128x64xf32, #tpu.memory_space<vmem>> -> memref<128x64xf32, #tpu.memory_space<vmem>>
            %dma_wait3A_173 = arith.constant 0 : i32
            %dma_wait3A_174 = tpu.memref_slice %arg10[%dma_wait3A_168, %dma_wait3A_173] : memref<79x128xi32, #tpu.memory_space<vmem>> -> memref<1x128xi32, #tpu.memory_space<vmem>>
            %dma_wait3A_175 = tpu.memref_squeeze %dma_wait3A_174 : memref<1x128xi32, #tpu.memory_space<vmem>> -> memref<128xi32, #tpu.memory_space<vmem>>
            %dma_wait3A_176 = arith.constant 0 : i32
            %dma_wait3A_177 = arith.constant 0 : i32
            %dma_wait3A_178 = tpu.memref_slice %arg12[%dma_wait3A_176, %dma_wait3A_177] : memref<10112x64xf32, #tpu.memory_space<vmem_shared>> -> memref<10112x64xf32, #tpu.memory_space<vmem_shared>>
            tpu.wait_indirect_dma semaphore(%arg17 : memref<!tpu.dma_semaphore, #tpu.memory_space<semaphore_mem>>) src(%dma_wait3A_172 : memref<128x64xf32, #tpu.memory_space<vmem>>) dst(%dma_wait3A_178 : memref<10112x64xf32, #tpu.memory_space<vmem_shared>>)
          } else {
          }
          %add3A = arith.constant 2 : i32
          %add3A_162 = arith.addi %scan3A_117, %add3A : i32
          %lt3A = arith.constant 79 : i32
          %lt3A_163 = arith.cmpi slt, %add3A_162, %lt3A : i32
          %convert_element_type3A_164 = arith.extui %lt3A_163 : i1 to i32
          %cond3A_165 = arith.constant 0 : i32
          %cond3A_166 = arith.cmpi ne, %convert_element_type3A_164, %cond3A_165 : i32
          scf.if %cond3A_166 {
            %add3A_167 = arith.constant 2 : i32
            %add3A_168 = arith.addi %scan3A_117, %add3A_167 : i32
            %dma_start3A_169 = arith.constant 0 : i32
            %dma_start3A_170 = arith.constant 0 : i32
            %dma_start3A_171 = arith.constant 0 : i32
            %dma_start3A_172 = tpu.memref_slice %arg11[%dma_start3A_169, %dma_start3A_170, %dma_start3A_171] : memref<3x128x64xf32, #tpu.memory_space<vmem>> -> memref<1x128x64xf32, #tpu.memory_space<vmem>>
            %dma_start3A_173 = tpu.memref_squeeze %dma_start3A_172 : memref<1x128x64xf32, #tpu.memory_space<vmem>> -> memref<128x64xf32, #tpu.memory_space<vmem>>
            %dma_start3A_174 = arith.constant 0 : i32
            %dma_start3A_175 = tpu.memref_slice %arg9[%add3A_168, %dma_start3A_174] : memref<79x128xi32, #tpu.memory_space<vmem>> -> memref<1x128xi32, #tpu.memory_space<vmem>>
            %dma_start3A_176 = tpu.memref_squeeze %dma_start3A_175 : memref<1x128xi32, #tpu.memory_space<vmem>> -> memref<128xi32, #tpu.memory_space<vmem>>
            %dma_start3A_177 = arith.constant 0 : i32
            %dma_start3A_178 = arith.constant 0 : i32
            %dma_start3A_179 = tpu.memref_slice %arg13[%dma_start3A_177, %dma_start3A_178] : memref<10112x64xf32, #tpu.memory_space<vmem_shared>> -> memref<10112x64xf32, #tpu.memory_space<vmem_shared>>
            tpu.enqueue_indirect_dma source(%dma_start3A_179 : memref<10112x64xf32, #tpu.memory_space<vmem_shared>>) target(%dma_start3A_173 : memref<128x64xf32, #tpu.memory_space<vmem>>) offsets(%dma_start3A_176 : memref<128xi32, #tpu.memory_space<vmem>>) semaphore(%arg14 : memref<!tpu.dma_semaphore, #tpu.memory_space<semaphore_mem>>)
          } else {
          }
        } else {
        }
        %eq3A_130 = arith.constant 2 : i32
        %eq3A_131 = arith.cmpi eq, %rem3A_119, %eq3A_130 : i32
        %convert_element_type3A_132 = arith.extui %eq3A_131 : i1 to i32
        %cond3A_133 = arith.constant 0 : i32
        %cond3A_134 = arith.cmpi ne, %convert_element_type3A_132, %cond3A_133 : i32
        scf.if %cond3A_134 {
          %dma_wait3A_136 = arith.constant 2 : i32
          %dma_wait3A_137 = arith.constant 0 : i32
          %dma_wait3A_138 = arith.constant 0 : i32
          %dma_wait3A_139 = tpu.memref_slice %arg11[%dma_wait3A_136, %dma_wait3A_137, %dma_wait3A_138] : memref<3x128x64xf32, #tpu.memory_space<vmem>> -> memref<1x128x64xf32, #tpu.memory_space<vmem>>
          %dma_wait3A_140 = tpu.memref_squeeze %dma_wait3A_139 : memref<1x128x64xf32, #tpu.memory_space<vmem>> -> memref<128x64xf32, #tpu.memory_space<vmem>>
          %dma_wait3A_141 = arith.constant 0 : i32
          %dma_wait3A_142 = tpu.memref_slice %arg9[%scan3A_117, %dma_wait3A_141] : memref<79x128xi32, #tpu.memory_space<vmem>> -> memref<1x128xi32, #tpu.memory_space<vmem>>
          %dma_wait3A_143 = tpu.memref_squeeze %dma_wait3A_142 : memref<1x128xi32, #tpu.memory_space<vmem>> -> memref<128xi32, #tpu.memory_space<vmem>>
          %dma_wait3A_144 = arith.constant 0 : i32
          %dma_wait3A_145 = arith.constant 0 : i32
          %dma_wait3A_146 = tpu.memref_slice %arg13[%dma_wait3A_144, %dma_wait3A_145] : memref<10112x64xf32, #tpu.memory_space<vmem_shared>> -> memref<10112x64xf32, #tpu.memory_space<vmem_shared>>
          tpu.wait_indirect_dma semaphore(%arg16 : memref<!tpu.dma_semaphore, #tpu.memory_space<semaphore_mem>>) src(%dma_wait3A_146 : memref<10112x64xf32, #tpu.memory_space<vmem_shared>>) dst(%dma_wait3A_140 : memref<128x64xf32, #tpu.memory_space<vmem>>)
          %dma_start3A_147 = arith.constant 2 : i32
          %dma_start3A_148 = arith.constant 0 : i32
          %dma_start3A_149 = arith.constant 0 : i32
          %dma_start3A_150 = tpu.memref_slice %arg11[%dma_start3A_147, %dma_start3A_148, %dma_start3A_149] : memref<3x128x64xf32, #tpu.memory_space<vmem>> -> memref<1x128x64xf32, #tpu.memory_space<vmem>>
          %dma_start3A_151 = tpu.memref_squeeze %dma_start3A_150 : memref<1x128x64xf32, #tpu.memory_space<vmem>> -> memref<128x64xf32, #tpu.memory_space<vmem>>
          %dma_start3A_152 = arith.constant 0 : i32
          %dma_start3A_153 = tpu.memref_slice %arg10[%scan3A_117, %dma_start3A_152] : memref<79x128xi32, #tpu.memory_space<vmem>> -> memref<1x128xi32, #tpu.memory_space<vmem>>
          %dma_start3A_154 = tpu.memref_squeeze %dma_start3A_153 : memref<1x128xi32, #tpu.memory_space<vmem>> -> memref<128xi32, #tpu.memory_space<vmem>>
          %dma_start3A_155 = arith.constant 0 : i32
          %dma_start3A_156 = arith.constant 0 : i32
          %dma_start3A_157 = tpu.memref_slice %arg12[%dma_start3A_155, %dma_start3A_156] : memref<10112x64xf32, #tpu.memory_space<vmem_shared>> -> memref<10112x64xf32, #tpu.memory_space<vmem_shared>>
          tpu.enqueue_indirect_dma source(%dma_start3A_151 : memref<128x64xf32, #tpu.memory_space<vmem>>) target(%dma_start3A_157 : memref<10112x64xf32, #tpu.memory_space<vmem_shared>>) offsets(%dma_start3A_154 : memref<128xi32, #tpu.memory_space<vmem>>) semaphore(%arg19 : memref<!tpu.dma_semaphore, #tpu.memory_space<semaphore_mem>>) {add = true}
          %ge3A = arith.constant 1 : i32
          %ge3A_158 = arith.cmpi sge, %scan3A_117, %ge3A : i32
          %convert_element_type3A_159 = arith.extui %ge3A_158 : i1 to i32
          %cond3A_160 = arith.constant 0 : i32
          %cond3A_161 = arith.cmpi ne, %convert_element_type3A_159, %cond3A_160 : i32
          scf.if %cond3A_161 {
            %dma_wait3A_167 = arith.constant 1 : i32
            %dma_wait3A_168 = arith.constant 0 : i32
            %dma_wait3A_169 = arith.constant 0 : i32
            %dma_wait3A_170 = arith.constant 0 : i32
            %dma_wait3A_171 = tpu.memref_slice %arg11[%dma_wait3A_167, %dma_wait3A_169, %dma_wait3A_170] : memref<3x128x64xf32, #tpu.memory_space<vmem>> -> memref<1x128x64xf32, #tpu.memory_space<vmem>>
            %dma_wait3A_172 = tpu.memref_squeeze %dma_wait3A_171 : memref<1x128x64xf32, #tpu.memory_space<vmem>> -> memref<128x64xf32, #tpu.memory_space<vmem>>
            %dma_wait3A_173 = arith.constant 0 : i32
            %dma_wait3A_174 = tpu.memref_slice %arg10[%dma_wait3A_168, %dma_wait3A_173] : memref<79x128xi32, #tpu.memory_space<vmem>> -> memref<1x128xi32, #tpu.memory_space<vmem>>
            %dma_wait3A_175 = tpu.memref_squeeze %dma_wait3A_174 : memref<1x128xi32, #tpu.memory_space<vmem>> -> memref<128xi32, #tpu.memory_space<vmem>>
            %dma_wait3A_176 = arith.constant 0 : i32
            %dma_wait3A_177 = arith.constant 0 : i32
            %dma_wait3A_178 = tpu.memref_slice %arg12[%dma_wait3A_176, %dma_wait3A_177] : memref<10112x64xf32, #tpu.memory_space<vmem_shared>> -> memref<10112x64xf32, #tpu.memory_space<vmem_shared>>
            tpu.wait_indirect_dma semaphore(%arg18 : memref<!tpu.dma_semaphore, #tpu.memory_space<semaphore_mem>>) src(%dma_wait3A_172 : memref<128x64xf32, #tpu.memory_space<vmem>>) dst(%dma_wait3A_178 : memref<10112x64xf32, #tpu.memory_space<vmem_shared>>)
          } else {
          }
          %add3A = arith.constant 2 : i32
          %add3A_162 = arith.addi %scan3A_117, %add3A : i32
          %lt3A = arith.constant 79 : i32
          %lt3A_163 = arith.cmpi slt, %add3A_162, %lt3A : i32
          %convert_element_type3A_164 = arith.extui %lt3A_163 : i1 to i32
          %cond3A_165 = arith.constant 0 : i32
          %cond3A_166 = arith.cmpi ne, %convert_element_type3A_164, %cond3A_165 : i32
          scf.if %cond3A_166 {
            %add3A_167 = arith.constant 2 : i32
            %add3A_168 = arith.addi %scan3A_117, %add3A_167 : i32
            %dma_start3A_169 = arith.constant 1 : i32
            %dma_start3A_170 = arith.constant 0 : i32
            %dma_start3A_171 = arith.constant 0 : i32
            %dma_start3A_172 = tpu.memref_slice %arg11[%dma_start3A_169, %dma_start3A_170, %dma_start3A_171] : memref<3x128x64xf32, #tpu.memory_space<vmem>> -> memref<1x128x64xf32, #tpu.memory_space<vmem>>
            %dma_start3A_173 = tpu.memref_squeeze %dma_start3A_172 : memref<1x128x64xf32, #tpu.memory_space<vmem>> -> memref<128x64xf32, #tpu.memory_space<vmem>>
            %dma_start3A_174 = arith.constant 0 : i32
            %dma_start3A_175 = tpu.memref_slice %arg9[%add3A_168, %dma_start3A_174] : memref<79x128xi32, #tpu.memory_space<vmem>> -> memref<1x128xi32, #tpu.memory_space<vmem>>
            %dma_start3A_176 = tpu.memref_squeeze %dma_start3A_175 : memref<1x128xi32, #tpu.memory_space<vmem>> -> memref<128xi32, #tpu.memory_space<vmem>>
            %dma_start3A_177 = arith.constant 0 : i32
            %dma_start3A_178 = arith.constant 0 : i32
            %dma_start3A_179 = tpu.memref_slice %arg13[%dma_start3A_177, %dma_start3A_178] : memref<10112x64xf32, #tpu.memory_space<vmem_shared>> -> memref<10112x64xf32, #tpu.memory_space<vmem_shared>>
            tpu.enqueue_indirect_dma source(%dma_start3A_179 : memref<10112x64xf32, #tpu.memory_space<vmem_shared>>) target(%dma_start3A_173 : memref<128x64xf32, #tpu.memory_space<vmem>>) offsets(%dma_start3A_176 : memref<128xi32, #tpu.memory_space<vmem>>) semaphore(%arg15 : memref<!tpu.dma_semaphore, #tpu.memory_space<semaphore_mem>>)
          } else {
          }
        } else {
        }
        %scan3A_135 = arith.constant 0 : i32
        scf.yield %scan3A_135 : i32
      }
      %scan3A_104 = arith.constant 79 : i32
      %dma_wait3A_105 = arith.constant 0 : i32
      %dma_wait3A_106 = arith.constant 0 : i32
      %dma_wait3A_107 = arith.constant 0 : i32
      %dma_wait3A_108 = arith.constant 0 : i32
      %dma_wait3A_109 = tpu.memref_slice %arg11[%dma_wait3A_105, %dma_wait3A_107, %dma_wait3A_108] : memref<3x128x64xf32, #tpu.memory_space<vmem>> -> memref<1x128x64xf32, #tpu.memory_space<vmem>>
      %dma_wait3A_110 = tpu.memref_squeeze %dma_wait3A_109 : memref<1x128x64xf32, #tpu.memory_space<vmem>> -> memref<128x64xf32, #tpu.memory_space<vmem>>
      %dma_wait3A_111 = arith.constant 0 : i32
      %dma_wait3A_112 = tpu.memref_slice %arg10[%dma_wait3A_106, %dma_wait3A_111] : memref<79x128xi32, #tpu.memory_space<vmem>> -> memref<1x128xi32, #tpu.memory_space<vmem>>
      %dma_wait3A_113 = tpu.memref_squeeze %dma_wait3A_112 : memref<1x128xi32, #tpu.memory_space<vmem>> -> memref<128xi32, #tpu.memory_space<vmem>>
      %dma_wait3A_114 = arith.constant 0 : i32
      %dma_wait3A_115 = arith.constant 0 : i32
      %dma_wait3A_116 = tpu.memref_slice %arg12[%dma_wait3A_114, %dma_wait3A_115] : memref<10112x64xf32, #tpu.memory_space<vmem_shared>> -> memref<10112x64xf32, #tpu.memory_space<vmem_shared>>
      tpu.wait_indirect_dma semaphore(%arg17 : memref<!tpu.dma_semaphore, #tpu.memory_space<semaphore_mem>>) src(%dma_wait3A_110 : memref<128x64xf32, #tpu.memory_space<vmem>>) dst(%dma_wait3A_116 : memref<10112x64xf32, #tpu.memory_space<vmem_shared>>)
    } else {
    }
    %barrier3A = arith.constant 0 : index
    tpu.barrier barrier_id(%barrier3A)
    "tpu.region"() ({
      %run_scoped3A = tpu.sem_alloc : memref<!tpu.dma_semaphore, #tpu.memory_space<semaphore_mem>>
      %dma_start3A = arith.constant 0 : i32
      %dma_start3A_8 = tpu.memref_slice %arg8[%arg0, %mul3A_0, %dma_start3A] : memref<2x10112x64xf32, #tpu.memory_space<hbm>> -> memref<1x632x64xf32, #tpu.memory_space<hbm>>
      %dma_start3A_9 = tpu.memref_squeeze %dma_start3A_8 : memref<1x632x64xf32, #tpu.memory_space<hbm>> -> memref<632x64xf32, #tpu.memory_space<hbm>>
      %dma_start3A_10 = arith.constant 0 : i32
      %dma_start3A_11 = tpu.memref_slice %arg12[%mul3A_0, %dma_start3A_10] : memref<10112x64xf32, #tpu.memory_space<vmem_shared>> -> memref<632x64xf32, #tpu.memory_space<vmem_shared>>
      tpu.enqueue_dma source(%dma_start3A_11 : memref<632x64xf32, #tpu.memory_space<vmem_shared>>) target(%dma_start3A_9 : memref<632x64xf32, #tpu.memory_space<hbm>>) target_semaphore(%run_scoped3A : memref<!tpu.dma_semaphore, #tpu.memory_space<semaphore_mem>>)
      %dma_wait3A = arith.constant 0 : i32
      %dma_wait3A_12 = tpu.memref_slice %arg8[%arg0, %mul3A_0, %dma_wait3A] : memref<2x10112x64xf32, #tpu.memory_space<hbm>> -> memref<1x632x64xf32, #tpu.memory_space<hbm>>
      %dma_wait3A_13 = tpu.memref_squeeze %dma_wait3A_12 : memref<1x632x64xf32, #tpu.memory_space<hbm>> -> memref<632x64xf32, #tpu.memory_space<hbm>>
      %dma_wait3A_14 = arith.constant 0 : i32
      %dma_wait3A_15 = tpu.memref_slice %arg12[%mul3A_0, %dma_wait3A_14] : memref<10112x64xf32, #tpu.memory_space<vmem_shared>> -> memref<632x64xf32, #tpu.memory_space<vmem_shared>>
      tpu.wait_dma2 semaphore(%run_scoped3A : memref<!tpu.dma_semaphore, #tpu.memory_space<semaphore_mem>>) src(%dma_wait3A_15 : memref<632x64xf32, #tpu.memory_space<vmem_shared>>) dst(%dma_wait3A_13 : memref<632x64xf32, #tpu.memory_space<hbm>>)
      tpu.yield
    }) : () -> ()
    return
  }
}

#map = affine_map<(d0, d1) -> (0, 0)>
#map1 = affine_map<(d0, d1) -> (0, 0, 0)>
module attributes {stable_mosaic.version = 14 : i64} {
  func.func @_sc_aggregate_body(%arg0: i32, %arg1: i32, %arg2: memref<10112x64xf32, #tpu.memory_space<hbm>>, %arg3: memref<16x78x128xi32, #tpu.memory_space<hbm>>, %arg4: memref<16x78x128xi32, #tpu.memory_space<hbm>>, %arg5: memref<16x79x128xi32, #tpu.memory_space<hbm>>, %arg6: memref<16x79x128xi32, #tpu.memory_space<hbm>>, %arg7: memref<632x64xf32, #tpu.memory_space<hbm>>, %arg8: memref<2x10112x64xf32, #tpu.memory_space<hbm>>, %arg9: memref<79x128xi32, #tpu.memory_space<vmem>>, %arg10: memref<79x128xi32, #tpu.memory_space<vmem>>, %arg11: memref<3x128x64xf32, #tpu.memory_space<vmem>>, %arg12: memref<10112x64xf32, #tpu.memory_space<vmem_shared>>, %arg13: memref<10112x64xf32, #tpu.memory_space<vmem_shared>>, %arg14: memref<!tpu.dma_semaphore, #tpu.memory_space<semaphore_mem>>, %arg15: memref<!tpu.dma_semaphore, #tpu.memory_space<semaphore_mem>>, %arg16: memref<!tpu.dma_semaphore, #tpu.memory_space<semaphore_mem>>, %arg17: memref<!tpu.dma_semaphore, #tpu.memory_space<semaphore_mem>>, %arg18: memref<!tpu.dma_semaphore, #tpu.memory_space<semaphore_mem>>, %arg19: memref<!tpu.dma_semaphore, #tpu.memory_space<semaphore_mem>>) attributes {dimension_semantics = [#tpu.dimension_semantics<core_parallel>, #tpu.dimension_semantics<subcore_parallel>], iteration_bounds = array<i64: 2, 16>, scalar_prefetch = 0 : i64, scratch_operands = 11 : i64, tpu.core_type = #tpu.core_type<sc_vector_subcore>, window_params = [{transform_indices = #map}, {transform_indices = #map1}, {transform_indices = #map1}, {transform_indices = #map1}, {transform_indices = #map1}, {transform_indices = #map}, {transform_indices = #map1}]} {
    %mul3A = arith.constant 632 : i32
    %mul3A_0 = arith.muli %arg1, %mul3A : i32
    %eq3A = arith.constant 0 : i32
    %eq3A_1 = arith.cmpi eq, %arg0, %eq3A : i32
    %convert_element_type3A = arith.extui %eq3A_1 : i1 to i32
    %cond3A = arith.constant 0 : i32
    %cond3A_2 = arith.cmpi ne, %convert_element_type3A, %cond3A : i32
    scf.if %cond3A_2 {
      %dma_start3A = arith.constant 0 : i32
      %dma_start3A_8 = tpu.memref_slice %arg12[%mul3A_0, %dma_start3A] : memref<10112x64xf32, #tpu.memory_space<vmem_shared>> -> memref<632x64xf32, #tpu.memory_space<vmem_shared>>
      tpu.enqueue_dma source(%arg7 : memref<632x64xf32, #tpu.memory_space<hbm>>) target(%dma_start3A_8 : memref<632x64xf32, #tpu.memory_space<vmem_shared>>) target_semaphore(%arg17 : memref<!tpu.dma_semaphore, #tpu.memory_space<semaphore_mem>>)
      %dma_start3A_9 = arith.constant 0 : i32
      %dma_start3A_10 = tpu.memref_slice %arg13[%mul3A_0, %dma_start3A_9] : memref<10112x64xf32, #tpu.memory_space<vmem_shared>> -> memref<632x64xf32, #tpu.memory_space<vmem_shared>>
      %dma_start3A_11 = arith.constant 0 : i32
      %dma_start3A_12 = tpu.memref_slice %arg2[%mul3A_0, %dma_start3A_11] : memref<10112x64xf32, #tpu.memory_space<hbm>> -> memref<632x64xf32, #tpu.memory_space<hbm>>
      tpu.enqueue_dma source(%dma_start3A_12 : memref<632x64xf32, #tpu.memory_space<hbm>>) target(%dma_start3A_10 : memref<632x64xf32, #tpu.memory_space<vmem_shared>>) target_semaphore(%arg18 : memref<!tpu.dma_semaphore, #tpu.memory_space<semaphore_mem>>)
      %dma_start3A_13 = arith.constant 0 : i32
      %dma_start3A_14 = arith.constant 0 : i32
      %dma_start3A_15 = tpu.memref_slice %arg9[%dma_start3A_13, %dma_start3A_14] : memref<79x128xi32, #tpu.memory_space<vmem>> -> memref<78x128xi32, #tpu.memory_space<vmem>>
      %dma_start3A_16 = arith.constant 0 : i32
      %dma_start3A_17 = arith.constant 0 : i32
      %dma_start3A_18 = tpu.memref_slice %arg3[%arg1, %dma_start3A_16, %dma_start3A_17] : memref<16x78x128xi32, #tpu.memory_space<hbm>> -> memref<1x78x128xi32, #tpu.memory_space<hbm>>
      %dma_start3A_19 = tpu.memref_squeeze %dma_start3A_18 : memref<1x78x128xi32, #tpu.memory_space<hbm>> -> memref<78x128xi32, #tpu.memory_space<hbm>>
      %dma_start3A_20 = arith.constant 0 : i32
      %dma_start3A_21 = arith.constant 0 : i32
      %dma_start3A_22 = tpu.memref_slice %arg9[%dma_start3A_20, %dma_start3A_21] : memref<79x128xi32, #tpu.memory_space<vmem>> -> memref<78x128xi32, #tpu.memory_space<vmem>>
      %dma_start3A_23 = arith.constant 0 : i32
      %dma_start3A_24 = arith.constant 0 : i32
      %dma_start3A_25 = tpu.memref_slice %arg3[%arg1, %dma_start3A_23, %dma_start3A_24] : memref<16x78x128xi32, #tpu.memory_space<hbm>> -> memref<1x78x128xi32, #tpu.memory_space<hbm>>
      %dma_start3A_26 = tpu.memref_squeeze %dma_start3A_25 : memref<1x78x128xi32, #tpu.memory_space<hbm>> -> memref<78x128xi32, #tpu.memory_space<hbm>>
      tpu.enqueue_dma source(%dma_start3A_26 : memref<78x128xi32, #tpu.memory_space<hbm>>) target(%dma_start3A_22 : memref<78x128xi32, #tpu.memory_space<vmem>>) target_semaphore(%arg14 : memref<!tpu.dma_semaphore, #tpu.memory_space<semaphore_mem>>)
      %dma_start3A_27 = arith.constant 0 : i32
      %dma_start3A_28 = arith.constant 0 : i32
      %dma_start3A_29 = tpu.memref_slice %arg10[%dma_start3A_27, %dma_start3A_28] : memref<79x128xi32, #tpu.memory_space<vmem>> -> memref<78x128xi32, #tpu.memory_space<vmem>>
      %dma_start3A_30 = arith.constant 0 : i32
      %dma_start3A_31 = arith.constant 0 : i32
      %dma_start3A_32 = tpu.memref_slice %arg4[%arg1, %dma_start3A_30, %dma_start3A_31] : memref<16x78x128xi32, #tpu.memory_space<hbm>> -> memref<1x78x128xi32, #tpu.memory_space<hbm>>
      %dma_start3A_33 = tpu.memref_squeeze %dma_start3A_32 : memref<1x78x128xi32, #tpu.memory_space<hbm>> -> memref<78x128xi32, #tpu.memory_space<hbm>>
      %dma_start3A_34 = arith.constant 0 : i32
      %dma_start3A_35 = arith.constant 0 : i32
      %dma_start3A_36 = tpu.memref_slice %arg10[%dma_start3A_34, %dma_start3A_35] : memref<79x128xi32, #tpu.memory_space<vmem>> -> memref<78x128xi32, #tpu.memory_space<vmem>>
      %dma_start3A_37 = arith.constant 0 : i32
      %dma_start3A_38 = arith.constant 0 : i32
      %dma_start3A_39 = tpu.memref_slice %arg4[%arg1, %dma_start3A_37, %dma_start3A_38] : memref<16x78x128xi32, #tpu.memory_space<hbm>> -> memref<1x78x128xi32, #tpu.memory_space<hbm>>
      %dma_start3A_40 = tpu.memref_squeeze %dma_start3A_39 : memref<1x78x128xi32, #tpu.memory_space<hbm>> -> memref<78x128xi32, #tpu.memory_space<hbm>>
      tpu.enqueue_dma source(%dma_start3A_40 : memref<78x128xi32, #tpu.memory_space<hbm>>) target(%dma_start3A_36 : memref<78x128xi32, #tpu.memory_space<vmem>>) target_semaphore(%arg15 : memref<!tpu.dma_semaphore, #tpu.memory_space<semaphore_mem>>)
      %dma_wait3A = arith.constant 0 : i32
      %dma_wait3A_41 = tpu.memref_slice %arg12[%mul3A_0, %dma_wait3A] : memref<10112x64xf32, #tpu.memory_space<vmem_shared>> -> memref<632x64xf32, #tpu.memory_space<vmem_shared>>
      tpu.wait_dma2 semaphore(%arg17 : memref<!tpu.dma_semaphore, #tpu.memory_space<semaphore_mem>>) src(%arg7 : memref<632x64xf32, #tpu.memory_space<hbm>>) dst(%dma_wait3A_41 : memref<632x64xf32, #tpu.memory_space<vmem_shared>>)
      %dma_wait3A_42 = arith.constant 0 : i32
      %dma_wait3A_43 = tpu.memref_slice %arg13[%mul3A_0, %dma_wait3A_42] : memref<10112x64xf32, #tpu.memory_space<vmem_shared>> -> memref<632x64xf32, #tpu.memory_space<vmem_shared>>
      %dma_wait3A_44 = arith.constant 0 : i32
      %dma_wait3A_45 = tpu.memref_slice %arg2[%mul3A_0, %dma_wait3A_44] : memref<10112x64xf32, #tpu.memory_space<hbm>> -> memref<632x64xf32, #tpu.memory_space<hbm>>
      tpu.wait_dma2 semaphore(%arg18 : memref<!tpu.dma_semaphore, #tpu.memory_space<semaphore_mem>>) src(%dma_wait3A_45 : memref<632x64xf32, #tpu.memory_space<hbm>>) dst(%dma_wait3A_43 : memref<632x64xf32, #tpu.memory_space<vmem_shared>>)
      %dma_wait3A_46 = arith.constant 0 : i32
      %dma_wait3A_47 = arith.constant 0 : i32
      %dma_wait3A_48 = tpu.memref_slice %arg9[%dma_wait3A_46, %dma_wait3A_47] : memref<79x128xi32, #tpu.memory_space<vmem>> -> memref<78x128xi32, #tpu.memory_space<vmem>>
      %dma_wait3A_49 = arith.constant 0 : i32
      %dma_wait3A_50 = arith.constant 0 : i32
      %dma_wait3A_51 = tpu.memref_slice %arg3[%arg1, %dma_wait3A_49, %dma_wait3A_50] : memref<16x78x128xi32, #tpu.memory_space<hbm>> -> memref<1x78x128xi32, #tpu.memory_space<hbm>>
      %dma_wait3A_52 = tpu.memref_squeeze %dma_wait3A_51 : memref<1x78x128xi32, #tpu.memory_space<hbm>> -> memref<78x128xi32, #tpu.memory_space<hbm>>
      %dma_wait3A_53 = arith.constant 0 : i32
      %dma_wait3A_54 = arith.constant 0 : i32
      %dma_wait3A_55 = tpu.memref_slice %arg9[%dma_wait3A_53, %dma_wait3A_54] : memref<79x128xi32, #tpu.memory_space<vmem>> -> memref<78x128xi32, #tpu.memory_space<vmem>>
      %dma_wait3A_56 = arith.constant 0 : i32
      %dma_wait3A_57 = arith.constant 0 : i32
      %dma_wait3A_58 = tpu.memref_slice %arg3[%arg1, %dma_wait3A_56, %dma_wait3A_57] : memref<16x78x128xi32, #tpu.memory_space<hbm>> -> memref<1x78x128xi32, #tpu.memory_space<hbm>>
      %dma_wait3A_59 = tpu.memref_squeeze %dma_wait3A_58 : memref<1x78x128xi32, #tpu.memory_space<hbm>> -> memref<78x128xi32, #tpu.memory_space<hbm>>
      tpu.wait_dma2 semaphore(%arg14 : memref<!tpu.dma_semaphore, #tpu.memory_space<semaphore_mem>>) src(%dma_wait3A_59 : memref<78x128xi32, #tpu.memory_space<hbm>>) dst(%dma_wait3A_55 : memref<78x128xi32, #tpu.memory_space<vmem>>)
      %dma_wait3A_60 = arith.constant 0 : i32
      %dma_wait3A_61 = arith.constant 0 : i32
      %dma_wait3A_62 = tpu.memref_slice %arg10[%dma_wait3A_60, %dma_wait3A_61] : memref<79x128xi32, #tpu.memory_space<vmem>> -> memref<78x128xi32, #tpu.memory_space<vmem>>
      %dma_wait3A_63 = arith.constant 0 : i32
      %dma_wait3A_64 = arith.constant 0 : i32
      %dma_wait3A_65 = tpu.memref_slice %arg4[%arg1, %dma_wait3A_63, %dma_wait3A_64] : memref<16x78x128xi32, #tpu.memory_space<hbm>> -> memref<1x78x128xi32, #tpu.memory_space<hbm>>
      %dma_wait3A_66 = tpu.memref_squeeze %dma_wait3A_65 : memref<1x78x128xi32, #tpu.memory_space<hbm>> -> memref<78x128xi32, #tpu.memory_space<hbm>>
      %dma_wait3A_67 = arith.constant 0 : i32
      %dma_wait3A_68 = arith.constant 0 : i32
      %dma_wait3A_69 = tpu.memref_slice %arg10[%dma_wait3A_67, %dma_wait3A_68] : memref<79x128xi32, #tpu.memory_space<vmem>> -> memref<78x128xi32, #tpu.memory_space<vmem>>
      %dma_wait3A_70 = arith.constant 0 : i32
      %dma_wait3A_71 = arith.constant 0 : i32
      %dma_wait3A_72 = tpu.memref_slice %arg4[%arg1, %dma_wait3A_70, %dma_wait3A_71] : memref<16x78x128xi32, #tpu.memory_space<hbm>> -> memref<1x78x128xi32, #tpu.memory_space<hbm>>
      %dma_wait3A_73 = tpu.memref_squeeze %dma_wait3A_72 : memref<1x78x128xi32, #tpu.memory_space<hbm>> -> memref<78x128xi32, #tpu.memory_space<hbm>>
      tpu.wait_dma2 semaphore(%arg15 : memref<!tpu.dma_semaphore, #tpu.memory_space<semaphore_mem>>) src(%dma_wait3A_73 : memref<78x128xi32, #tpu.memory_space<hbm>>) dst(%dma_wait3A_69 : memref<78x128xi32, #tpu.memory_space<vmem>>)
      %barrier3A_74 = arith.constant 0 : index
      tpu.barrier barrier_id(%barrier3A_74)
      %dma_start3A_75 = arith.constant 0 : i32
      %dma_start3A_76 = arith.constant 0 : i32
      %dma_start3A_77 = arith.constant 0 : i32
      %dma_start3A_78 = arith.constant 0 : i32
      %dma_start3A_79 = tpu.memref_slice %arg11[%dma_start3A_76, %dma_start3A_77, %dma_start3A_78] : memref<3x128x64xf32, #tpu.memory_space<vmem>> -> memref<1x128x64xf32, #tpu.memory_space<vmem>>
      %dma_start3A_80 = tpu.memref_squeeze %dma_start3A_79 : memref<1x128x64xf32, #tpu.memory_space<vmem>> -> memref<128x64xf32, #tpu.memory_space<vmem>>
      %dma_start3A_81 = arith.constant 0 : i32
      %dma_start3A_82 = tpu.memref_slice %arg9[%dma_start3A_75, %dma_start3A_81] : memref<79x128xi32, #tpu.memory_space<vmem>> -> memref<1x128xi32, #tpu.memory_space<vmem>>
      %dma_start3A_83 = tpu.memref_squeeze %dma_start3A_82 : memref<1x128xi32, #tpu.memory_space<vmem>> -> memref<128xi32, #tpu.memory_space<vmem>>
      %dma_start3A_84 = arith.constant 0 : i32
      %dma_start3A_85 = arith.constant 0 : i32
      %dma_start3A_86 = tpu.memref_slice %arg13[%dma_start3A_84, %dma_start3A_85] : memref<10112x64xf32, #tpu.memory_space<vmem_shared>> -> memref<10112x64xf32, #tpu.memory_space<vmem_shared>>
      tpu.enqueue_indirect_dma source(%dma_start3A_86 : memref<10112x64xf32, #tpu.memory_space<vmem_shared>>) target(%dma_start3A_80 : memref<128x64xf32, #tpu.memory_space<vmem>>) offsets(%dma_start3A_83 : memref<128xi32, #tpu.memory_space<vmem>>) semaphore(%arg14 : memref<!tpu.dma_semaphore, #tpu.memory_space<semaphore_mem>>)
      %dma_start3A_87 = arith.constant 1 : i32
      %dma_start3A_88 = arith.constant 1 : i32
      %dma_start3A_89 = arith.constant 0 : i32
      %dma_start3A_90 = arith.constant 0 : i32
      %dma_start3A_91 = tpu.memref_slice %arg11[%dma_start3A_88, %dma_start3A_89, %dma_start3A_90] : memref<3x128x64xf32, #tpu.memory_space<vmem>> -> memref<1x128x64xf32, #tpu.memory_space<vmem>>
      %dma_start3A_92 = tpu.memref_squeeze %dma_start3A_91 : memref<1x128x64xf32, #tpu.memory_space<vmem>> -> memref<128x64xf32, #tpu.memory_space<vmem>>
      %dma_start3A_93 = arith.constant 0 : i32
      %dma_start3A_94 = tpu.memref_slice %arg9[%dma_start3A_87, %dma_start3A_93] : memref<79x128xi32, #tpu.memory_space<vmem>> -> memref<1x128xi32, #tpu.memory_space<vmem>>
      %dma_start3A_95 = tpu.memref_squeeze %dma_start3A_94 : memref<1x128xi32, #tpu.memory_space<vmem>> -> memref<128xi32, #tpu.memory_space<vmem>>
      %dma_start3A_96 = arith.constant 0 : i32
      %dma_start3A_97 = arith.constant 0 : i32
      %dma_start3A_98 = tpu.memref_slice %arg13[%dma_start3A_96, %dma_start3A_97] : memref<10112x64xf32, #tpu.memory_space<vmem_shared>> -> memref<10112x64xf32, #tpu.memory_space<vmem_shared>>
      tpu.enqueue_indirect_dma source(%dma_start3A_98 : memref<10112x64xf32, #tpu.memory_space<vmem_shared>>) target(%dma_start3A_92 : memref<128x64xf32, #tpu.memory_space<vmem>>) offsets(%dma_start3A_95 : memref<128xi32, #tpu.memory_space<vmem>>) semaphore(%arg15 : memref<!tpu.dma_semaphore, #tpu.memory_space<semaphore_mem>>)
      %scan3A = arith.constant 0 : i32
      %scan3A_99 = arith.constant 0 : i32
      %scan3A_100 = arith.constant 78 : i32
      %scan3A_101 = arith.addi %scan3A_99, %scan3A_100 : i32
      %scan3A_102 = arith.constant 1 : i32
      %scan3A_103 = scf.for %scan3A_117 = %scan3A_99 to %scan3A_101 step %scan3A_102 iter_args(%scan3A_118 = %scan3A) -> (i32)  : i32 {
        %rem3A = arith.constant 3 : i32
        %rem3A_119 = arith.remsi %scan3A_117, %rem3A : i32
        %eq3A_120 = arith.constant 0 : i32
        %eq3A_121 = arith.cmpi eq, %rem3A_119, %eq3A_120 : i32
        %convert_element_type3A_122 = arith.extui %eq3A_121 : i1 to i32
        %cond3A_123 = arith.constant 0 : i32
        %cond3A_124 = arith.cmpi ne, %convert_element_type3A_122, %cond3A_123 : i32
        scf.if %cond3A_124 {
          %dma_wait3A_136 = arith.constant 0 : i32
          %dma_wait3A_137 = arith.constant 0 : i32
          %dma_wait3A_138 = arith.constant 0 : i32
          %dma_wait3A_139 = tpu.memref_slice %arg11[%dma_wait3A_136, %dma_wait3A_137, %dma_wait3A_138] : memref<3x128x64xf32, #tpu.memory_space<vmem>> -> memref<1x128x64xf32, #tpu.memory_space<vmem>>
          %dma_wait3A_140 = tpu.memref_squeeze %dma_wait3A_139 : memref<1x128x64xf32, #tpu.memory_space<vmem>> -> memref<128x64xf32, #tpu.memory_space<vmem>>
          %dma_wait3A_141 = arith.constant 0 : i32
          %dma_wait3A_142 = tpu.memref_slice %arg9[%scan3A_117, %dma_wait3A_141] : memref<79x128xi32, #tpu.memory_space<vmem>> -> memref<1x128xi32, #tpu.memory_space<vmem>>
          %dma_wait3A_143 = tpu.memref_squeeze %dma_wait3A_142 : memref<1x128xi32, #tpu.memory_space<vmem>> -> memref<128xi32, #tpu.memory_space<vmem>>
          %dma_wait3A_144 = arith.constant 0 : i32
          %dma_wait3A_145 = arith.constant 0 : i32
          %dma_wait3A_146 = tpu.memref_slice %arg13[%dma_wait3A_144, %dma_wait3A_145] : memref<10112x64xf32, #tpu.memory_space<vmem_shared>> -> memref<10112x64xf32, #tpu.memory_space<vmem_shared>>
          tpu.wait_indirect_dma semaphore(%arg14 : memref<!tpu.dma_semaphore, #tpu.memory_space<semaphore_mem>>) src(%dma_wait3A_146 : memref<10112x64xf32, #tpu.memory_space<vmem_shared>>) dst(%dma_wait3A_140 : memref<128x64xf32, #tpu.memory_space<vmem>>)
          %dma_start3A_147 = arith.constant 0 : i32
          %dma_start3A_148 = arith.constant 0 : i32
          %dma_start3A_149 = arith.constant 0 : i32
          %dma_start3A_150 = tpu.memref_slice %arg11[%dma_start3A_147, %dma_start3A_148, %dma_start3A_149] : memref<3x128x64xf32, #tpu.memory_space<vmem>> -> memref<1x128x64xf32, #tpu.memory_space<vmem>>
          %dma_start3A_151 = tpu.memref_squeeze %dma_start3A_150 : memref<1x128x64xf32, #tpu.memory_space<vmem>> -> memref<128x64xf32, #tpu.memory_space<vmem>>
          %dma_start3A_152 = arith.constant 0 : i32
          %dma_start3A_153 = tpu.memref_slice %arg10[%scan3A_117, %dma_start3A_152] : memref<79x128xi32, #tpu.memory_space<vmem>> -> memref<1x128xi32, #tpu.memory_space<vmem>>
          %dma_start3A_154 = tpu.memref_squeeze %dma_start3A_153 : memref<1x128xi32, #tpu.memory_space<vmem>> -> memref<128xi32, #tpu.memory_space<vmem>>
          %dma_start3A_155 = arith.constant 0 : i32
          %dma_start3A_156 = arith.constant 0 : i32
          %dma_start3A_157 = tpu.memref_slice %arg12[%dma_start3A_155, %dma_start3A_156] : memref<10112x64xf32, #tpu.memory_space<vmem_shared>> -> memref<10112x64xf32, #tpu.memory_space<vmem_shared>>
          tpu.enqueue_indirect_dma source(%dma_start3A_151 : memref<128x64xf32, #tpu.memory_space<vmem>>) target(%dma_start3A_157 : memref<10112x64xf32, #tpu.memory_space<vmem_shared>>) offsets(%dma_start3A_154 : memref<128xi32, #tpu.memory_space<vmem>>) semaphore(%arg17 : memref<!tpu.dma_semaphore, #tpu.memory_space<semaphore_mem>>) {add = true}
          %ge3A = arith.constant 1 : i32
          %ge3A_158 = arith.cmpi sge, %scan3A_117, %ge3A : i32
          %convert_element_type3A_159 = arith.extui %ge3A_158 : i1 to i32
          %cond3A_160 = arith.constant 0 : i32
          %cond3A_161 = arith.cmpi ne, %convert_element_type3A_159, %cond3A_160 : i32
          scf.if %cond3A_161 {
            %dma_wait3A_167 = arith.constant 2 : i32
            %dma_wait3A_168 = arith.constant 0 : i32
            %dma_wait3A_169 = arith.constant 0 : i32
            %dma_wait3A_170 = arith.constant 0 : i32
            %dma_wait3A_171 = tpu.memref_slice %arg11[%dma_wait3A_167, %dma_wait3A_169, %dma_wait3A_170] : memref<3x128x64xf32, #tpu.memory_space<vmem>> -> memref<1x128x64xf32, #tpu.memory_space<vmem>>
            %dma_wait3A_172 = tpu.memref_squeeze %dma_wait3A_171 : memref<1x128x64xf32, #tpu.memory_space<vmem>> -> memref<128x64xf32, #tpu.memory_space<vmem>>
            %dma_wait3A_173 = arith.constant 0 : i32
            %dma_wait3A_174 = tpu.memref_slice %arg10[%dma_wait3A_168, %dma_wait3A_173] : memref<79x128xi32, #tpu.memory_space<vmem>> -> memref<1x128xi32, #tpu.memory_space<vmem>>
            %dma_wait3A_175 = tpu.memref_squeeze %dma_wait3A_174 : memref<1x128xi32, #tpu.memory_space<vmem>> -> memref<128xi32, #tpu.memory_space<vmem>>
            %dma_wait3A_176 = arith.constant 0 : i32
            %dma_wait3A_177 = arith.constant 0 : i32
            %dma_wait3A_178 = tpu.memref_slice %arg12[%dma_wait3A_176, %dma_wait3A_177] : memref<10112x64xf32, #tpu.memory_space<vmem_shared>> -> memref<10112x64xf32, #tpu.memory_space<vmem_shared>>
            tpu.wait_indirect_dma semaphore(%arg19 : memref<!tpu.dma_semaphore, #tpu.memory_space<semaphore_mem>>) src(%dma_wait3A_172 : memref<128x64xf32, #tpu.memory_space<vmem>>) dst(%dma_wait3A_178 : memref<10112x64xf32, #tpu.memory_space<vmem_shared>>)
          } else {
          }
          %add3A = arith.constant 2 : i32
          %add3A_162 = arith.addi %scan3A_117, %add3A : i32
          %lt3A = arith.constant 78 : i32
          %lt3A_163 = arith.cmpi slt, %add3A_162, %lt3A : i32
          %convert_element_type3A_164 = arith.extui %lt3A_163 : i1 to i32
          %cond3A_165 = arith.constant 0 : i32
          %cond3A_166 = arith.cmpi ne, %convert_element_type3A_164, %cond3A_165 : i32
          scf.if %cond3A_166 {
            %add3A_167 = arith.constant 2 : i32
            %add3A_168 = arith.addi %scan3A_117, %add3A_167 : i32
            %dma_start3A_169 = arith.constant 2 : i32
            %dma_start3A_170 = arith.constant 0 : i32
            %dma_start3A_171 = arith.constant 0 : i32
            %dma_start3A_172 = tpu.memref_slice %arg11[%dma_start3A_169, %dma_start3A_170, %dma_start3A_171] : memref<3x128x64xf32, #tpu.memory_space<vmem>> -> memref<1x128x64xf32, #tpu.memory_space<vmem>>
            %dma_start3A_173 = tpu.memref_squeeze %dma_start3A_172 : memref<1x128x64xf32, #tpu.memory_space<vmem>> -> memref<128x64xf32, #tpu.memory_space<vmem>>
            %dma_start3A_174 = arith.constant 0 : i32
            %dma_start3A_175 = tpu.memref_slice %arg9[%add3A_168, %dma_start3A_174] : memref<79x128xi32, #tpu.memory_space<vmem>> -> memref<1x128xi32, #tpu.memory_space<vmem>>
            %dma_start3A_176 = tpu.memref_squeeze %dma_start3A_175 : memref<1x128xi32, #tpu.memory_space<vmem>> -> memref<128xi32, #tpu.memory_space<vmem>>
            %dma_start3A_177 = arith.constant 0 : i32
            %dma_start3A_178 = arith.constant 0 : i32
            %dma_start3A_179 = tpu.memref_slice %arg13[%dma_start3A_177, %dma_start3A_178] : memref<10112x64xf32, #tpu.memory_space<vmem_shared>> -> memref<10112x64xf32, #tpu.memory_space<vmem_shared>>
            tpu.enqueue_indirect_dma source(%dma_start3A_179 : memref<10112x64xf32, #tpu.memory_space<vmem_shared>>) target(%dma_start3A_173 : memref<128x64xf32, #tpu.memory_space<vmem>>) offsets(%dma_start3A_176 : memref<128xi32, #tpu.memory_space<vmem>>) semaphore(%arg16 : memref<!tpu.dma_semaphore, #tpu.memory_space<semaphore_mem>>)
          } else {
          }
        } else {
        }
        %eq3A_125 = arith.constant 1 : i32
        %eq3A_126 = arith.cmpi eq, %rem3A_119, %eq3A_125 : i32
        %convert_element_type3A_127 = arith.extui %eq3A_126 : i1 to i32
        %cond3A_128 = arith.constant 0 : i32
        %cond3A_129 = arith.cmpi ne, %convert_element_type3A_127, %cond3A_128 : i32
        scf.if %cond3A_129 {
          %dma_wait3A_136 = arith.constant 1 : i32
          %dma_wait3A_137 = arith.constant 0 : i32
          %dma_wait3A_138 = arith.constant 0 : i32
          %dma_wait3A_139 = tpu.memref_slice %arg11[%dma_wait3A_136, %dma_wait3A_137, %dma_wait3A_138] : memref<3x128x64xf32, #tpu.memory_space<vmem>> -> memref<1x128x64xf32, #tpu.memory_space<vmem>>
          %dma_wait3A_140 = tpu.memref_squeeze %dma_wait3A_139 : memref<1x128x64xf32, #tpu.memory_space<vmem>> -> memref<128x64xf32, #tpu.memory_space<vmem>>
          %dma_wait3A_141 = arith.constant 0 : i32
          %dma_wait3A_142 = tpu.memref_slice %arg9[%scan3A_117, %dma_wait3A_141] : memref<79x128xi32, #tpu.memory_space<vmem>> -> memref<1x128xi32, #tpu.memory_space<vmem>>
          %dma_wait3A_143 = tpu.memref_squeeze %dma_wait3A_142 : memref<1x128xi32, #tpu.memory_space<vmem>> -> memref<128xi32, #tpu.memory_space<vmem>>
          %dma_wait3A_144 = arith.constant 0 : i32
          %dma_wait3A_145 = arith.constant 0 : i32
          %dma_wait3A_146 = tpu.memref_slice %arg13[%dma_wait3A_144, %dma_wait3A_145] : memref<10112x64xf32, #tpu.memory_space<vmem_shared>> -> memref<10112x64xf32, #tpu.memory_space<vmem_shared>>
          tpu.wait_indirect_dma semaphore(%arg15 : memref<!tpu.dma_semaphore, #tpu.memory_space<semaphore_mem>>) src(%dma_wait3A_146 : memref<10112x64xf32, #tpu.memory_space<vmem_shared>>) dst(%dma_wait3A_140 : memref<128x64xf32, #tpu.memory_space<vmem>>)
          %dma_start3A_147 = arith.constant 1 : i32
          %dma_start3A_148 = arith.constant 0 : i32
          %dma_start3A_149 = arith.constant 0 : i32
          %dma_start3A_150 = tpu.memref_slice %arg11[%dma_start3A_147, %dma_start3A_148, %dma_start3A_149] : memref<3x128x64xf32, #tpu.memory_space<vmem>> -> memref<1x128x64xf32, #tpu.memory_space<vmem>>
          %dma_start3A_151 = tpu.memref_squeeze %dma_start3A_150 : memref<1x128x64xf32, #tpu.memory_space<vmem>> -> memref<128x64xf32, #tpu.memory_space<vmem>>
          %dma_start3A_152 = arith.constant 0 : i32
          %dma_start3A_153 = tpu.memref_slice %arg10[%scan3A_117, %dma_start3A_152] : memref<79x128xi32, #tpu.memory_space<vmem>> -> memref<1x128xi32, #tpu.memory_space<vmem>>
          %dma_start3A_154 = tpu.memref_squeeze %dma_start3A_153 : memref<1x128xi32, #tpu.memory_space<vmem>> -> memref<128xi32, #tpu.memory_space<vmem>>
          %dma_start3A_155 = arith.constant 0 : i32
          %dma_start3A_156 = arith.constant 0 : i32
          %dma_start3A_157 = tpu.memref_slice %arg12[%dma_start3A_155, %dma_start3A_156] : memref<10112x64xf32, #tpu.memory_space<vmem_shared>> -> memref<10112x64xf32, #tpu.memory_space<vmem_shared>>
          tpu.enqueue_indirect_dma source(%dma_start3A_151 : memref<128x64xf32, #tpu.memory_space<vmem>>) target(%dma_start3A_157 : memref<10112x64xf32, #tpu.memory_space<vmem_shared>>) offsets(%dma_start3A_154 : memref<128xi32, #tpu.memory_space<vmem>>) semaphore(%arg18 : memref<!tpu.dma_semaphore, #tpu.memory_space<semaphore_mem>>) {add = true}
          %ge3A = arith.constant 1 : i32
          %ge3A_158 = arith.cmpi sge, %scan3A_117, %ge3A : i32
          %convert_element_type3A_159 = arith.extui %ge3A_158 : i1 to i32
          %cond3A_160 = arith.constant 0 : i32
          %cond3A_161 = arith.cmpi ne, %convert_element_type3A_159, %cond3A_160 : i32
          scf.if %cond3A_161 {
            %dma_wait3A_167 = arith.constant 0 : i32
            %dma_wait3A_168 = arith.constant 0 : i32
            %dma_wait3A_169 = arith.constant 0 : i32
            %dma_wait3A_170 = arith.constant 0 : i32
            %dma_wait3A_171 = tpu.memref_slice %arg11[%dma_wait3A_167, %dma_wait3A_169, %dma_wait3A_170] : memref<3x128x64xf32, #tpu.memory_space<vmem>> -> memref<1x128x64xf32, #tpu.memory_space<vmem>>
            %dma_wait3A_172 = tpu.memref_squeeze %dma_wait3A_171 : memref<1x128x64xf32, #tpu.memory_space<vmem>> -> memref<128x64xf32, #tpu.memory_space<vmem>>
            %dma_wait3A_173 = arith.constant 0 : i32
            %dma_wait3A_174 = tpu.memref_slice %arg10[%dma_wait3A_168, %dma_wait3A_173] : memref<79x128xi32, #tpu.memory_space<vmem>> -> memref<1x128xi32, #tpu.memory_space<vmem>>
            %dma_wait3A_175 = tpu.memref_squeeze %dma_wait3A_174 : memref<1x128xi32, #tpu.memory_space<vmem>> -> memref<128xi32, #tpu.memory_space<vmem>>
            %dma_wait3A_176 = arith.constant 0 : i32
            %dma_wait3A_177 = arith.constant 0 : i32
            %dma_wait3A_178 = tpu.memref_slice %arg12[%dma_wait3A_176, %dma_wait3A_177] : memref<10112x64xf32, #tpu.memory_space<vmem_shared>> -> memref<10112x64xf32, #tpu.memory_space<vmem_shared>>
            tpu.wait_indirect_dma semaphore(%arg17 : memref<!tpu.dma_semaphore, #tpu.memory_space<semaphore_mem>>) src(%dma_wait3A_172 : memref<128x64xf32, #tpu.memory_space<vmem>>) dst(%dma_wait3A_178 : memref<10112x64xf32, #tpu.memory_space<vmem_shared>>)
          } else {
          }
          %add3A = arith.constant 2 : i32
          %add3A_162 = arith.addi %scan3A_117, %add3A : i32
          %lt3A = arith.constant 78 : i32
          %lt3A_163 = arith.cmpi slt, %add3A_162, %lt3A : i32
          %convert_element_type3A_164 = arith.extui %lt3A_163 : i1 to i32
          %cond3A_165 = arith.constant 0 : i32
          %cond3A_166 = arith.cmpi ne, %convert_element_type3A_164, %cond3A_165 : i32
          scf.if %cond3A_166 {
            %add3A_167 = arith.constant 2 : i32
            %add3A_168 = arith.addi %scan3A_117, %add3A_167 : i32
            %dma_start3A_169 = arith.constant 0 : i32
            %dma_start3A_170 = arith.constant 0 : i32
            %dma_start3A_171 = arith.constant 0 : i32
            %dma_start3A_172 = tpu.memref_slice %arg11[%dma_start3A_169, %dma_start3A_170, %dma_start3A_171] : memref<3x128x64xf32, #tpu.memory_space<vmem>> -> memref<1x128x64xf32, #tpu.memory_space<vmem>>
            %dma_start3A_173 = tpu.memref_squeeze %dma_start3A_172 : memref<1x128x64xf32, #tpu.memory_space<vmem>> -> memref<128x64xf32, #tpu.memory_space<vmem>>
            %dma_start3A_174 = arith.constant 0 : i32
            %dma_start3A_175 = tpu.memref_slice %arg9[%add3A_168, %dma_start3A_174] : memref<79x128xi32, #tpu.memory_space<vmem>> -> memref<1x128xi32, #tpu.memory_space<vmem>>
            %dma_start3A_176 = tpu.memref_squeeze %dma_start3A_175 : memref<1x128xi32, #tpu.memory_space<vmem>> -> memref<128xi32, #tpu.memory_space<vmem>>
            %dma_start3A_177 = arith.constant 0 : i32
            %dma_start3A_178 = arith.constant 0 : i32
            %dma_start3A_179 = tpu.memref_slice %arg13[%dma_start3A_177, %dma_start3A_178] : memref<10112x64xf32, #tpu.memory_space<vmem_shared>> -> memref<10112x64xf32, #tpu.memory_space<vmem_shared>>
            tpu.enqueue_indirect_dma source(%dma_start3A_179 : memref<10112x64xf32, #tpu.memory_space<vmem_shared>>) target(%dma_start3A_173 : memref<128x64xf32, #tpu.memory_space<vmem>>) offsets(%dma_start3A_176 : memref<128xi32, #tpu.memory_space<vmem>>) semaphore(%arg14 : memref<!tpu.dma_semaphore, #tpu.memory_space<semaphore_mem>>)
          } else {
          }
        } else {
        }
        %eq3A_130 = arith.constant 2 : i32
        %eq3A_131 = arith.cmpi eq, %rem3A_119, %eq3A_130 : i32
        %convert_element_type3A_132 = arith.extui %eq3A_131 : i1 to i32
        %cond3A_133 = arith.constant 0 : i32
        %cond3A_134 = arith.cmpi ne, %convert_element_type3A_132, %cond3A_133 : i32
        scf.if %cond3A_134 {
          %dma_wait3A_136 = arith.constant 2 : i32
          %dma_wait3A_137 = arith.constant 0 : i32
          %dma_wait3A_138 = arith.constant 0 : i32
          %dma_wait3A_139 = tpu.memref_slice %arg11[%dma_wait3A_136, %dma_wait3A_137, %dma_wait3A_138] : memref<3x128x64xf32, #tpu.memory_space<vmem>> -> memref<1x128x64xf32, #tpu.memory_space<vmem>>
          %dma_wait3A_140 = tpu.memref_squeeze %dma_wait3A_139 : memref<1x128x64xf32, #tpu.memory_space<vmem>> -> memref<128x64xf32, #tpu.memory_space<vmem>>
          %dma_wait3A_141 = arith.constant 0 : i32
          %dma_wait3A_142 = tpu.memref_slice %arg9[%scan3A_117, %dma_wait3A_141] : memref<79x128xi32, #tpu.memory_space<vmem>> -> memref<1x128xi32, #tpu.memory_space<vmem>>
          %dma_wait3A_143 = tpu.memref_squeeze %dma_wait3A_142 : memref<1x128xi32, #tpu.memory_space<vmem>> -> memref<128xi32, #tpu.memory_space<vmem>>
          %dma_wait3A_144 = arith.constant 0 : i32
          %dma_wait3A_145 = arith.constant 0 : i32
          %dma_wait3A_146 = tpu.memref_slice %arg13[%dma_wait3A_144, %dma_wait3A_145] : memref<10112x64xf32, #tpu.memory_space<vmem_shared>> -> memref<10112x64xf32, #tpu.memory_space<vmem_shared>>
          tpu.wait_indirect_dma semaphore(%arg16 : memref<!tpu.dma_semaphore, #tpu.memory_space<semaphore_mem>>) src(%dma_wait3A_146 : memref<10112x64xf32, #tpu.memory_space<vmem_shared>>) dst(%dma_wait3A_140 : memref<128x64xf32, #tpu.memory_space<vmem>>)
          %dma_start3A_147 = arith.constant 2 : i32
          %dma_start3A_148 = arith.constant 0 : i32
          %dma_start3A_149 = arith.constant 0 : i32
          %dma_start3A_150 = tpu.memref_slice %arg11[%dma_start3A_147, %dma_start3A_148, %dma_start3A_149] : memref<3x128x64xf32, #tpu.memory_space<vmem>> -> memref<1x128x64xf32, #tpu.memory_space<vmem>>
          %dma_start3A_151 = tpu.memref_squeeze %dma_start3A_150 : memref<1x128x64xf32, #tpu.memory_space<vmem>> -> memref<128x64xf32, #tpu.memory_space<vmem>>
          %dma_start3A_152 = arith.constant 0 : i32
          %dma_start3A_153 = tpu.memref_slice %arg10[%scan3A_117, %dma_start3A_152] : memref<79x128xi32, #tpu.memory_space<vmem>> -> memref<1x128xi32, #tpu.memory_space<vmem>>
          %dma_start3A_154 = tpu.memref_squeeze %dma_start3A_153 : memref<1x128xi32, #tpu.memory_space<vmem>> -> memref<128xi32, #tpu.memory_space<vmem>>
          %dma_start3A_155 = arith.constant 0 : i32
          %dma_start3A_156 = arith.constant 0 : i32
          %dma_start3A_157 = tpu.memref_slice %arg12[%dma_start3A_155, %dma_start3A_156] : memref<10112x64xf32, #tpu.memory_space<vmem_shared>> -> memref<10112x64xf32, #tpu.memory_space<vmem_shared>>
          tpu.enqueue_indirect_dma source(%dma_start3A_151 : memref<128x64xf32, #tpu.memory_space<vmem>>) target(%dma_start3A_157 : memref<10112x64xf32, #tpu.memory_space<vmem_shared>>) offsets(%dma_start3A_154 : memref<128xi32, #tpu.memory_space<vmem>>) semaphore(%arg19 : memref<!tpu.dma_semaphore, #tpu.memory_space<semaphore_mem>>) {add = true}
          %ge3A = arith.constant 1 : i32
          %ge3A_158 = arith.cmpi sge, %scan3A_117, %ge3A : i32
          %convert_element_type3A_159 = arith.extui %ge3A_158 : i1 to i32
          %cond3A_160 = arith.constant 0 : i32
          %cond3A_161 = arith.cmpi ne, %convert_element_type3A_159, %cond3A_160 : i32
          scf.if %cond3A_161 {
            %dma_wait3A_167 = arith.constant 1 : i32
            %dma_wait3A_168 = arith.constant 0 : i32
            %dma_wait3A_169 = arith.constant 0 : i32
            %dma_wait3A_170 = arith.constant 0 : i32
            %dma_wait3A_171 = tpu.memref_slice %arg11[%dma_wait3A_167, %dma_wait3A_169, %dma_wait3A_170] : memref<3x128x64xf32, #tpu.memory_space<vmem>> -> memref<1x128x64xf32, #tpu.memory_space<vmem>>
            %dma_wait3A_172 = tpu.memref_squeeze %dma_wait3A_171 : memref<1x128x64xf32, #tpu.memory_space<vmem>> -> memref<128x64xf32, #tpu.memory_space<vmem>>
            %dma_wait3A_173 = arith.constant 0 : i32
            %dma_wait3A_174 = tpu.memref_slice %arg10[%dma_wait3A_168, %dma_wait3A_173] : memref<79x128xi32, #tpu.memory_space<vmem>> -> memref<1x128xi32, #tpu.memory_space<vmem>>
            %dma_wait3A_175 = tpu.memref_squeeze %dma_wait3A_174 : memref<1x128xi32, #tpu.memory_space<vmem>> -> memref<128xi32, #tpu.memory_space<vmem>>
            %dma_wait3A_176 = arith.constant 0 : i32
            %dma_wait3A_177 = arith.constant 0 : i32
            %dma_wait3A_178 = tpu.memref_slice %arg12[%dma_wait3A_176, %dma_wait3A_177] : memref<10112x64xf32, #tpu.memory_space<vmem_shared>> -> memref<10112x64xf32, #tpu.memory_space<vmem_shared>>
            tpu.wait_indirect_dma semaphore(%arg18 : memref<!tpu.dma_semaphore, #tpu.memory_space<semaphore_mem>>) src(%dma_wait3A_172 : memref<128x64xf32, #tpu.memory_space<vmem>>) dst(%dma_wait3A_178 : memref<10112x64xf32, #tpu.memory_space<vmem_shared>>)
          } else {
          }
          %add3A = arith.constant 2 : i32
          %add3A_162 = arith.addi %scan3A_117, %add3A : i32
          %lt3A = arith.constant 78 : i32
          %lt3A_163 = arith.cmpi slt, %add3A_162, %lt3A : i32
          %convert_element_type3A_164 = arith.extui %lt3A_163 : i1 to i32
          %cond3A_165 = arith.constant 0 : i32
          %cond3A_166 = arith.cmpi ne, %convert_element_type3A_164, %cond3A_165 : i32
          scf.if %cond3A_166 {
            %add3A_167 = arith.constant 2 : i32
            %add3A_168 = arith.addi %scan3A_117, %add3A_167 : i32
            %dma_start3A_169 = arith.constant 1 : i32
            %dma_start3A_170 = arith.constant 0 : i32
            %dma_start3A_171 = arith.constant 0 : i32
            %dma_start3A_172 = tpu.memref_slice %arg11[%dma_start3A_169, %dma_start3A_170, %dma_start3A_171] : memref<3x128x64xf32, #tpu.memory_space<vmem>> -> memref<1x128x64xf32, #tpu.memory_space<vmem>>
            %dma_start3A_173 = tpu.memref_squeeze %dma_start3A_172 : memref<1x128x64xf32, #tpu.memory_space<vmem>> -> memref<128x64xf32, #tpu.memory_space<vmem>>
            %dma_start3A_174 = arith.constant 0 : i32
            %dma_start3A_175 = tpu.memref_slice %arg9[%add3A_168, %dma_start3A_174] : memref<79x128xi32, #tpu.memory_space<vmem>> -> memref<1x128xi32, #tpu.memory_space<vmem>>
            %dma_start3A_176 = tpu.memref_squeeze %dma_start3A_175 : memref<1x128xi32, #tpu.memory_space<vmem>> -> memref<128xi32, #tpu.memory_space<vmem>>
            %dma_start3A_177 = arith.constant 0 : i32
            %dma_start3A_178 = arith.constant 0 : i32
            %dma_start3A_179 = tpu.memref_slice %arg13[%dma_start3A_177, %dma_start3A_178] : memref<10112x64xf32, #tpu.memory_space<vmem_shared>> -> memref<10112x64xf32, #tpu.memory_space<vmem_shared>>
            tpu.enqueue_indirect_dma source(%dma_start3A_179 : memref<10112x64xf32, #tpu.memory_space<vmem_shared>>) target(%dma_start3A_173 : memref<128x64xf32, #tpu.memory_space<vmem>>) offsets(%dma_start3A_176 : memref<128xi32, #tpu.memory_space<vmem>>) semaphore(%arg15 : memref<!tpu.dma_semaphore, #tpu.memory_space<semaphore_mem>>)
          } else {
          }
        } else {
        }
        %scan3A_135 = arith.constant 0 : i32
        scf.yield %scan3A_135 : i32
      }
      %scan3A_104 = arith.constant 78 : i32
      %dma_wait3A_105 = arith.constant 2 : i32
      %dma_wait3A_106 = arith.constant 0 : i32
      %dma_wait3A_107 = arith.constant 0 : i32
      %dma_wait3A_108 = arith.constant 0 : i32
      %dma_wait3A_109 = tpu.memref_slice %arg11[%dma_wait3A_105, %dma_wait3A_107, %dma_wait3A_108] : memref<3x128x64xf32, #tpu.memory_space<vmem>> -> memref<1x128x64xf32, #tpu.memory_space<vmem>>
      %dma_wait3A_110 = tpu.memref_squeeze %dma_wait3A_109 : memref<1x128x64xf32, #tpu.memory_space<vmem>> -> memref<128x64xf32, #tpu.memory_space<vmem>>
      %dma_wait3A_111 = arith.constant 0 : i32
      %dma_wait3A_112 = tpu.memref_slice %arg10[%dma_wait3A_106, %dma_wait3A_111] : memref<79x128xi32, #tpu.memory_space<vmem>> -> memref<1x128xi32, #tpu.memory_space<vmem>>
      %dma_wait3A_113 = tpu.memref_squeeze %dma_wait3A_112 : memref<1x128xi32, #tpu.memory_space<vmem>> -> memref<128xi32, #tpu.memory_space<vmem>>
      %dma_wait3A_114 = arith.constant 0 : i32
      %dma_wait3A_115 = arith.constant 0 : i32
      %dma_wait3A_116 = tpu.memref_slice %arg12[%dma_wait3A_114, %dma_wait3A_115] : memref<10112x64xf32, #tpu.memory_space<vmem_shared>> -> memref<10112x64xf32, #tpu.memory_space<vmem_shared>>
      tpu.wait_indirect_dma semaphore(%arg19 : memref<!tpu.dma_semaphore, #tpu.memory_space<semaphore_mem>>) src(%dma_wait3A_110 : memref<128x64xf32, #tpu.memory_space<vmem>>) dst(%dma_wait3A_116 : memref<10112x64xf32, #tpu.memory_space<vmem_shared>>)
    } else {
    }
    %eq3A_3 = arith.constant 1 : i32
    %eq3A_4 = arith.cmpi eq, %arg0, %eq3A_3 : i32
    %convert_element_type3A_5 = arith.extui %eq3A_4 : i1 to i32
    %cond3A_6 = arith.constant 0 : i32
    %cond3A_7 = arith.cmpi ne, %convert_element_type3A_5, %cond3A_6 : i32
    scf.if %cond3A_7 {
      %dma_start3A = arith.constant 0 : i32
      %dma_start3A_8 = tpu.memref_slice %arg12[%mul3A_0, %dma_start3A] : memref<10112x64xf32, #tpu.memory_space<vmem_shared>> -> memref<632x64xf32, #tpu.memory_space<vmem_shared>>
      tpu.enqueue_dma source(%arg7 : memref<632x64xf32, #tpu.memory_space<hbm>>) target(%dma_start3A_8 : memref<632x64xf32, #tpu.memory_space<vmem_shared>>) target_semaphore(%arg17 : memref<!tpu.dma_semaphore, #tpu.memory_space<semaphore_mem>>)
      %dma_start3A_9 = arith.constant 0 : i32
      %dma_start3A_10 = tpu.memref_slice %arg13[%mul3A_0, %dma_start3A_9] : memref<10112x64xf32, #tpu.memory_space<vmem_shared>> -> memref<632x64xf32, #tpu.memory_space<vmem_shared>>
      %dma_start3A_11 = arith.constant 0 : i32
      %dma_start3A_12 = tpu.memref_slice %arg2[%mul3A_0, %dma_start3A_11] : memref<10112x64xf32, #tpu.memory_space<hbm>> -> memref<632x64xf32, #tpu.memory_space<hbm>>
      tpu.enqueue_dma source(%dma_start3A_12 : memref<632x64xf32, #tpu.memory_space<hbm>>) target(%dma_start3A_10 : memref<632x64xf32, #tpu.memory_space<vmem_shared>>) target_semaphore(%arg18 : memref<!tpu.dma_semaphore, #tpu.memory_space<semaphore_mem>>)
      %dma_start3A_13 = arith.constant 0 : i32
      %dma_start3A_14 = arith.constant 0 : i32
      %dma_start3A_15 = tpu.memref_slice %arg9[%dma_start3A_13, %dma_start3A_14] : memref<79x128xi32, #tpu.memory_space<vmem>> -> memref<79x128xi32, #tpu.memory_space<vmem>>
      %dma_start3A_16 = arith.constant 0 : i32
      %dma_start3A_17 = arith.constant 0 : i32
      %dma_start3A_18 = tpu.memref_slice %arg5[%arg1, %dma_start3A_16, %dma_start3A_17] : memref<16x79x128xi32, #tpu.memory_space<hbm>> -> memref<1x79x128xi32, #tpu.memory_space<hbm>>
      %dma_start3A_19 = tpu.memref_squeeze %dma_start3A_18 : memref<1x79x128xi32, #tpu.memory_space<hbm>> -> memref<79x128xi32, #tpu.memory_space<hbm>>
      %dma_start3A_20 = arith.constant 0 : i32
      %dma_start3A_21 = arith.constant 0 : i32
      %dma_start3A_22 = tpu.memref_slice %arg9[%dma_start3A_20, %dma_start3A_21] : memref<79x128xi32, #tpu.memory_space<vmem>> -> memref<79x128xi32, #tpu.memory_space<vmem>>
      %dma_start3A_23 = arith.constant 0 : i32
      %dma_start3A_24 = arith.constant 0 : i32
      %dma_start3A_25 = tpu.memref_slice %arg5[%arg1, %dma_start3A_23, %dma_start3A_24] : memref<16x79x128xi32, #tpu.memory_space<hbm>> -> memref<1x79x128xi32, #tpu.memory_space<hbm>>
      %dma_start3A_26 = tpu.memref_squeeze %dma_start3A_25 : memref<1x79x128xi32, #tpu.memory_space<hbm>> -> memref<79x128xi32, #tpu.memory_space<hbm>>
      tpu.enqueue_dma source(%dma_start3A_26 : memref<79x128xi32, #tpu.memory_space<hbm>>) target(%dma_start3A_22 : memref<79x128xi32, #tpu.memory_space<vmem>>) target_semaphore(%arg14 : memref<!tpu.dma_semaphore, #tpu.memory_space<semaphore_mem>>)
      %dma_start3A_27 = arith.constant 0 : i32
      %dma_start3A_28 = arith.constant 0 : i32
      %dma_start3A_29 = tpu.memref_slice %arg10[%dma_start3A_27, %dma_start3A_28] : memref<79x128xi32, #tpu.memory_space<vmem>> -> memref<79x128xi32, #tpu.memory_space<vmem>>
      %dma_start3A_30 = arith.constant 0 : i32
      %dma_start3A_31 = arith.constant 0 : i32
      %dma_start3A_32 = tpu.memref_slice %arg6[%arg1, %dma_start3A_30, %dma_start3A_31] : memref<16x79x128xi32, #tpu.memory_space<hbm>> -> memref<1x79x128xi32, #tpu.memory_space<hbm>>
      %dma_start3A_33 = tpu.memref_squeeze %dma_start3A_32 : memref<1x79x128xi32, #tpu.memory_space<hbm>> -> memref<79x128xi32, #tpu.memory_space<hbm>>
      %dma_start3A_34 = arith.constant 0 : i32
      %dma_start3A_35 = arith.constant 0 : i32
      %dma_start3A_36 = tpu.memref_slice %arg10[%dma_start3A_34, %dma_start3A_35] : memref<79x128xi32, #tpu.memory_space<vmem>> -> memref<79x128xi32, #tpu.memory_space<vmem>>
      %dma_start3A_37 = arith.constant 0 : i32
      %dma_start3A_38 = arith.constant 0 : i32
      %dma_start3A_39 = tpu.memref_slice %arg6[%arg1, %dma_start3A_37, %dma_start3A_38] : memref<16x79x128xi32, #tpu.memory_space<hbm>> -> memref<1x79x128xi32, #tpu.memory_space<hbm>>
      %dma_start3A_40 = tpu.memref_squeeze %dma_start3A_39 : memref<1x79x128xi32, #tpu.memory_space<hbm>> -> memref<79x128xi32, #tpu.memory_space<hbm>>
      tpu.enqueue_dma source(%dma_start3A_40 : memref<79x128xi32, #tpu.memory_space<hbm>>) target(%dma_start3A_36 : memref<79x128xi32, #tpu.memory_space<vmem>>) target_semaphore(%arg15 : memref<!tpu.dma_semaphore, #tpu.memory_space<semaphore_mem>>)
      %dma_wait3A = arith.constant 0 : i32
      %dma_wait3A_41 = tpu.memref_slice %arg12[%mul3A_0, %dma_wait3A] : memref<10112x64xf32, #tpu.memory_space<vmem_shared>> -> memref<632x64xf32, #tpu.memory_space<vmem_shared>>
      tpu.wait_dma2 semaphore(%arg17 : memref<!tpu.dma_semaphore, #tpu.memory_space<semaphore_mem>>) src(%arg7 : memref<632x64xf32, #tpu.memory_space<hbm>>) dst(%dma_wait3A_41 : memref<632x64xf32, #tpu.memory_space<vmem_shared>>)
      %dma_wait3A_42 = arith.constant 0 : i32
      %dma_wait3A_43 = tpu.memref_slice %arg13[%mul3A_0, %dma_wait3A_42] : memref<10112x64xf32, #tpu.memory_space<vmem_shared>> -> memref<632x64xf32, #tpu.memory_space<vmem_shared>>
      %dma_wait3A_44 = arith.constant 0 : i32
      %dma_wait3A_45 = tpu.memref_slice %arg2[%mul3A_0, %dma_wait3A_44] : memref<10112x64xf32, #tpu.memory_space<hbm>> -> memref<632x64xf32, #tpu.memory_space<hbm>>
      tpu.wait_dma2 semaphore(%arg18 : memref<!tpu.dma_semaphore, #tpu.memory_space<semaphore_mem>>) src(%dma_wait3A_45 : memref<632x64xf32, #tpu.memory_space<hbm>>) dst(%dma_wait3A_43 : memref<632x64xf32, #tpu.memory_space<vmem_shared>>)
      %dma_wait3A_46 = arith.constant 0 : i32
      %dma_wait3A_47 = arith.constant 0 : i32
      %dma_wait3A_48 = tpu.memref_slice %arg9[%dma_wait3A_46, %dma_wait3A_47] : memref<79x128xi32, #tpu.memory_space<vmem>> -> memref<79x128xi32, #tpu.memory_space<vmem>>
      %dma_wait3A_49 = arith.constant 0 : i32
      %dma_wait3A_50 = arith.constant 0 : i32
      %dma_wait3A_51 = tpu.memref_slice %arg5[%arg1, %dma_wait3A_49, %dma_wait3A_50] : memref<16x79x128xi32, #tpu.memory_space<hbm>> -> memref<1x79x128xi32, #tpu.memory_space<hbm>>
      %dma_wait3A_52 = tpu.memref_squeeze %dma_wait3A_51 : memref<1x79x128xi32, #tpu.memory_space<hbm>> -> memref<79x128xi32, #tpu.memory_space<hbm>>
      %dma_wait3A_53 = arith.constant 0 : i32
      %dma_wait3A_54 = arith.constant 0 : i32
      %dma_wait3A_55 = tpu.memref_slice %arg9[%dma_wait3A_53, %dma_wait3A_54] : memref<79x128xi32, #tpu.memory_space<vmem>> -> memref<79x128xi32, #tpu.memory_space<vmem>>
      %dma_wait3A_56 = arith.constant 0 : i32
      %dma_wait3A_57 = arith.constant 0 : i32
      %dma_wait3A_58 = tpu.memref_slice %arg5[%arg1, %dma_wait3A_56, %dma_wait3A_57] : memref<16x79x128xi32, #tpu.memory_space<hbm>> -> memref<1x79x128xi32, #tpu.memory_space<hbm>>
      %dma_wait3A_59 = tpu.memref_squeeze %dma_wait3A_58 : memref<1x79x128xi32, #tpu.memory_space<hbm>> -> memref<79x128xi32, #tpu.memory_space<hbm>>
      tpu.wait_dma2 semaphore(%arg14 : memref<!tpu.dma_semaphore, #tpu.memory_space<semaphore_mem>>) src(%dma_wait3A_59 : memref<79x128xi32, #tpu.memory_space<hbm>>) dst(%dma_wait3A_55 : memref<79x128xi32, #tpu.memory_space<vmem>>)
      %dma_wait3A_60 = arith.constant 0 : i32
      %dma_wait3A_61 = arith.constant 0 : i32
      %dma_wait3A_62 = tpu.memref_slice %arg10[%dma_wait3A_60, %dma_wait3A_61] : memref<79x128xi32, #tpu.memory_space<vmem>> -> memref<79x128xi32, #tpu.memory_space<vmem>>
      %dma_wait3A_63 = arith.constant 0 : i32
      %dma_wait3A_64 = arith.constant 0 : i32
      %dma_wait3A_65 = tpu.memref_slice %arg6[%arg1, %dma_wait3A_63, %dma_wait3A_64] : memref<16x79x128xi32, #tpu.memory_space<hbm>> -> memref<1x79x128xi32, #tpu.memory_space<hbm>>
      %dma_wait3A_66 = tpu.memref_squeeze %dma_wait3A_65 : memref<1x79x128xi32, #tpu.memory_space<hbm>> -> memref<79x128xi32, #tpu.memory_space<hbm>>
      %dma_wait3A_67 = arith.constant 0 : i32
      %dma_wait3A_68 = arith.constant 0 : i32
      %dma_wait3A_69 = tpu.memref_slice %arg10[%dma_wait3A_67, %dma_wait3A_68] : memref<79x128xi32, #tpu.memory_space<vmem>> -> memref<79x128xi32, #tpu.memory_space<vmem>>
      %dma_wait3A_70 = arith.constant 0 : i32
      %dma_wait3A_71 = arith.constant 0 : i32
      %dma_wait3A_72 = tpu.memref_slice %arg6[%arg1, %dma_wait3A_70, %dma_wait3A_71] : memref<16x79x128xi32, #tpu.memory_space<hbm>> -> memref<1x79x128xi32, #tpu.memory_space<hbm>>
      %dma_wait3A_73 = tpu.memref_squeeze %dma_wait3A_72 : memref<1x79x128xi32, #tpu.memory_space<hbm>> -> memref<79x128xi32, #tpu.memory_space<hbm>>
      tpu.wait_dma2 semaphore(%arg15 : memref<!tpu.dma_semaphore, #tpu.memory_space<semaphore_mem>>) src(%dma_wait3A_73 : memref<79x128xi32, #tpu.memory_space<hbm>>) dst(%dma_wait3A_69 : memref<79x128xi32, #tpu.memory_space<vmem>>)
      %barrier3A_74 = arith.constant 0 : index
      tpu.barrier barrier_id(%barrier3A_74)
      %dma_start3A_75 = arith.constant 0 : i32
      %dma_start3A_76 = arith.constant 0 : i32
      %dma_start3A_77 = arith.constant 0 : i32
      %dma_start3A_78 = arith.constant 0 : i32
      %dma_start3A_79 = tpu.memref_slice %arg11[%dma_start3A_76, %dma_start3A_77, %dma_start3A_78] : memref<3x128x64xf32, #tpu.memory_space<vmem>> -> memref<1x128x64xf32, #tpu.memory_space<vmem>>
      %dma_start3A_80 = tpu.memref_squeeze %dma_start3A_79 : memref<1x128x64xf32, #tpu.memory_space<vmem>> -> memref<128x64xf32, #tpu.memory_space<vmem>>
      %dma_start3A_81 = arith.constant 0 : i32
      %dma_start3A_82 = tpu.memref_slice %arg9[%dma_start3A_75, %dma_start3A_81] : memref<79x128xi32, #tpu.memory_space<vmem>> -> memref<1x128xi32, #tpu.memory_space<vmem>>
      %dma_start3A_83 = tpu.memref_squeeze %dma_start3A_82 : memref<1x128xi32, #tpu.memory_space<vmem>> -> memref<128xi32, #tpu.memory_space<vmem>>
      %dma_start3A_84 = arith.constant 0 : i32
      %dma_start3A_85 = arith.constant 0 : i32
      %dma_start3A_86 = tpu.memref_slice %arg13[%dma_start3A_84, %dma_start3A_85] : memref<10112x64xf32, #tpu.memory_space<vmem_shared>> -> memref<10112x64xf32, #tpu.memory_space<vmem_shared>>
      tpu.enqueue_indirect_dma source(%dma_start3A_86 : memref<10112x64xf32, #tpu.memory_space<vmem_shared>>) target(%dma_start3A_80 : memref<128x64xf32, #tpu.memory_space<vmem>>) offsets(%dma_start3A_83 : memref<128xi32, #tpu.memory_space<vmem>>) semaphore(%arg14 : memref<!tpu.dma_semaphore, #tpu.memory_space<semaphore_mem>>)
      %dma_start3A_87 = arith.constant 1 : i32
      %dma_start3A_88 = arith.constant 1 : i32
      %dma_start3A_89 = arith.constant 0 : i32
      %dma_start3A_90 = arith.constant 0 : i32
      %dma_start3A_91 = tpu.memref_slice %arg11[%dma_start3A_88, %dma_start3A_89, %dma_start3A_90] : memref<3x128x64xf32, #tpu.memory_space<vmem>> -> memref<1x128x64xf32, #tpu.memory_space<vmem>>
      %dma_start3A_92 = tpu.memref_squeeze %dma_start3A_91 : memref<1x128x64xf32, #tpu.memory_space<vmem>> -> memref<128x64xf32, #tpu.memory_space<vmem>>
      %dma_start3A_93 = arith.constant 0 : i32
      %dma_start3A_94 = tpu.memref_slice %arg9[%dma_start3A_87, %dma_start3A_93] : memref<79x128xi32, #tpu.memory_space<vmem>> -> memref<1x128xi32, #tpu.memory_space<vmem>>
      %dma_start3A_95 = tpu.memref_squeeze %dma_start3A_94 : memref<1x128xi32, #tpu.memory_space<vmem>> -> memref<128xi32, #tpu.memory_space<vmem>>
      %dma_start3A_96 = arith.constant 0 : i32
      %dma_start3A_97 = arith.constant 0 : i32
      %dma_start3A_98 = tpu.memref_slice %arg13[%dma_start3A_96, %dma_start3A_97] : memref<10112x64xf32, #tpu.memory_space<vmem_shared>> -> memref<10112x64xf32, #tpu.memory_space<vmem_shared>>
      tpu.enqueue_indirect_dma source(%dma_start3A_98 : memref<10112x64xf32, #tpu.memory_space<vmem_shared>>) target(%dma_start3A_92 : memref<128x64xf32, #tpu.memory_space<vmem>>) offsets(%dma_start3A_95 : memref<128xi32, #tpu.memory_space<vmem>>) semaphore(%arg15 : memref<!tpu.dma_semaphore, #tpu.memory_space<semaphore_mem>>)
      %scan3A = arith.constant 0 : i32
      %scan3A_99 = arith.constant 0 : i32
      %scan3A_100 = arith.constant 79 : i32
      %scan3A_101 = arith.addi %scan3A_99, %scan3A_100 : i32
      %scan3A_102 = arith.constant 1 : i32
      %scan3A_103 = scf.for %scan3A_117 = %scan3A_99 to %scan3A_101 step %scan3A_102 iter_args(%scan3A_118 = %scan3A) -> (i32)  : i32 {
        %rem3A = arith.constant 3 : i32
        %rem3A_119 = arith.remsi %scan3A_117, %rem3A : i32
        %eq3A_120 = arith.constant 0 : i32
        %eq3A_121 = arith.cmpi eq, %rem3A_119, %eq3A_120 : i32
        %convert_element_type3A_122 = arith.extui %eq3A_121 : i1 to i32
        %cond3A_123 = arith.constant 0 : i32
        %cond3A_124 = arith.cmpi ne, %convert_element_type3A_122, %cond3A_123 : i32
        scf.if %cond3A_124 {
          %dma_wait3A_136 = arith.constant 0 : i32
          %dma_wait3A_137 = arith.constant 0 : i32
          %dma_wait3A_138 = arith.constant 0 : i32
          %dma_wait3A_139 = tpu.memref_slice %arg11[%dma_wait3A_136, %dma_wait3A_137, %dma_wait3A_138] : memref<3x128x64xf32, #tpu.memory_space<vmem>> -> memref<1x128x64xf32, #tpu.memory_space<vmem>>
          %dma_wait3A_140 = tpu.memref_squeeze %dma_wait3A_139 : memref<1x128x64xf32, #tpu.memory_space<vmem>> -> memref<128x64xf32, #tpu.memory_space<vmem>>
          %dma_wait3A_141 = arith.constant 0 : i32
          %dma_wait3A_142 = tpu.memref_slice %arg9[%scan3A_117, %dma_wait3A_141] : memref<79x128xi32, #tpu.memory_space<vmem>> -> memref<1x128xi32, #tpu.memory_space<vmem>>
          %dma_wait3A_143 = tpu.memref_squeeze %dma_wait3A_142 : memref<1x128xi32, #tpu.memory_space<vmem>> -> memref<128xi32, #tpu.memory_space<vmem>>
          %dma_wait3A_144 = arith.constant 0 : i32
          %dma_wait3A_145 = arith.constant 0 : i32
          %dma_wait3A_146 = tpu.memref_slice %arg13[%dma_wait3A_144, %dma_wait3A_145] : memref<10112x64xf32, #tpu.memory_space<vmem_shared>> -> memref<10112x64xf32, #tpu.memory_space<vmem_shared>>
          tpu.wait_indirect_dma semaphore(%arg14 : memref<!tpu.dma_semaphore, #tpu.memory_space<semaphore_mem>>) src(%dma_wait3A_146 : memref<10112x64xf32, #tpu.memory_space<vmem_shared>>) dst(%dma_wait3A_140 : memref<128x64xf32, #tpu.memory_space<vmem>>)
          %dma_start3A_147 = arith.constant 0 : i32
          %dma_start3A_148 = arith.constant 0 : i32
          %dma_start3A_149 = arith.constant 0 : i32
          %dma_start3A_150 = tpu.memref_slice %arg11[%dma_start3A_147, %dma_start3A_148, %dma_start3A_149] : memref<3x128x64xf32, #tpu.memory_space<vmem>> -> memref<1x128x64xf32, #tpu.memory_space<vmem>>
          %dma_start3A_151 = tpu.memref_squeeze %dma_start3A_150 : memref<1x128x64xf32, #tpu.memory_space<vmem>> -> memref<128x64xf32, #tpu.memory_space<vmem>>
          %dma_start3A_152 = arith.constant 0 : i32
          %dma_start3A_153 = tpu.memref_slice %arg10[%scan3A_117, %dma_start3A_152] : memref<79x128xi32, #tpu.memory_space<vmem>> -> memref<1x128xi32, #tpu.memory_space<vmem>>
          %dma_start3A_154 = tpu.memref_squeeze %dma_start3A_153 : memref<1x128xi32, #tpu.memory_space<vmem>> -> memref<128xi32, #tpu.memory_space<vmem>>
          %dma_start3A_155 = arith.constant 0 : i32
          %dma_start3A_156 = arith.constant 0 : i32
          %dma_start3A_157 = tpu.memref_slice %arg12[%dma_start3A_155, %dma_start3A_156] : memref<10112x64xf32, #tpu.memory_space<vmem_shared>> -> memref<10112x64xf32, #tpu.memory_space<vmem_shared>>
          tpu.enqueue_indirect_dma source(%dma_start3A_151 : memref<128x64xf32, #tpu.memory_space<vmem>>) target(%dma_start3A_157 : memref<10112x64xf32, #tpu.memory_space<vmem_shared>>) offsets(%dma_start3A_154 : memref<128xi32, #tpu.memory_space<vmem>>) semaphore(%arg17 : memref<!tpu.dma_semaphore, #tpu.memory_space<semaphore_mem>>) {add = true}
          %ge3A = arith.constant 1 : i32
          %ge3A_158 = arith.cmpi sge, %scan3A_117, %ge3A : i32
          %convert_element_type3A_159 = arith.extui %ge3A_158 : i1 to i32
          %cond3A_160 = arith.constant 0 : i32
          %cond3A_161 = arith.cmpi ne, %convert_element_type3A_159, %cond3A_160 : i32
          scf.if %cond3A_161 {
            %dma_wait3A_167 = arith.constant 2 : i32
            %dma_wait3A_168 = arith.constant 0 : i32
            %dma_wait3A_169 = arith.constant 0 : i32
            %dma_wait3A_170 = arith.constant 0 : i32
            %dma_wait3A_171 = tpu.memref_slice %arg11[%dma_wait3A_167, %dma_wait3A_169, %dma_wait3A_170] : memref<3x128x64xf32, #tpu.memory_space<vmem>> -> memref<1x128x64xf32, #tpu.memory_space<vmem>>
            %dma_wait3A_172 = tpu.memref_squeeze %dma_wait3A_171 : memref<1x128x64xf32, #tpu.memory_space<vmem>> -> memref<128x64xf32, #tpu.memory_space<vmem>>
            %dma_wait3A_173 = arith.constant 0 : i32
            %dma_wait3A_174 = tpu.memref_slice %arg10[%dma_wait3A_168, %dma_wait3A_173] : memref<79x128xi32, #tpu.memory_space<vmem>> -> memref<1x128xi32, #tpu.memory_space<vmem>>
            %dma_wait3A_175 = tpu.memref_squeeze %dma_wait3A_174 : memref<1x128xi32, #tpu.memory_space<vmem>> -> memref<128xi32, #tpu.memory_space<vmem>>
            %dma_wait3A_176 = arith.constant 0 : i32
            %dma_wait3A_177 = arith.constant 0 : i32
            %dma_wait3A_178 = tpu.memref_slice %arg12[%dma_wait3A_176, %dma_wait3A_177] : memref<10112x64xf32, #tpu.memory_space<vmem_shared>> -> memref<10112x64xf32, #tpu.memory_space<vmem_shared>>
            tpu.wait_indirect_dma semaphore(%arg19 : memref<!tpu.dma_semaphore, #tpu.memory_space<semaphore_mem>>) src(%dma_wait3A_172 : memref<128x64xf32, #tpu.memory_space<vmem>>) dst(%dma_wait3A_178 : memref<10112x64xf32, #tpu.memory_space<vmem_shared>>)
          } else {
          }
          %add3A = arith.constant 2 : i32
          %add3A_162 = arith.addi %scan3A_117, %add3A : i32
          %lt3A = arith.constant 79 : i32
          %lt3A_163 = arith.cmpi slt, %add3A_162, %lt3A : i32
          %convert_element_type3A_164 = arith.extui %lt3A_163 : i1 to i32
          %cond3A_165 = arith.constant 0 : i32
          %cond3A_166 = arith.cmpi ne, %convert_element_type3A_164, %cond3A_165 : i32
          scf.if %cond3A_166 {
            %add3A_167 = arith.constant 2 : i32
            %add3A_168 = arith.addi %scan3A_117, %add3A_167 : i32
            %dma_start3A_169 = arith.constant 2 : i32
            %dma_start3A_170 = arith.constant 0 : i32
            %dma_start3A_171 = arith.constant 0 : i32
            %dma_start3A_172 = tpu.memref_slice %arg11[%dma_start3A_169, %dma_start3A_170, %dma_start3A_171] : memref<3x128x64xf32, #tpu.memory_space<vmem>> -> memref<1x128x64xf32, #tpu.memory_space<vmem>>
            %dma_start3A_173 = tpu.memref_squeeze %dma_start3A_172 : memref<1x128x64xf32, #tpu.memory_space<vmem>> -> memref<128x64xf32, #tpu.memory_space<vmem>>
            %dma_start3A_174 = arith.constant 0 : i32
            %dma_start3A_175 = tpu.memref_slice %arg9[%add3A_168, %dma_start3A_174] : memref<79x128xi32, #tpu.memory_space<vmem>> -> memref<1x128xi32, #tpu.memory_space<vmem>>
            %dma_start3A_176 = tpu.memref_squeeze %dma_start3A_175 : memref<1x128xi32, #tpu.memory_space<vmem>> -> memref<128xi32, #tpu.memory_space<vmem>>
            %dma_start3A_177 = arith.constant 0 : i32
            %dma_start3A_178 = arith.constant 0 : i32
            %dma_start3A_179 = tpu.memref_slice %arg13[%dma_start3A_177, %dma_start3A_178] : memref<10112x64xf32, #tpu.memory_space<vmem_shared>> -> memref<10112x64xf32, #tpu.memory_space<vmem_shared>>
            tpu.enqueue_indirect_dma source(%dma_start3A_179 : memref<10112x64xf32, #tpu.memory_space<vmem_shared>>) target(%dma_start3A_173 : memref<128x64xf32, #tpu.memory_space<vmem>>) offsets(%dma_start3A_176 : memref<128xi32, #tpu.memory_space<vmem>>) semaphore(%arg16 : memref<!tpu.dma_semaphore, #tpu.memory_space<semaphore_mem>>)
          } else {
          }
        } else {
        }
        %eq3A_125 = arith.constant 1 : i32
        %eq3A_126 = arith.cmpi eq, %rem3A_119, %eq3A_125 : i32
        %convert_element_type3A_127 = arith.extui %eq3A_126 : i1 to i32
        %cond3A_128 = arith.constant 0 : i32
        %cond3A_129 = arith.cmpi ne, %convert_element_type3A_127, %cond3A_128 : i32
        scf.if %cond3A_129 {
          %dma_wait3A_136 = arith.constant 1 : i32
          %dma_wait3A_137 = arith.constant 0 : i32
          %dma_wait3A_138 = arith.constant 0 : i32
          %dma_wait3A_139 = tpu.memref_slice %arg11[%dma_wait3A_136, %dma_wait3A_137, %dma_wait3A_138] : memref<3x128x64xf32, #tpu.memory_space<vmem>> -> memref<1x128x64xf32, #tpu.memory_space<vmem>>
          %dma_wait3A_140 = tpu.memref_squeeze %dma_wait3A_139 : memref<1x128x64xf32, #tpu.memory_space<vmem>> -> memref<128x64xf32, #tpu.memory_space<vmem>>
          %dma_wait3A_141 = arith.constant 0 : i32
          %dma_wait3A_142 = tpu.memref_slice %arg9[%scan3A_117, %dma_wait3A_141] : memref<79x128xi32, #tpu.memory_space<vmem>> -> memref<1x128xi32, #tpu.memory_space<vmem>>
          %dma_wait3A_143 = tpu.memref_squeeze %dma_wait3A_142 : memref<1x128xi32, #tpu.memory_space<vmem>> -> memref<128xi32, #tpu.memory_space<vmem>>
          %dma_wait3A_144 = arith.constant 0 : i32
          %dma_wait3A_145 = arith.constant 0 : i32
          %dma_wait3A_146 = tpu.memref_slice %arg13[%dma_wait3A_144, %dma_wait3A_145] : memref<10112x64xf32, #tpu.memory_space<vmem_shared>> -> memref<10112x64xf32, #tpu.memory_space<vmem_shared>>
          tpu.wait_indirect_dma semaphore(%arg15 : memref<!tpu.dma_semaphore, #tpu.memory_space<semaphore_mem>>) src(%dma_wait3A_146 : memref<10112x64xf32, #tpu.memory_space<vmem_shared>>) dst(%dma_wait3A_140 : memref<128x64xf32, #tpu.memory_space<vmem>>)
          %dma_start3A_147 = arith.constant 1 : i32
          %dma_start3A_148 = arith.constant 0 : i32
          %dma_start3A_149 = arith.constant 0 : i32
          %dma_start3A_150 = tpu.memref_slice %arg11[%dma_start3A_147, %dma_start3A_148, %dma_start3A_149] : memref<3x128x64xf32, #tpu.memory_space<vmem>> -> memref<1x128x64xf32, #tpu.memory_space<vmem>>
          %dma_start3A_151 = tpu.memref_squeeze %dma_start3A_150 : memref<1x128x64xf32, #tpu.memory_space<vmem>> -> memref<128x64xf32, #tpu.memory_space<vmem>>
          %dma_start3A_152 = arith.constant 0 : i32
          %dma_start3A_153 = tpu.memref_slice %arg10[%scan3A_117, %dma_start3A_152] : memref<79x128xi32, #tpu.memory_space<vmem>> -> memref<1x128xi32, #tpu.memory_space<vmem>>
          %dma_start3A_154 = tpu.memref_squeeze %dma_start3A_153 : memref<1x128xi32, #tpu.memory_space<vmem>> -> memref<128xi32, #tpu.memory_space<vmem>>
          %dma_start3A_155 = arith.constant 0 : i32
          %dma_start3A_156 = arith.constant 0 : i32
          %dma_start3A_157 = tpu.memref_slice %arg12[%dma_start3A_155, %dma_start3A_156] : memref<10112x64xf32, #tpu.memory_space<vmem_shared>> -> memref<10112x64xf32, #tpu.memory_space<vmem_shared>>
          tpu.enqueue_indirect_dma source(%dma_start3A_151 : memref<128x64xf32, #tpu.memory_space<vmem>>) target(%dma_start3A_157 : memref<10112x64xf32, #tpu.memory_space<vmem_shared>>) offsets(%dma_start3A_154 : memref<128xi32, #tpu.memory_space<vmem>>) semaphore(%arg18 : memref<!tpu.dma_semaphore, #tpu.memory_space<semaphore_mem>>) {add = true}
          %ge3A = arith.constant 1 : i32
          %ge3A_158 = arith.cmpi sge, %scan3A_117, %ge3A : i32
          %convert_element_type3A_159 = arith.extui %ge3A_158 : i1 to i32
          %cond3A_160 = arith.constant 0 : i32
          %cond3A_161 = arith.cmpi ne, %convert_element_type3A_159, %cond3A_160 : i32
          scf.if %cond3A_161 {
            %dma_wait3A_167 = arith.constant 0 : i32
            %dma_wait3A_168 = arith.constant 0 : i32
            %dma_wait3A_169 = arith.constant 0 : i32
            %dma_wait3A_170 = arith.constant 0 : i32
            %dma_wait3A_171 = tpu.memref_slice %arg11[%dma_wait3A_167, %dma_wait3A_169, %dma_wait3A_170] : memref<3x128x64xf32, #tpu.memory_space<vmem>> -> memref<1x128x64xf32, #tpu.memory_space<vmem>>
            %dma_wait3A_172 = tpu.memref_squeeze %dma_wait3A_171 : memref<1x128x64xf32, #tpu.memory_space<vmem>> -> memref<128x64xf32, #tpu.memory_space<vmem>>
            %dma_wait3A_173 = arith.constant 0 : i32
            %dma_wait3A_174 = tpu.memref_slice %arg10[%dma_wait3A_168, %dma_wait3A_173] : memref<79x128xi32, #tpu.memory_space<vmem>> -> memref<1x128xi32, #tpu.memory_space<vmem>>
            %dma_wait3A_175 = tpu.memref_squeeze %dma_wait3A_174 : memref<1x128xi32, #tpu.memory_space<vmem>> -> memref<128xi32, #tpu.memory_space<vmem>>
            %dma_wait3A_176 = arith.constant 0 : i32
            %dma_wait3A_177 = arith.constant 0 : i32
            %dma_wait3A_178 = tpu.memref_slice %arg12[%dma_wait3A_176, %dma_wait3A_177] : memref<10112x64xf32, #tpu.memory_space<vmem_shared>> -> memref<10112x64xf32, #tpu.memory_space<vmem_shared>>
            tpu.wait_indirect_dma semaphore(%arg17 : memref<!tpu.dma_semaphore, #tpu.memory_space<semaphore_mem>>) src(%dma_wait3A_172 : memref<128x64xf32, #tpu.memory_space<vmem>>) dst(%dma_wait3A_178 : memref<10112x64xf32, #tpu.memory_space<vmem_shared>>)
          } else {
          }
          %add3A = arith.constant 2 : i32
          %add3A_162 = arith.addi %scan3A_117, %add3A : i32
          %lt3A = arith.constant 79 : i32
          %lt3A_163 = arith.cmpi slt, %add3A_162, %lt3A : i32
          %convert_element_type3A_164 = arith.extui %lt3A_163 : i1 to i32
          %cond3A_165 = arith.constant 0 : i32
          %cond3A_166 = arith.cmpi ne, %convert_element_type3A_164, %cond3A_165 : i32
          scf.if %cond3A_166 {
            %add3A_167 = arith.constant 2 : i32
            %add3A_168 = arith.addi %scan3A_117, %add3A_167 : i32
            %dma_start3A_169 = arith.constant 0 : i32
            %dma_start3A_170 = arith.constant 0 : i32
            %dma_start3A_171 = arith.constant 0 : i32
            %dma_start3A_172 = tpu.memref_slice %arg11[%dma_start3A_169, %dma_start3A_170, %dma_start3A_171] : memref<3x128x64xf32, #tpu.memory_space<vmem>> -> memref<1x128x64xf32, #tpu.memory_space<vmem>>
            %dma_start3A_173 = tpu.memref_squeeze %dma_start3A_172 : memref<1x128x64xf32, #tpu.memory_space<vmem>> -> memref<128x64xf32, #tpu.memory_space<vmem>>
            %dma_start3A_174 = arith.constant 0 : i32
            %dma_start3A_175 = tpu.memref_slice %arg9[%add3A_168, %dma_start3A_174] : memref<79x128xi32, #tpu.memory_space<vmem>> -> memref<1x128xi32, #tpu.memory_space<vmem>>
            %dma_start3A_176 = tpu.memref_squeeze %dma_start3A_175 : memref<1x128xi32, #tpu.memory_space<vmem>> -> memref<128xi32, #tpu.memory_space<vmem>>
            %dma_start3A_177 = arith.constant 0 : i32
            %dma_start3A_178 = arith.constant 0 : i32
            %dma_start3A_179 = tpu.memref_slice %arg13[%dma_start3A_177, %dma_start3A_178] : memref<10112x64xf32, #tpu.memory_space<vmem_shared>> -> memref<10112x64xf32, #tpu.memory_space<vmem_shared>>
            tpu.enqueue_indirect_dma source(%dma_start3A_179 : memref<10112x64xf32, #tpu.memory_space<vmem_shared>>) target(%dma_start3A_173 : memref<128x64xf32, #tpu.memory_space<vmem>>) offsets(%dma_start3A_176 : memref<128xi32, #tpu.memory_space<vmem>>) semaphore(%arg14 : memref<!tpu.dma_semaphore, #tpu.memory_space<semaphore_mem>>)
          } else {
          }
        } else {
        }
        %eq3A_130 = arith.constant 2 : i32
        %eq3A_131 = arith.cmpi eq, %rem3A_119, %eq3A_130 : i32
        %convert_element_type3A_132 = arith.extui %eq3A_131 : i1 to i32
        %cond3A_133 = arith.constant 0 : i32
        %cond3A_134 = arith.cmpi ne, %convert_element_type3A_132, %cond3A_133 : i32
        scf.if %cond3A_134 {
          %dma_wait3A_136 = arith.constant 2 : i32
          %dma_wait3A_137 = arith.constant 0 : i32
          %dma_wait3A_138 = arith.constant 0 : i32
          %dma_wait3A_139 = tpu.memref_slice %arg11[%dma_wait3A_136, %dma_wait3A_137, %dma_wait3A_138] : memref<3x128x64xf32, #tpu.memory_space<vmem>> -> memref<1x128x64xf32, #tpu.memory_space<vmem>>
          %dma_wait3A_140 = tpu.memref_squeeze %dma_wait3A_139 : memref<1x128x64xf32, #tpu.memory_space<vmem>> -> memref<128x64xf32, #tpu.memory_space<vmem>>
          %dma_wait3A_141 = arith.constant 0 : i32
          %dma_wait3A_142 = tpu.memref_slice %arg9[%scan3A_117, %dma_wait3A_141] : memref<79x128xi32, #tpu.memory_space<vmem>> -> memref<1x128xi32, #tpu.memory_space<vmem>>
          %dma_wait3A_143 = tpu.memref_squeeze %dma_wait3A_142 : memref<1x128xi32, #tpu.memory_space<vmem>> -> memref<128xi32, #tpu.memory_space<vmem>>
          %dma_wait3A_144 = arith.constant 0 : i32
          %dma_wait3A_145 = arith.constant 0 : i32
          %dma_wait3A_146 = tpu.memref_slice %arg13[%dma_wait3A_144, %dma_wait3A_145] : memref<10112x64xf32, #tpu.memory_space<vmem_shared>> -> memref<10112x64xf32, #tpu.memory_space<vmem_shared>>
          tpu.wait_indirect_dma semaphore(%arg16 : memref<!tpu.dma_semaphore, #tpu.memory_space<semaphore_mem>>) src(%dma_wait3A_146 : memref<10112x64xf32, #tpu.memory_space<vmem_shared>>) dst(%dma_wait3A_140 : memref<128x64xf32, #tpu.memory_space<vmem>>)
          %dma_start3A_147 = arith.constant 2 : i32
          %dma_start3A_148 = arith.constant 0 : i32
          %dma_start3A_149 = arith.constant 0 : i32
          %dma_start3A_150 = tpu.memref_slice %arg11[%dma_start3A_147, %dma_start3A_148, %dma_start3A_149] : memref<3x128x64xf32, #tpu.memory_space<vmem>> -> memref<1x128x64xf32, #tpu.memory_space<vmem>>
          %dma_start3A_151 = tpu.memref_squeeze %dma_start3A_150 : memref<1x128x64xf32, #tpu.memory_space<vmem>> -> memref<128x64xf32, #tpu.memory_space<vmem>>
          %dma_start3A_152 = arith.constant 0 : i32
          %dma_start3A_153 = tpu.memref_slice %arg10[%scan3A_117, %dma_start3A_152] : memref<79x128xi32, #tpu.memory_space<vmem>> -> memref<1x128xi32, #tpu.memory_space<vmem>>
          %dma_start3A_154 = tpu.memref_squeeze %dma_start3A_153 : memref<1x128xi32, #tpu.memory_space<vmem>> -> memref<128xi32, #tpu.memory_space<vmem>>
          %dma_start3A_155 = arith.constant 0 : i32
          %dma_start3A_156 = arith.constant 0 : i32
          %dma_start3A_157 = tpu.memref_slice %arg12[%dma_start3A_155, %dma_start3A_156] : memref<10112x64xf32, #tpu.memory_space<vmem_shared>> -> memref<10112x64xf32, #tpu.memory_space<vmem_shared>>
          tpu.enqueue_indirect_dma source(%dma_start3A_151 : memref<128x64xf32, #tpu.memory_space<vmem>>) target(%dma_start3A_157 : memref<10112x64xf32, #tpu.memory_space<vmem_shared>>) offsets(%dma_start3A_154 : memref<128xi32, #tpu.memory_space<vmem>>) semaphore(%arg19 : memref<!tpu.dma_semaphore, #tpu.memory_space<semaphore_mem>>) {add = true}
          %ge3A = arith.constant 1 : i32
          %ge3A_158 = arith.cmpi sge, %scan3A_117, %ge3A : i32
          %convert_element_type3A_159 = arith.extui %ge3A_158 : i1 to i32
          %cond3A_160 = arith.constant 0 : i32
          %cond3A_161 = arith.cmpi ne, %convert_element_type3A_159, %cond3A_160 : i32
          scf.if %cond3A_161 {
            %dma_wait3A_167 = arith.constant 1 : i32
            %dma_wait3A_168 = arith.constant 0 : i32
            %dma_wait3A_169 = arith.constant 0 : i32
            %dma_wait3A_170 = arith.constant 0 : i32
            %dma_wait3A_171 = tpu.memref_slice %arg11[%dma_wait3A_167, %dma_wait3A_169, %dma_wait3A_170] : memref<3x128x64xf32, #tpu.memory_space<vmem>> -> memref<1x128x64xf32, #tpu.memory_space<vmem>>
            %dma_wait3A_172 = tpu.memref_squeeze %dma_wait3A_171 : memref<1x128x64xf32, #tpu.memory_space<vmem>> -> memref<128x64xf32, #tpu.memory_space<vmem>>
            %dma_wait3A_173 = arith.constant 0 : i32
            %dma_wait3A_174 = tpu.memref_slice %arg10[%dma_wait3A_168, %dma_wait3A_173] : memref<79x128xi32, #tpu.memory_space<vmem>> -> memref<1x128xi32, #tpu.memory_space<vmem>>
            %dma_wait3A_175 = tpu.memref_squeeze %dma_wait3A_174 : memref<1x128xi32, #tpu.memory_space<vmem>> -> memref<128xi32, #tpu.memory_space<vmem>>
            %dma_wait3A_176 = arith.constant 0 : i32
            %dma_wait3A_177 = arith.constant 0 : i32
            %dma_wait3A_178 = tpu.memref_slice %arg12[%dma_wait3A_176, %dma_wait3A_177] : memref<10112x64xf32, #tpu.memory_space<vmem_shared>> -> memref<10112x64xf32, #tpu.memory_space<vmem_shared>>
            tpu.wait_indirect_dma semaphore(%arg18 : memref<!tpu.dma_semaphore, #tpu.memory_space<semaphore_mem>>) src(%dma_wait3A_172 : memref<128x64xf32, #tpu.memory_space<vmem>>) dst(%dma_wait3A_178 : memref<10112x64xf32, #tpu.memory_space<vmem_shared>>)
          } else {
          }
          %add3A = arith.constant 2 : i32
          %add3A_162 = arith.addi %scan3A_117, %add3A : i32
          %lt3A = arith.constant 79 : i32
          %lt3A_163 = arith.cmpi slt, %add3A_162, %lt3A : i32
          %convert_element_type3A_164 = arith.extui %lt3A_163 : i1 to i32
          %cond3A_165 = arith.constant 0 : i32
          %cond3A_166 = arith.cmpi ne, %convert_element_type3A_164, %cond3A_165 : i32
          scf.if %cond3A_166 {
            %add3A_167 = arith.constant 2 : i32
            %add3A_168 = arith.addi %scan3A_117, %add3A_167 : i32
            %dma_start3A_169 = arith.constant 1 : i32
            %dma_start3A_170 = arith.constant 0 : i32
            %dma_start3A_171 = arith.constant 0 : i32
            %dma_start3A_172 = tpu.memref_slice %arg11[%dma_start3A_169, %dma_start3A_170, %dma_start3A_171] : memref<3x128x64xf32, #tpu.memory_space<vmem>> -> memref<1x128x64xf32, #tpu.memory_space<vmem>>
            %dma_start3A_173 = tpu.memref_squeeze %dma_start3A_172 : memref<1x128x64xf32, #tpu.memory_space<vmem>> -> memref<128x64xf32, #tpu.memory_space<vmem>>
            %dma_start3A_174 = arith.constant 0 : i32
            %dma_start3A_175 = tpu.memref_slice %arg9[%add3A_168, %dma_start3A_174] : memref<79x128xi32, #tpu.memory_space<vmem>> -> memref<1x128xi32, #tpu.memory_space<vmem>>
            %dma_start3A_176 = tpu.memref_squeeze %dma_start3A_175 : memref<1x128xi32, #tpu.memory_space<vmem>> -> memref<128xi32, #tpu.memory_space<vmem>>
            %dma_start3A_177 = arith.constant 0 : i32
            %dma_start3A_178 = arith.constant 0 : i32
            %dma_start3A_179 = tpu.memref_slice %arg13[%dma_start3A_177, %dma_start3A_178] : memref<10112x64xf32, #tpu.memory_space<vmem_shared>> -> memref<10112x64xf32, #tpu.memory_space<vmem_shared>>
            tpu.enqueue_indirect_dma source(%dma_start3A_179 : memref<10112x64xf32, #tpu.memory_space<vmem_shared>>) target(%dma_start3A_173 : memref<128x64xf32, #tpu.memory_space<vmem>>) offsets(%dma_start3A_176 : memref<128xi32, #tpu.memory_space<vmem>>) semaphore(%arg15 : memref<!tpu.dma_semaphore, #tpu.memory_space<semaphore_mem>>)
          } else {
          }
        } else {
        }
        %scan3A_135 = arith.constant 0 : i32
        scf.yield %scan3A_135 : i32
      }
      %scan3A_104 = arith.constant 79 : i32
      %dma_wait3A_105 = arith.constant 0 : i32
      %dma_wait3A_106 = arith.constant 0 : i32
      %dma_wait3A_107 = arith.constant 0 : i32
      %dma_wait3A_108 = arith.constant 0 : i32
      %dma_wait3A_109 = tpu.memref_slice %arg11[%dma_wait3A_105, %dma_wait3A_107, %dma_wait3A_108] : memref<3x128x64xf32, #tpu.memory_space<vmem>> -> memref<1x128x64xf32, #tpu.memory_space<vmem>>
      %dma_wait3A_110 = tpu.memref_squeeze %dma_wait3A_109 : memref<1x128x64xf32, #tpu.memory_space<vmem>> -> memref<128x64xf32, #tpu.memory_space<vmem>>
      %dma_wait3A_111 = arith.constant 0 : i32
      %dma_wait3A_112 = tpu.memref_slice %arg10[%dma_wait3A_106, %dma_wait3A_111] : memref<79x128xi32, #tpu.memory_space<vmem>> -> memref<1x128xi32, #tpu.memory_space<vmem>>
      %dma_wait3A_113 = tpu.memref_squeeze %dma_wait3A_112 : memref<1x128xi32, #tpu.memory_space<vmem>> -> memref<128xi32, #tpu.memory_space<vmem>>
      %dma_wait3A_114 = arith.constant 0 : i32
      %dma_wait3A_115 = arith.constant 0 : i32
      %dma_wait3A_116 = tpu.memref_slice %arg12[%dma_wait3A_114, %dma_wait3A_115] : memref<10112x64xf32, #tpu.memory_space<vmem_shared>> -> memref<10112x64xf32, #tpu.memory_space<vmem_shared>>
      tpu.wait_indirect_dma semaphore(%arg17 : memref<!tpu.dma_semaphore, #tpu.memory_space<semaphore_mem>>) src(%dma_wait3A_110 : memref<128x64xf32, #tpu.memory_space<vmem>>) dst(%dma_wait3A_116 : memref<10112x64xf32, #tpu.memory_space<vmem_shared>>)
    } else {
    }
    %barrier3A = arith.constant 0 : index
    tpu.barrier barrier_id(%barrier3A)
    "tpu.region"() ({
      %run_scoped3A = tpu.sem_alloc : memref<!tpu.dma_semaphore, #tpu.memory_space<semaphore_mem>>
      %dma_start3A = arith.constant 0 : i32
      %dma_start3A_8 = tpu.memref_slice %arg8[%arg0, %mul3A_0, %dma_start3A] : memref<2x10112x64xf32, #tpu.memory_space<hbm>> -> memref<1x632x64xf32, #tpu.memory_space<hbm>>
      %dma_start3A_9 = tpu.memref_squeeze %dma_start3A_8 : memref<1x632x64xf32, #tpu.memory_space<hbm>> -> memref<632x64xf32, #tpu.memory_space<hbm>>
      %dma_start3A_10 = arith.constant 0 : i32
      %dma_start3A_11 = tpu.memref_slice %arg12[%mul3A_0, %dma_start3A_10] : memref<10112x64xf32, #tpu.memory_space<vmem_shared>> -> memref<632x64xf32, #tpu.memory_space<vmem_shared>>
      tpu.enqueue_dma source(%dma_start3A_11 : memref<632x64xf32, #tpu.memory_space<vmem_shared>>) target(%dma_start3A_9 : memref<632x64xf32, #tpu.memory_space<hbm>>) target_semaphore(%run_scoped3A : memref<!tpu.dma_semaphore, #tpu.memory_space<semaphore_mem>>)
      %dma_wait3A = arith.constant 0 : i32
      %dma_wait3A_12 = tpu.memref_slice %arg8[%arg0, %mul3A_0, %dma_wait3A] : memref<2x10112x64xf32, #tpu.memory_space<hbm>> -> memref<1x632x64xf32, #tpu.memory_space<hbm>>
      %dma_wait3A_13 = tpu.memref_squeeze %dma_wait3A_12 : memref<1x632x64xf32, #tpu.memory_space<hbm>> -> memref<632x64xf32, #tpu.memory_space<hbm>>
      %dma_wait3A_14 = arith.constant 0 : i32
      %dma_wait3A_15 = tpu.memref_slice %arg12[%mul3A_0, %dma_wait3A_14] : memref<10112x64xf32, #tpu.memory_space<vmem_shared>> -> memref<632x64xf32, #tpu.memory_space<vmem_shared>>
      tpu.wait_dma2 semaphore(%run_scoped3A : memref<!tpu.dma_semaphore, #tpu.memory_space<semaphore_mem>>) src(%dma_wait3A_15 : memref<632x64xf32, #tpu.memory_space<vmem_shared>>) dst(%dma_wait3A_13 : memref<632x64xf32, #tpu.memory_space<hbm>>)
      tpu.yield
    }) : () -> ()
    return
  }
}

module attributes {stable_mosaic.version = 14 : i64} {
  func.func @_mm1_body(%arg0: i32, %arg1: memref<1264x128xf32, #tpu.memory_space<vmem>>, %arg2: memref<128x64xf32, #tpu.memory_space<vmem>>, %arg3: memref<1264x64xf32, #tpu.memory_space<vmem>>) attributes {dimension_semantics = [#tpu.dimension_semantics<arbitrary>], iteration_bounds = array<i64: 8>, scalar_prefetch = 0 : i64, scratch_operands = 0 : i64, tpu.core_type = #tpu.core_type<tc>, window_params = [{transform_indices = @transform_0, window_bounds = array<i64: 1264, 128>}, {pipeline_mode = #tpu.pipeline_mode<synchronous>, transform_indices = @transform_1, window_bounds = array<i64: 128, 64>}, {transform_indices = @transform_2, window_bounds = array<i64: 1264, 64>}]} {
    %get3A = arith.constant 0 : index
    %get3A_0 = arith.constant 0 : index
    %get3A_1 = vector.load %arg1[%get3A, %get3A_0] : memref<1264x128xf32, #tpu.memory_space<vmem>>, vector<1264x128xf32>
    %get3A_2 = arith.constant 0 : index
    %get3A_3 = arith.constant 0 : index
    %get3A_4 = vector.load %arg2[%get3A_2, %get3A_3] : memref<128x64xf32, #tpu.memory_space<vmem>>, vector<128x64xf32>
    %dot_general3A = arith.constant dense<0.000000e+00> : vector<1264x64xf32>
    %dot_general3A_5 = tpu.matmul %get3A_1, %get3A_4, %dot_general3A {dimension_numbers = #tpu.dot_dimension_numbers<[1], [0], [0], [1], [0, 0, 1, 1], [], []>, transpose_lhs_hint = false} : vector<1264x128xf32>, vector<128x64xf32>, vector<1264x64xf32> -> vector<1264x64xf32>
    %swap3A = arith.constant 0 : index
    %swap3A_6 = arith.constant 0 : index
    %swap3A_7 = vector.load %arg3[%swap3A, %swap3A_6] : memref<1264x64xf32, #tpu.memory_space<vmem>>, vector<1264x64xf32>
    tpu.vector_store %arg3[%swap3A, %swap3A_6], %dot_general3A_5 {strides = array<i32>} : memref<1264x64xf32, #tpu.memory_space<vmem>>, vector<1264x64xf32>,
    return
  }
  func.func @transform_0(%arg0: i32) -> (i32, i32) {
    %c0_i32 = arith.constant 0 : i32
    %c0_i32_0 = arith.constant 0 : i32
    return %arg0, %c0_i32 : i32, i32
  }
  func.func @transform_1(%arg0: i32) -> (i32, i32) {
    %c0_i32 = arith.constant 0 : i32
    %c0_i32_0 = arith.constant 0 : i32
    %c0_i32_1 = arith.constant 0 : i32
    return %c0_i32, %c0_i32_0 : i32, i32
  }
  func.func @transform_2(%arg0: i32) -> (i32, i32) {
    %c0_i32 = arith.constant 0 : i32
    %c0_i32_0 = arith.constant 0 : i32
    return %arg0, %c0_i32 : i32, i32
  }
}

module attributes {stable_mosaic.version = 14 : i64} {
  func.func @_mid_body(%arg0: i32, %arg1: memref<2x1264x64xf32, #tpu.memory_space<vmem>>, %arg2: memref<1x64xf32, #tpu.memory_space<vmem>>, %arg3: memref<64x64xf32, #tpu.memory_space<vmem>>, %arg4: memref<1264x64xf32, #tpu.memory_space<vmem>>) attributes {dimension_semantics = [#tpu.dimension_semantics<arbitrary>], iteration_bounds = array<i64: 8>, scalar_prefetch = 0 : i64, scratch_operands = 0 : i64, tpu.core_type = #tpu.core_type<tc>, window_params = [{transform_indices = @transform_0, window_bounds = array<i64: 2, 1264, 64>}, {pipeline_mode = #tpu.pipeline_mode<synchronous>, transform_indices = @transform_1, window_bounds = array<i64: 1, 64>}, {pipeline_mode = #tpu.pipeline_mode<synchronous>, transform_indices = @transform_2, window_bounds = array<i64: 64, 64>}, {transform_indices = @transform_3, window_bounds = array<i64: 1264, 64>}]} {
    %get3A = arith.constant 0 : index
    %get3A_0 = arith.constant 0 : index
    %get3A_1 = arith.constant 0 : index
    %get3A_2 = vector.load %arg1[%get3A, %get3A_0, %get3A_1] : memref<2x1264x64xf32, #tpu.memory_space<vmem>>, vector<1x1264x64xf32>
    %get3A_3 = vector.shape_cast %get3A_2 : vector<1x1264x64xf32> to vector<1264x64xf32>
    %get3A_4 = arith.constant 1 : index
    %get3A_5 = arith.constant 0 : index
    %get3A_6 = arith.constant 0 : index
    %get3A_7 = vector.load %arg1[%get3A_4, %get3A_5, %get3A_6] : memref<2x1264x64xf32, #tpu.memory_space<vmem>>, vector<1x1264x64xf32>
    %get3A_8 = vector.shape_cast %get3A_7 : vector<1x1264x64xf32> to vector<1264x64xf32>
    %add3A = arith.addf %get3A_3, %get3A_8 : vector<1264x64xf32>
    %get3A_9 = arith.constant 0 : index
    %get3A_10 = arith.constant 0 : index
    %get3A_11 = vector.load %arg2[%get3A_9, %get3A_10] : memref<1x64xf32, #tpu.memory_space<vmem>>, vector<1x64xf32>
    %add3A_12 = vector.broadcast %get3A_11 : vector<1x64xf32> to vector<1264x64xf32>
    %add3A_13 = arith.addf %add3A, %add3A_12 : vector<1264x64xf32>
    %max3A = arith.constant 0.000000e+00 : f32
    %max3A_14 = vector.broadcast %max3A : f32 to vector<1264x64xf32>
    %max3A_15 = arith.maximumf %add3A_13, %max3A_14 : vector<1264x64xf32>
    %mul3A = arith.constant 1264 : i32
    %mul3A_16 = arith.muli %arg0, %mul3A : i32
    %iota3A = tpu.iota {dimensions = array<i32: 0>} : vector<1264x1xi32>
    %add3A_17 = vector.broadcast %mul3A_16 : i32 to vector<1264x1xi32>
    %add3A_18 = arith.addi %add3A_17, %iota3A : vector<1264x1xi32>
    %lt3A = arith.constant 10000 : i32
    %lt3A_19 = vector.broadcast %lt3A : i32 to vector<1264x1xi32>
    %lt3A_20 = arith.cmpi slt, %add3A_18, %lt3A_19 : vector<1264x1xi32>
    %jit3A = arith.constant 0.000000e+00 : f32
    %broadcast_in_dim3A = vector.shape_cast %lt3A_20 : vector<1264x1xi1> to vector<1264x1xi1>
    %broadcast_in_dim3A_21 = vector.broadcast %broadcast_in_dim3A : vector<1264x1xi1> to vector<1264x64xi1>
    %broadcast_in_dim3A_22 = vector.broadcast %jit3A : f32 to vector<1264x64xf32>
    %select_n3A = arith.select %broadcast_in_dim3A_21, %max3A_15, %broadcast_in_dim3A_22 : vector<1264x64xi1>, vector<1264x64xf32>
    %get3A_23 = arith.constant 0 : index
    %get3A_24 = arith.constant 0 : index
    %get3A_25 = vector.load %arg3[%get3A_23, %get3A_24] : memref<64x64xf32, #tpu.memory_space<vmem>>, vector<64x64xf32>
    %dot_general3A = arith.constant dense<0.000000e+00> : vector<1264x64xf32>
    %dot_general3A_26 = tpu.matmul %select_n3A, %get3A_25, %dot_general3A {dimension_numbers = #tpu.dot_dimension_numbers<[1], [0], [0], [1], [0, 0, 1, 1], [], []>, transpose_lhs_hint = false} : vector<1264x64xf32>, vector<64x64xf32>, vector<1264x64xf32> -> vector<1264x64xf32>
    %swap3A = arith.constant 0 : index
    %swap3A_27 = arith.constant 0 : index
    %swap3A_28 = vector.load %arg4[%swap3A, %swap3A_27] : memref<1264x64xf32, #tpu.memory_space<vmem>>, vector<1264x64xf32>
    tpu.vector_store %arg4[%swap3A, %swap3A_27], %dot_general3A_26 {strides = array<i32>} : memref<1264x64xf32, #tpu.memory_space<vmem>>, vector<1264x64xf32>,
    return
  }
  func.func @transform_0(%arg0: i32) -> (i32, i32, i32) {
    %c0_i32 = arith.constant 0 : i32
    %c0_i32_0 = arith.constant 0 : i32
    %c0_i32_1 = arith.constant 0 : i32
    return %c0_i32, %arg0, %c0_i32_0 : i32, i32, i32
  }
  func.func @transform_1(%arg0: i32) -> (i32, i32) {
    %c0_i32 = arith.constant 0 : i32
    %c0_i32_0 = arith.constant 0 : i32
    %c0_i32_1 = arith.constant 0 : i32
    return %c0_i32, %c0_i32_0 : i32, i32
  }
  func.func @transform_2(%arg0: i32) -> (i32, i32) {
    %c0_i32 = arith.constant 0 : i32
    %c0_i32_0 = arith.constant 0 : i32
    %c0_i32_1 = arith.constant 0 : i32
    return %c0_i32, %c0_i32_0 : i32, i32
  }
  func.func @transform_3(%arg0: i32) -> (i32, i32) {
    %c0_i32 = arith.constant 0 : i32
    %c0_i32_0 = arith.constant 0 : i32
    return %arg0, %c0_i32 : i32, i32
  }
}

module attributes {stable_mosaic.version = 14 : i64} {
  func.func @_out_body(%arg0: i32, %arg1: memref<2x1264x64xf32, #tpu.memory_space<vmem>>, %arg2: memref<1x64xf32, #tpu.memory_space<vmem>>, %arg3: memref<1264x64xf32, #tpu.memory_space<vmem>>) attributes {dimension_semantics = [#tpu.dimension_semantics<arbitrary>], iteration_bounds = array<i64: 8>, scalar_prefetch = 0 : i64, scratch_operands = 0 : i64, tpu.core_type = #tpu.core_type<tc>, window_params = [{transform_indices = @transform_0, window_bounds = array<i64: 2, 1264, 64>}, {pipeline_mode = #tpu.pipeline_mode<synchronous>, transform_indices = @transform_1, window_bounds = array<i64: 1, 64>}, {transform_indices = @transform_2, window_bounds = array<i64: 1264, 64>}]} {
    %get3A = arith.constant 0 : index
    %get3A_0 = arith.constant 0 : index
    %get3A_1 = arith.constant 0 : index
    %get3A_2 = vector.load %arg1[%get3A, %get3A_0, %get3A_1] : memref<2x1264x64xf32, #tpu.memory_space<vmem>>, vector<1x1264x64xf32>
    %get3A_3 = vector.shape_cast %get3A_2 : vector<1x1264x64xf32> to vector<1264x64xf32>
    %get3A_4 = arith.constant 1 : index
    %get3A_5 = arith.constant 0 : index
    %get3A_6 = arith.constant 0 : index
    %get3A_7 = vector.load %arg1[%get3A_4, %get3A_5, %get3A_6] : memref<2x1264x64xf32, #tpu.memory_space<vmem>>, vector<1x1264x64xf32>
    %get3A_8 = vector.shape_cast %get3A_7 : vector<1x1264x64xf32> to vector<1264x64xf32>
    %add3A = arith.addf %get3A_3, %get3A_8 : vector<1264x64xf32>
    %get3A_9 = arith.constant 0 : index
    %get3A_10 = arith.constant 0 : index
    %get3A_11 = vector.load %arg2[%get3A_9, %get3A_10] : memref<1x64xf32, #tpu.memory_space<vmem>>, vector<1x64xf32>
    %add3A_12 = vector.broadcast %get3A_11 : vector<1x64xf32> to vector<1264x64xf32>
    %add3A_13 = arith.addf %add3A, %add3A_12 : vector<1264x64xf32>
    %reduce_max3A = arith.constant dense<0xFF800000> : vector<1264xf32>
    %reduce_max3A_14 = vector.multi_reduction <maximumf>, %add3A_13, %reduce_max3A [1] : vector<1264x64xf32> to vector<1264xf32>
    %broadcast_in_dim3A = vector.shape_cast %reduce_max3A_14 : vector<1264xf32> to vector<1264x1xf32>
    %sub3A = vector.broadcast %broadcast_in_dim3A : vector<1264x1xf32> to vector<1264x64xf32>
    %sub3A_15 = arith.subf %add3A_13, %sub3A : vector<1264x64xf32>
    %exp3A = math.exp %sub3A_15 : vector<1264x64xf32>
    %sub3A_16 = vector.broadcast %broadcast_in_dim3A : vector<1264x1xf32> to vector<1264x64xf32>
    %sub3A_17 = arith.subf %add3A_13, %sub3A_16 : vector<1264x64xf32>
    %reduce_sum3A = arith.constant dense<0.000000e+00> : vector<1264xf32>
    %reduce_sum3A_18 = vector.multi_reduction <add>, %exp3A, %reduce_sum3A [1] : vector<1264x64xf32> to vector<1264xf32>
    %broadcast_in_dim3A_19 = vector.shape_cast %reduce_sum3A_18 : vector<1264xf32> to vector<1264x1xf32>
    %log3A = math.log %broadcast_in_dim3A_19 : vector<1264x1xf32>
    %sub3A_20 = vector.broadcast %log3A : vector<1264x1xf32> to vector<1264x64xf32>
    %sub3A_21 = arith.subf %sub3A_17, %sub3A_20 : vector<1264x64xf32>
    %swap3A = arith.constant 0 : index
    %swap3A_22 = arith.constant 0 : index
    %swap3A_23 = vector.load %arg3[%swap3A, %swap3A_22] : memref<1264x64xf32, #tpu.memory_space<vmem>>, vector<1264x64xf32>
    tpu.vector_store %arg3[%swap3A, %swap3A_22], %sub3A_21 {strides = array<i32>} : memref<1264x64xf32, #tpu.memory_space<vmem>>, vector<1264x64xf32>,
    return
  }
  func.func @transform_0(%arg0: i32) -> (i32, i32, i32) {
    %c0_i32 = arith.constant 0 : i32
    %c0_i32_0 = arith.constant 0 : i32
    %c0_i32_1 = arith.constant 0 : i32
    return %c0_i32, %arg0, %c0_i32_0 : i32, i32, i32
  }
  func.func @transform_1(%arg0: i32) -> (i32, i32) {
    %c0_i32 = arith.constant 0 : i32
    %c0_i32_0 = arith.constant 0 : i32
    %c0_i32_1 = arith.constant 0 : i32
    return %c0_i32, %c0_i32_0 : i32, i32
  }
  func.func @transform_2(%arg0: i32) -> (i32, i32) {
    %c0_i32 = arith.constant 0 : i32
    %c0_i32_0 = arith.constant 0 : i32
    return %arg0, %c0_i32 : i32, i32
  }
}

</mosaic_0001>

<sc_bundles>
// kernel: kernel.10.cloned.1.call-start
scs
__scs_entry_jumppad:
0x0: {  	(pc) =	sbr.rel $0x88, $3  }
0x1: {  	(tag) =	ssettag $0x0;
	lr =	simm.s32 $0x1  }
0x2: {  	[smem:$0x3F9B] =	sst lr;
	_ =	strace $0xD0000000  }
0x3: {  	_ = 	snop  }
0x4: {  	_ = 	snop  }
0x5: {  	_ = 	snop  }
0x6: {  	_ = 	snop  }
0x7: {  	_ = 	snop  }
__scs_overlays_trampoline_lowered:
0x8: {  	[smem:$0x3FAA] =	sst s0  }
0x9: {  	[smem:$0x3FAB] =	sst s1  }
0xa: {  	[smem:$0x3FAC] =	sst s2  }
0xb: {  	[smem:$0x3FAD] =	sst s3  }
0xc: {  	[smem:$0x3FAE] =	sst s4  }
0xd: {  	[smem:$0x3FAF] =	sst s5  }
0xe: {  	[smem:$0x3FB0] =	sst s6  }
0xf: {  	[smem:$0x3FB1] =	sst s7  }
0x10: {  	[smem:$0x3FB2] =	sst s8  }
0x11: {  	[smem:$0x3FB3] =	sst s9;
	s0 =	simm.s32 @!p0 $0x0  }
0x12: {  	s1 =	sld [smem:$0x3F99];
	s0 =	simm.s32 @p0 $0x1  }
0x13: {  	[smem:$0x3FB4] =	sst s0;
	s0 =	simm.s32 @!p1 $0x0  }
0x14: {  	s2 =	sld [smem:$0x3F98];
	s0 =	simm.s32 @p1 $0x1  }
0x15: {  	[smem:$0x3FB5] =	sst s0;
	s0 =	simm.s32 @!p2 $0x0  }
0x16: {  	s3 =	sld [smem:$0x3FDB];
	s0 =	simm.s32 @p2 $0x1  }
0x17: {  	s4 =	simm.s32 $0x1BF5;
	[smem:$0x3FB7] =	sst s0  }
0x18: {  	s0 =	sld [smem:$0x3F9A];
	_ =	swait.ge [sflag:s4], $0x0  }
0x19: {  	s7 =	sld [smem:$0x3F9B]  }
0x1a: {  	s8 =	sadd.s32 $0xFFFFE003, lr  }
0x1b: {  	s9 =	sadd.s32 $0xFFFFFEF7, lr;
	s5 =	simm.s32 $0xFFFFFFFF;
	p2 =	slt.u32 s8, $0xFFFFF086  }
0x1c: {  	p1 =	slt.u32 s9, $0xF7A;
	s5 =	simm.s32 @!p2 $0x0  }
0x1d: {  	s5 =	simm.s32 @p1 $0x1;
	p0 =	seq.s32 s7, s2  }
0x1e: {  	s7 =	smul.u32 @!p0 $0xF7A, s2;
	p2 =	seq.s32 @!p0 s5, $0x0  }
0x1f: {  	s9 =	smul.u32 $0xF7A, s1;
	s8 =	simm.s32 @!p0 $0x1BF5;
	p2 =	por !p2, p0  }
0x20: {  	[sflag:s8] =	ssyncset.s32 @!p0 $0xFFFFF086;
	s6 =	sadd.s32 @!p0 s3, s7;
	s7 =	simm.s32 @!p0 $0x108  }
0x21: {  	s3 =	sadd.s32 s3, s9;
	s6 =	sadd.s32 @!p0 $0x88, s6;
	s7 =	simm.s32 @p2 $0x1082  }
0x22: {  	[simem:s7], [sflag:s8] =	dma.local @!p0 [hbm:s6], $0xF7A  }
0x23: {  	s9 =	sor.u32 $0xD0000000, s2;
	s6 =	simm.s32 $0x108;
	_ =	swait.ge @!p0 [sflag:s8], $0x0  }
0x24: {  	s3 =	sadd.s32 $0x88, s3;
	s6 =	simm.s32 @!p1 $0x1082;
	[sflag:s4] =	ssyncset.s32 $0xFFFFF086  }
0x25: {  	[simem:s6], [sflag:s4] =	dma.local [hbm:s3], $0xF7A  }
0x26: {  	[smem:$0x3F9B] =	sst s1;
	(tag) =	ssettag s2;
	_ =	strace s9  }
0x27: {  	s1 =	sld [smem:$0x3FAB]  }
0x28: {  	s2 =	sld [smem:$0x3FAC]  }
0x29: {  	s4 =	sld [smem:$0x3FAE]  }
0x2a: {  	p0 =	seq.s32 s5, $0x0;
	s5 =	sld [smem:$0x3FAF]  }
0x2b: {  	s6 =	sld [smem:$0x3FB0]  }
0x2c: {  	s7 =	sld [smem:$0x3FB1]  }
0x2d: {  	s3 =	simm.s32 $0x108;
	s8 =	sld [smem:$0x3FB2]  }
0x2e: {  	s3 =	simm.s32 @!p0 $0x1082;
	s9 =	sld [smem:$0x3FB3]  }
0x2f: {  	lr =	sadd.s32 s0, s3;
	s0 =	sld [smem:$0x3FAA]  }
0x30: {  	s3 =	sld [smem:$0x3FAD]  }
0x31: {  	[smem:$0x3FB6] =	sst s10  }
0x32: {  	s10 =	sld [smem:$0x3FB4];
	_ =	sdelay $0x3  }
0x33: {  	p0 =	seq.s32 s10, $0x1;
	s10 =	sld [smem:$0x3FB6];
	_ =	sdelay $0x3  }
0x34: {  	[smem:$0x3FB6] =	sst s10  }
0x35: {  	s10 =	sld [smem:$0x3FB5];
	_ =	sdelay $0x3  }
0x36: {  	p1 =	seq.s32 s10, $0x1;
	s10 =	sld [smem:$0x3FB6];
	_ =	sdelay $0x3  }
0x37: {  	[smem:$0x3FB6] =	sst s10  }
0x38: {  	s10 =	sld [smem:$0x3FB7]  }
0x39: {  	_ = 	snop;
	(pc) =	sbr.ind lr, $3  }
0x3a: {  	_ = 	snop  }
0x3b: {  	_ = 	snop  }
0x3c: {  	p2 =	seq.s32 s10, $0x1;
	s10 =	sld [smem:$0x3FB6]  }
0x3d: {  	_ =	shalt  }
0x3e: {  	_ =	shalt  }
0x3f: {  	_ =	shalt  }
0x40: {  	_ =	shalt  }
0x41: {  	_ =	shalt  }
0x42: {  	_ =	shalt  }
0x43: {  	_ =	shalt  }
0x44: {  	_ =	shalt  }
0x45: {  	_ =	shalt  }
0x46: {  	_ =	shalt  }
0x47: {  	_ =	shalt  }
0x48: {  	_ =	shalt  }
0x49: {  	_ =	shalt  }
0x4a: {  	_ =	shalt  }
0x4b: {  	_ =	shalt  }
0x4c: {  	_ =	shalt  }
0x4d: {  	_ =	shalt  }
0x4e: {  	_ =	shalt  }
0x4f: {  	_ =	shalt  }
0x50: {  	_ =	shalt  }
0x51: {  	_ =	shalt  }
0x52: {  	_ =	shalt  }
0x53: {  	_ =	shalt  }
0x54: {  	_ =	shalt  }
0x55: {  	_ =	shalt  }
0x56: {  	_ =	shalt  }
0x57: {  	_ =	shalt  }
0x58: {  	_ =	shalt  }
0x59: {  	_ =	shalt  }
0x5a: {  	_ =	shalt  }
0x5b: {  	_ =	shalt  }
0x5c: {  	_ =	shalt  }
0x5d: {  	_ =	shalt  }
0x5e: {  	_ =	shalt  }
0x5f: {  	_ =	shalt  }
0x60: {  	_ =	shalt  }
0x61: {  	_ =	shalt  }
0x62: {  	_ =	shalt  }
0x63: {  	_ =	shalt  }
0x64: {  	_ =	shalt  }
0x65: {  	_ =	shalt  }
0x66: {  	_ =	shalt  }
0x67: {  	_ =	shalt  }
0x68: {  	_ =	shalt  }
0x69: {  	_ =	shalt  }
0x6a: {  	_ =	shalt  }
0x6b: {  	_ =	shalt  }
0x6c: {  	_ =	shalt  }
0x6d: {  	_ =	shalt  }
0x6e: {  	_ =	shalt  }
0x6f: {  	_ =	shalt  }
0x70: {  	_ =	shalt  }
0x71: {  	_ =	shalt  }
0x72: {  	_ =	shalt  }
0x73: {  	_ =	shalt  }
0x74: {  	_ =	shalt  }
0x75: {  	_ =	shalt  }
0x76: {  	_ =	shalt  }
0x77: {  	_ =	shalt  }
0x78: {  	_ =	shalt  }
0x79: {  	_ =	shalt  }
0x7a: {  	_ =	shalt  }
0x7b: {  	_ =	shalt  }
0x7c: {  	_ =	shalt  }
0x7d: {  	_ =	shalt  }
0x7e: {  	_ =	shalt  }
0x7f: {  	_ =	shalt  }
0x80: {  	_ =	shalt  }
0x81: {  	_ =	shalt  }
0x82: {  	_ =	shalt  }
0x83: {  	_ =	shalt  }
0x84: {  	_ =	shalt  }
0x85: {  	_ =	shalt  }
0x86: {  	_ =	shalt  }
0x87: {  	_ =	shalt  }
.Lfunc_end0:
.L_simem_size_0:
called_computation.1_lowered:
.L_overlay_start_0:
0x88: {  	s2 =	sld [smem:$0x3FD9]  }
0x89: {  	s3 =	sld [smem:$0x3FFE];
	_ =	sdelay $0x1  }
0x8a: {  	s1 =	srdreg.scid  }
0x8b: {  	s0 =	sand.u32 $0x1, s1  }
0x8c: {  	s17 =	sshll.u32 s0, $0xA;
	s2 =	sadd.s32 s3, s2  }
0x8d: {  	s2 =	sadd.s32 s2, s17  }
0x8e: {  	[smem:$0x3FC2] =	sst s2  }
0x8f: {  	_ = 	snop  }
0x90: {  	s2 =	sld [smem:$0x3FD0];
	(tm) =	ssettm $0x1  }
0x91: {  	s18 =	sld [smem:$0x3FFB];
	_ =	sdelay $0x3  }
0x92: {  	_ =	strace s18  }
0x93: {  	s3 =	sld [smem:$0x3FFC];
	_ =	sdelay $0x3  }
0x94: {  	_ =	strace s3  }
0x95: {  	s3 =	sld [smem:$0x3FFD];
	_ =	sdelay $0x3  }
0x96: {  	_ =	strace s3  }
0x97: {  	_ =	strace $0x8FFFFFFF  }
0x98: {  	s19 =	sld [smem:$0x3FDB];
	_ =	sdelay $0x1  }
0x99: {  	s4 =	simm.s32 $_scs_section_size  }
0x9a: {  	s5 =	simm.s32 $_size__tile_overlayer_lowered;
	s6 =	simm.s32 $_tile_overlayer_lowered  }
0x9b: {  	s22 =	simm.s32 $0x1BFF;
	s21 =	sshll.u32 s6, $0x1;
	s3 =	sadd.s32 s4, s19  }
0x9c: {  	s7 =	simm.s32 $0x0;
	s20 =	sshll.u32 s5, $0x1;
	s5 =	sadd.s32 s21, s3  }
0x9d: {  	[timem:s7], [sflag:s22] =	dma.local [hbm:s5], s20  }
0x9e: {  	_ =	swait.ge [sflag:s22], s20  }
0x9f: {  	s4 =	ssub.s32 $0x0, s20;
	[sflag:s22] =	ssyncset.done $0x0  }
0xa0: {  	[sflag:s22] =	ssyncadd.s32 s4;
	_ =	sdelay $0x1  }
0xa1: {  	s23 =	simm.s32 $0x1B8B  }
0xa2: {  	_ =	swait.ge [sflag:s23], $0x1  }
0xa3: {  	[sflag:s23] =	ssyncset.done $0x0  }
0xa4: {  	s25 =	simm.s32 $0x1B8E;
	s24 =	sld [smem:$0x3FFE];
	[sflag:s23] =	ssyncadd.s32 $0xFFFFFFFF  }
0xa5: {  	s26 =	simm.s32 $execute0_lowered;
	[smem:$0x3FD2] =	sst s25  }
0xa6: {  	s5 =	sshll.u32 s26, $0x1;
	_ =	strace $0x80000049;
	[dreg:$0x1] =	wrdreg $0xFFFFFFFF  }
0xa7: {  	s28 =	simm.s32 $_size_execute0_lowered;
	s3 =	sadd.s32 s3, s5;
	[dreg:$0x0] =	wrdreg $0x0  }
0xa8: {  	s5 =	sshll.u32 s28, $0x1;
	[dreg:$0x2] =	wrdreg s3  }
0xa9: {  	[dreg:$0x3] =	wrdreg s5  }
0xaa: {  	[dreg:$0x4] =	wrdreg $0xC0  }
0xab: {  	_ =	task [dreg:s7], $0x5FFFF  }
0xac: {  	[dreg:$0x1] =	wrdreg $0xFFFFFFFF  }
0xad: {  	[dreg:$0x0] =	wrdreg $0x60  }
0xae: {  	[dreg:$0x2] =	wrdreg s2  }
0xaf: {  	[dreg:$0x3] =	wrdreg s24  }
0xb0: {  	[dreg:$0x4] =	wrdreg $0xAF000  }
0xb1: {  	[dreg:$0x5] =	wrdreg $0x14D000  }
0xb2: {  	[dreg:$0x6] =	wrdreg $0x9  }
0xb3: {  	_ =	task.clear_ibuf [dreg:s7], $0x7FFFF;
	_ =	strace $0x90000049  }
0xb4: {  	s29 =	simm.s32 $0x9;
	_ =	strace $0x8000004B  }
0xb5: {  	_ =	swait.ge [sflag:s29], $0x1  }
0xb6: {  	[sflag:s29] =	ssyncadd.s32 $0xFFFFFFFF  }
0xb7: {  	_ =	strace $0x9000004B  }
0xb8: {  	_ =	sfence  }
0xb9: {  	s30 =	sld [smem:$0x0];
	_ =	sdelay $0x2  }
0xba: {  	s31 =	sshll.u32 s1, $0xD;
	s1 =	sshrl.u32 s1, $0x2  }
0xbb: {  	s3 =	sand.u32 $0x4000, s31;
	s1 =	sadd.s32 s1, s30  }
0xbc: {  	s0 =	sor.u32 s3, s0;
	s1 =	sshll.u32 s1, $0x11  }
0xbd: {  	s0 =	sor.u32 s1, s0  }
0xbe: {  	s0 =	sadd.s32 $0x8F2B, s0  }
0xbf: {  	[sflag:s0] =	ssyncadd.remote.s32 $0x1  }
0xc0: {  	_ =	sfence.sel $0xFFFF  }
0xc1: {  	[dreg:$0x0] =	wrdreg $0xFFFFFFFF;
	(pc) =	sbr.abs _section_cstart, $3  }
0xc2: {  	[dreg:$0x1] =	wrdreg $0xFFFFFFFF  }
0xc3: {  	_ =	task.clear_ibuf [dreg:s7], $0x2FFFF;
	_ =	strace $0x9FFFFFFF  }
0xc4: {  	(tm) =	ssettm $0x7FFFFFFF  }
0xc5: {  	_ =	shalt  }
tec
execute0_lowered:
.L_overlay_start_1:
0x0: {  	(tag) =	ssettag $0x1  }
0x1: {  	s2 =	rddreg [dreg:$0x0]  }
0x2: {  	s6 =	rddreg [dreg:$0x1]  }
0x3: {  	s1 =	rddreg [dreg:$0x2]  }
0x4: {  	s0 =	stileid.u32;
	s4 =	srdreg.scid  }
0x5: {  	s3 =	rddreg [dreg:$0x3];
	s18 =	simm.s32 $0x4;
	s19 =	simm.s32 $0x5  }
0x6: {  	s20 =	simm.s32 $0x1;
	s21 =	simm.s32 $0x2;
	s22 =	simm.s32 $0x80  }
0x7: {  	s23 =	simm.s32 $0x4F00;
	s24 =	simm.s32 $0x6F00;
	s5 =	smul.u32 $0x4E0, s0  }
0x8: {  	s25 =	simm.s32 $0x3;
	s26 =	simm.s32 $0x8F00;
	s8 =	smul.u32 $0x9E00, s0  }
0x9: {  	s7 =	sand.u32 $0x1, s4;
	s4 =	simm.s32 $0x0;
	s10 =	smul.u32 $0x4F0, s0  }
0xa: {  	s28 =	simm.s32 $0x7;
	s9 =	smul.u32 $0x9E000, s7;
	[smem:$0x7FF] =	sst s4  }
0xb: {  	s12 =	ssub.s32 $0x2, s7;
	p0 =	seq.s32 s7, $0x1;
	_ =	strace $0x8000004A  }
0xc: {  	s11 =	sadd.s32 s5, s6;
	s10 =	sadd.s32 s10, s6;
	s5 =	sadd.s32 $0x15000, s6  }
0xd: {  	s30 =	sshrl.u32 s12, $0x1;
	s31 =	sshrl.u32 s8, $0x3;
	s15 =	sadd.s32 s8, s1  }
0xe: {  	s17 =	sadd.s32 s8, s3;
	s29 =	sadd.s32 s8, s9;
	s14 =	ssub.s32 s12, s30  }
.Ltmp0:
0xf: {  	s7 =	sadd.s32 $0x6200, s11;
	s8 =	sadd.s32 $0x1400, s11;
	(pc) =	sbr.rel .LBB2_1-.Ltmp0, $4  }
0x10: {  	s12 =	sshll.u32 s0, $0x6;
	s15 =	sshrl.u32 s15, $0x3;
	s9 =	sshrl.u32 s29, $0x3  }
0x11: {  	s17 =	sshrl.u32 s17, $0x3;
	s16 =	sor.u32 $0x1C05, s12;
	s13 =	sadd.s32 s9, s6  }
0x12: {  	s6 =	sadd.s32 s2, s31;
	s9 =	sadd.s32 $0x10000, s10;
	s10 =	sadd.s32 $0xB000, s10  }
0x13: {  	s11 =	sadd.s32 $0x16400, s13;
	s13 =	smax.u32 s14, $0x1;
	s14 =	sor.u32 $0x1C04, s12  }
.LBB2_19:
0x14: {  	s29 =	simm.s32 $0x4  }
.LBB2_20:
0x15: {  	_ =	swait.ge [sflag:s29], $0x2000  }
0x16: {  	s4 =	sadd.s32 $0x1, s4;
	[sflag:s29] =	ssyncset.done $0x0  }
0x17: {  	p1 =	sne.s32 s4, s13;
	[sflag:s29] =	ssyncadd.s32 $0xFFFFE000  }
.Ltmp1:
0x18: {  	s0 =	sor.u32 $0x1C07, s12;
	[bflag:$0x0] =	sbarrier.arrive $0xFFFF;
	(pc) =	sbr.rel @!p1 .LBB2_21-.Ltmp1, $4  }
0x19: {  	[hbm:s11], [sflag:s0] =	dma.local [spmem:s15], $0x13C0  }
0x1a: {  	_ =	swait.ge [sflag:s28], $0x13C0  }
0x1b: {  	[sflag:s28] =	ssyncset.done $0x0  }
0x1c: {  	[sflag:s28] =	ssyncadd.s32 $0xFFFFEC40  }
.LBB2_1:
.Ltmp2:
0x1d: {  	(pc) =	sbr.rel @!p0 .LBB2_2-.Ltmp2, $4  }
0x1e: {  	_ = 	snop  }
0x1f: {  	[spmem:s15], [sflag:s14] =	dma.local [hbm:s5], $0x13C0  }
0x20: {  	s29 =	simm.s32 $0x0  }
0x21: {  	[spmem:s17], [sflag:s16] =	dma.local [hbm:s6], $0x13C0  }
0x22: {  	[tilespmem:s29], [sflag:$0x1] =	stream.linear.gather [hbm4b:s9+s29], $0x2780, $0x38;
	[tilespmem:$0x1EB00] =	vst v63  }
0x23: {  	s30 =	simm.s32 $0x2780  }
0x24: {  	[tilespmem:s30], [sflag:$0x2] =	stream.linear.gather [hbm4b:s10+s29], $0x2780, $0x38;
	[tilespmem:$0x1EB00] =	vst v63  }
0x25: {  	_ =	swait.ge [sflag:s18], $0x13C0  }
0x26: {  	[sflag:s18] =	ssyncset.done $0x0  }
0x27: {  	[sflag:s18] =	ssyncadd.s32 $0xFFFFEC40  }
0x28: {  	_ =	swait.ge [sflag:s19], $0x13C0  }
0x29: {  	[sflag:s19] =	ssyncset.done $0x0  }
0x2a: {  	[sflag:s19] =	ssyncadd.s32 $0xFFFFEC40  }
0x2b: {  	_ =	swait.ge [sflag:s20], $0x2780  }
0x2c: {  	[sflag:s20] =	ssyncset.done $0x0  }
0x2d: {  	[sflag:s20] =	ssyncadd.s32 $0xFFFFD880  }
0x2e: {  	_ =	swait.ge [sflag:s21], $0x2780  }
0x2f: {  	[sflag:s21] =	ssyncset.done $0x0  }
.Ltmp3:
0x30: {  	[sflag:s21] =	ssyncadd.s32 $0xFFFFD880;
	(pc) =	sbr.rel .LBB2_12-.Ltmp3, $4  }
0x31: {  	[bflag:$0x0] =	sbarrier.arrive $0xFFFF  }
0x32: {  	[tilespmem:s23], [sflag:$0x1] =	stream.indirect.gather [spmem:s3], $0x40, s29, s22, $0xb8;
	[tilespmem:$0x1EB00] =	vst v63  }
0x33: {  	s31 =	simm.s32 $0x100  }
0x34: {  	[tilespmem:s24], [sflag:$0x2] =	stream.indirect.gather [spmem:s3], $0x40, s22, s22, $0xb8;
	[tilespmem:$0x1EB00] =	vst v63  }
.LBB2_17:
0x35: {  	_ =	swait.ge [sflag:s25], $0x2000  }
0x36: {  	[sflag:s25] =	ssyncset.done $0x0  }
0x37: {  	[sflag:s25] =	ssyncadd.s32 $0xFFFFE000  }
0x38: {  	[spmem:s1] =	stream.indirect.scatter.add.f32 [tilespmem:s26], [sflag:$0x6], $0x40, s30, s22, $0xb8;
	[tilespmem:$0x1EB00] =	vst v63  }
0x39: {  	_ =	swait.ge [sflag:s19], $0x2000  }
0x3a: {  	p1 =	sgt.u32 s29, $0x4C;
	[sflag:s19] =	ssyncset.done $0x0  }
0x3b: {  	s0 =	simm.s32 @!p1 $0x80;
	s2 =	simm.s32 @!p1 $0x6F00;
	[sflag:s19] =	ssyncadd.s32 $0xFFFFE000  }
0x3c: {  	[tilespmem:s2], [sflag:$0x2] =	stream.indirect.gather @!p1 [spmem:s3], $0x40, s31, s0, $0xb8;
	[tilespmem:$0x1EB00] =	vst v63  }
.LBB2_18:
0x3d: {  	s29 =	sadd.s32 $0x1, s29  }
0x3e: {  	p1 =	sne.s32 s29, $0x4F  }
.Ltmp4:
0x3f: {  	_ = 	snop;
	(pc) =	sbr.rel @!p1 .LBB2_19-.Ltmp4, $2  }
0x40: {  	_ =	sdelay $0x2  }
0x41: {  	s31 =	sadd.s32 $0x80, s31;
	s30 =	sadd.s32 $0x80, s30  }
.LBB2_12:
0x42: {  	s0 =	smul.u32 $0xAB, s29;
	_ =	sdelay $0x1  }
0x43: {  	s0 =	sshrl.u32 s0, $0x9  }
0x44: {  	s0 =	sand.u32 $0x7F, s0  }
0x45: {  	s0 =	smul.u32 $0x3, s0;
	_ =	sdelay $0x1  }
0x46: {  	s0 =	ssub.s32 s29, s0  }
0x47: {  	s2 =	sand.u32 $0xFF, s0  }
0x48: {  	p1 =	seq.s32 s2, $0x2  }
.Ltmp5:
0x49: {  	_ = 	snop;
	(pc) =	sbr.rel @p1 .LBB2_17-.Ltmp5, $1  }
0x4a: {  	_ =	sdelay $0x3  }
0x4b: {  	p1 =	seq.s32 s2, $0x1  }
.Ltmp6:
0x4c: {  	_ = 	snop;
	(pc) =	sbr.rel @!p1 .LBB2_14-.Ltmp6, $1  }
0x4d: {  	_ =	sdelay $0x3  }
0x4e: {  	_ =	swait.ge [sflag:s21], $0x2000  }
0x4f: {  	[sflag:s21] =	ssyncset.done $0x0  }
0x50: {  	[sflag:s21] =	ssyncadd.s32 $0xFFFFE000  }
0x51: {  	[spmem:s1] =	stream.indirect.scatter.add.f32 [tilespmem:s24], [sflag:$0x5], $0x40, s30, s22, $0xb8;
	[tilespmem:$0x1EB00] =	vst v63  }
.Ltmp7:
0x52: {  	_ = 	snop;
	(pc) =	sbr.rel .LBB2_18-.Ltmp7, $4  }
0x53: {  	_ =	swait.ge [sflag:s18], $0x2000  }
0x54: {  	p1 =	sgt.u32 s29, $0x4C;
	[sflag:s18] =	ssyncset.done $0x0  }
0x55: {  	s0 =	simm.s32 @!p1 $0x80;
	s2 =	simm.s32 @!p1 $0x4F00;
	[sflag:s18] =	ssyncadd.s32 $0xFFFFE000  }
0x56: {  	[tilespmem:s2], [sflag:$0x1] =	stream.indirect.gather @!p1 [spmem:s3], $0x40, s31, s0, $0xb8;
	[tilespmem:$0x1EB00] =	vst v63  }
.LBB2_14:
0x57: {  	p1 =	seq.s32 s29, $0x0  }
0x58: {  	_ =	swait.ge [sflag:s20], $0x2000;
	p2 =	sgt.u32 @!p1 s29, $0x4C  }
0x59: {  	[sflag:s20] =	ssyncset.done $0x0;
	p2 =	por p1, !p2  }
.Ltmp8:
0x5a: {  	s0 =	simm.s32 @!p1 $0x6;
	[sflag:s20] =	ssyncadd.s32 $0xFFFFE000;
	(pc) =	sbr.rel @!p2 .LBB2_18-.Ltmp8, $4  }
0x5b: {  	[spmem:s1] =	stream.indirect.scatter.add.f32 [tilespmem:s23], [sflag:$0x4], $0x40, s30, s22, $0xb8;
	[tilespmem:$0x1EB00] =	vst v63  }
0x5c: {  	_ =	swait.ge @!p1 [sflag:s0], $0x2000  }
0x5d: {  	[sflag:s0] =	ssyncset.done @!p1 $0x0  }
0x5e: {  	[sflag:s0] =	ssyncadd.s32 @!p1 $0xFFFFE000  }
.Ltmp9:
0x5f: {  	(pc) =	sbr.rel .LBB2_18-.Ltmp9, $2  }
0x60: {  	_ =	sdelay $0x2  }
0x61: {  	[tilespmem:s26], [sflag:$0x3] =	stream.indirect.gather [spmem:s3], $0x40, s31, s22, $0xb8;
	[tilespmem:$0x1EB00] =	vst v63  }
.LBB2_2:
0x62: {  	[tilespmem:s29], [sflag:$0x1] =	stream.linear.gather [hbm4b:s7+s29], $0x2700, $0x38;
	[tilespmem:$0x1EB00] =	vst v63  }
0x63: {  	s30 =	simm.s32 $0x2780  }
0x64: {  	[tilespmem:s30], [sflag:$0x2] =	stream.linear.gather [hbm4b:s8+s29], $0x2700, $0x38;
	[tilespmem:$0x1EB00] =	vst v63  }
0x65: {  	_ =	swait.ge [sflag:s18], $0x13C0  }
0x66: {  	[sflag:s18] =	ssyncset.done $0x0  }
0x67: {  	[sflag:s18] =	ssyncadd.s32 $0xFFFFEC40  }
0x68: {  	_ =	swait.ge [sflag:s19], $0x13C0  }
0x69: {  	[sflag:s19] =	ssyncset.done $0x0  }
0x6a: {  	[sflag:s19] =	ssyncadd.s32 $0xFFFFEC40  }
0x6b: {  	_ =	swait.ge [sflag:s20], $0x2700  }
0x6c: {  	[sflag:s20] =	ssyncset.done $0x0  }
0x6d: {  	[sflag:s20] =	ssyncadd.s32 $0xFFFFD900  }
0x6e: {  	_ =	swait.ge [sflag:s21], $0x2700  }
0x6f: {  	[sflag:s21] =	ssyncset.done $0x0  }
.Ltmp10:
0x70: {  	[sflag:s21] =	ssyncadd.s32 $0xFFFFD900;
	(pc) =	sbr.rel .LBB2_3-.Ltmp10, $4  }
0x71: {  	[bflag:$0x0] =	sbarrier.arrive $0xFFFF  }
0x72: {  	[tilespmem:s23], [sflag:$0x1] =	stream.indirect.gather [spmem:s3], $0x40, s29, s22, $0xb8;
	[tilespmem:$0x1EB00] =	vst v63  }
0x73: {  	s31 =	simm.s32 $0x100  }
0x74: {  	[tilespmem:s24], [sflag:$0x2] =	stream.indirect.gather [spmem:s3], $0x40, s22, s22, $0xb8;
	[tilespmem:$0x1EB00] =	vst v63  }
.LBB2_8:
0x75: {  	_ =	swait.ge [sflag:s25], $0x2000  }
0x76: {  	[sflag:s25] =	ssyncset.done $0x0  }
0x77: {  	[sflag:s25] =	ssyncadd.s32 $0xFFFFE000  }
0x78: {  	[spmem:s1] =	stream.indirect.scatter.add.f32 [tilespmem:s26], [sflag:$0x6], $0x40, s30, s22, $0xb8;
	[tilespmem:$0x1EB00] =	vst v63  }
0x79: {  	_ =	swait.ge [sflag:s19], $0x2000  }
0x7a: {  	p1 =	sgt.u32 s29, $0x4B;
	[sflag:s19] =	ssyncset.done $0x0  }
0x7b: {  	s0 =	simm.s32 @!p1 $0x80;
	s2 =	simm.s32 @!p1 $0x6F00;
	[sflag:s19] =	ssyncadd.s32 $0xFFFFE000  }
0x7c: {  	[tilespmem:s2], [sflag:$0x2] =	stream.indirect.gather @!p1 [spmem:s3], $0x40, s31, s0, $0xb8;
	[tilespmem:$0x1EB00] =	vst v63  }
.LBB2_9:
0x7d: {  	s29 =	sadd.s32 $0x1, s29  }
0x7e: {  	p1 =	seq.s32 s29, $0x4E  }
.Ltmp11:
0x7f: {  	_ = 	snop;
	(pc) =	sbr.rel @p1 .LBB2_10-.Ltmp11, $2  }
0x80: {  	_ =	sdelay $0x2  }
0x81: {  	s31 =	sadd.s32 $0x80, s31;
	s30 =	sadd.s32 $0x80, s30  }
.LBB2_3:
0x82: {  	s2 =	smul.u32 $0xAB, s29;
	_ =	sdelay $0x1  }
0x83: {  	s2 =	sshrl.u32 s2, $0x9  }
0x84: {  	s2 =	sand.u32 $0x7F, s2  }
0x85: {  	s2 =	smul.u32 $0x3, s2;
	_ =	sdelay $0x1  }
0x86: {  	s2 =	ssub.s32 s29, s2  }
0x87: {  	s2 =	sand.u32 $0xFF, s2  }
0x88: {  	p1 =	seq.s32 s2, $0x2  }
.Ltmp12:
0x89: {  	_ = 	snop;
	(pc) =	sbr.rel @p1 .LBB2_8-.Ltmp12, $1  }
0x8a: {  	_ =	sdelay $0x3  }
0x8b: {  	p1 =	seq.s32 s2, $0x1  }
.Ltmp13:
0x8c: {  	_ = 	snop;
	(pc) =	sbr.rel @!p1 .LBB2_5-.Ltmp13, $1  }
0x8d: {  	_ =	sdelay $0x3  }
0x8e: {  	_ =	swait.ge [sflag:s21], $0x2000  }
0x8f: {  	[sflag:s21] =	ssyncset.done $0x0  }
0x90: {  	[sflag:s21] =	ssyncadd.s32 $0xFFFFE000  }
0x91: {  	[spmem:s1] =	stream.indirect.scatter.add.f32 [tilespmem:s24], [sflag:$0x5], $0x40, s30, s22, $0xb8;
	[tilespmem:$0x1EB00] =	vst v63  }
.Ltmp14:
0x92: {  	_ = 	snop;
	(pc) =	sbr.rel .LBB2_9-.Ltmp14, $4  }
0x93: {  	_ =	swait.ge [sflag:s18], $0x2000  }
0x94: {  	p1 =	sgt.u32 s29, $0x4B;
	[sflag:s18] =	ssyncset.done $0x0  }
0x95: {  	s2 =	simm.s32 @!p1 $0x80;
	s0 =	simm.s32 @!p1 $0x4F00;
	[sflag:s18] =	ssyncadd.s32 $0xFFFFE000  }
0x96: {  	[tilespmem:s0], [sflag:$0x1] =	stream.indirect.gather @!p1 [spmem:s3], $0x40, s31, s2, $0xb8;
	[tilespmem:$0x1EB00] =	vst v63  }
.LBB2_5:
0x97: {  	p1 =	seq.s32 s29, $0x0  }
0x98: {  	_ =	swait.ge [sflag:s20], $0x2000;
	p2 =	sgt.u32 @!p1 s29, $0x4B  }
0x99: {  	[sflag:s20] =	ssyncset.done $0x0;
	p2 =	por p1, !p2  }
.Ltmp15:
0x9a: {  	s2 =	simm.s32 @!p1 $0x6;
	[sflag:s20] =	ssyncadd.s32 $0xFFFFE000;
	(pc) =	sbr.rel @!p2 .LBB2_9-.Ltmp15, $4  }
0x9b: {  	[spmem:s1] =	stream.indirect.scatter.add.f32 [tilespmem:s23], [sflag:$0x4], $0x40, s30, s22, $0xb8;
	[tilespmem:$0x1EB00] =	vst v63  }
0x9c: {  	_ =	swait.ge @!p1 [sflag:s2], $0x2000  }
0x9d: {  	[sflag:s2] =	ssyncset.done @!p1 $0x0  }
0x9e: {  	[sflag:s2] =	ssyncadd.s32 @!p1 $0xFFFFE000  }
.Ltmp16:
0x9f: {  	(pc) =	sbr.rel .LBB2_9-.Ltmp16, $2  }
0xa0: {  	_ =	sdelay $0x2  }
0xa1: {  	[tilespmem:s26], [sflag:$0x3] =	stream.indirect.gather [spmem:s3], $0x40, s31, s22, $0xb8;
	[tilespmem:$0x1EB00] =	vst v63  }
.LBB2_10:
.Ltmp17:
0xa2: {  	(pc) =	sbr.rel .LBB2_20-.Ltmp17, $2  }
0xa3: {  	_ =	sdelay $0x2  }
0xa4: {  	s29 =	simm.s32 $0x6  }
.LBB2_21:
0xa5: {  	_ =	sfence.sel $0x180000  }
0xa6: {  	[bflag:$0x0] =	sbarrier.arrive $0xFFFF  }
0xa7: {  	_ =	strace $0x9000004A  }
0xa8: {  	s0 =	stileid.u32;
	[bflag:$0x2] =	sbarrier.arrive $0xFFFF  }
0xa9: {  	p0 =	sne.s32 s0, $0x0;
	s0 =	rddreg [dreg:$0x4]  }
0xaa: {  	s0 =	sadd.s32 @!p0 $0x100000, s0  }
0xab: {  	[sflag:s0] =	ssyncadd.tile.s32 @!p0 $0x1;
	_ =	shalt  }
.Lfunc_end2:
_tile_overlayer_lowered:
.L_overlay_start_2:
0xac: {  	(tag) =	ssettag $0x2  }
0xad: {  	s0 =	rddreg [dreg:$0x0];
	s2 =	stileid.u32  }
0xae: {  	s1 =	rddreg [dreg:$0x1];
	p0 =	sne.s32 s2, $0x0  }
0xaf: {  	s3 =	rddreg [dreg:$0x2];
	[bflag:$0x3] =	sbarrier.arrive $0xFFFF;
	s2 =	simm.s32 @!p0 $0x1C07  }
0xb0: {  	[timem:s3], [sflag:s2] =	dma.local @!p0 [hbm:s0], s1  }
0xb1: {  	s0 =	simm.s32 @!p0 $0x7  }
0xb2: {  	_ =	swait.ge @!p0 [sflag:s0], s1  }
0xb3: {  	s1 =	ssub.s32 @!p0 $0x0, s1;
	[sflag:s0] =	ssyncset.done @!p0 $0x0  }
0xb4: {  	[sflag:s0] =	ssyncadd.s32 @!p0 s1  }
0xb5: {  	[bflag:$0x3] =	sbarrier.arrive $0xFFFF  }
0xb6: {  	_ =	shalt  }

// kernel: kernel.7.cloned.1.call-start
scs
__scs_entry_jumppad:
0x0: {  	(pc) =	sbr.rel $0x88, $3  }
0x1: {  	(tag) =	ssettag $0x0;
	lr =	simm.s32 $0x1  }
0x2: {  	[smem:$0x3F9B] =	sst lr;
	_ =	strace $0xD0000000  }
0x3: {  	_ = 	snop  }
0x4: {  	_ = 	snop  }
0x5: {  	_ = 	snop  }
0x6: {  	_ = 	snop  }
0x7: {  	_ = 	snop  }
__scs_overlays_trampoline_lowered:
0x8: {  	[smem:$0x3FAA] =	sst s0  }
0x9: {  	[smem:$0x3FAB] =	sst s1  }
0xa: {  	[smem:$0x3FAC] =	sst s2  }
0xb: {  	[smem:$0x3FAD] =	sst s3  }
0xc: {  	[smem:$0x3FAE] =	sst s4  }
0xd: {  	[smem:$0x3FAF] =	sst s5  }
0xe: {  	[smem:$0x3FB0] =	sst s6  }
0xf: {  	[smem:$0x3FB1] =	sst s7  }
0x10: {  	[smem:$0x3FB2] =	sst s8  }
0x11: {  	[smem:$0x3FB3] =	sst s9;
	s0 =	simm.s32 @!p0 $0x0  }
0x12: {  	s1 =	sld [smem:$0x3F99];
	s0 =	simm.s32 @p0 $0x1  }
0x13: {  	[smem:$0x3FB4] =	sst s0;
	s0 =	simm.s32 @!p1 $0x0  }
0x14: {  	s2 =	sld [smem:$0x3F98];
	s0 =	simm.s32 @p1 $0x1  }
0x15: {  	[smem:$0x3FB5] =	sst s0;
	s0 =	simm.s32 @!p2 $0x0  }
0x16: {  	s3 =	sld [smem:$0x3FDB];
	s0 =	simm.s32 @p2 $0x1  }
0x17: {  	s4 =	simm.s32 $0x1BF5;
	[smem:$0x3FB7] =	sst s0  }
0x18: {  	s0 =	sld [smem:$0x3F9A];
	_ =	swait.ge [sflag:s4], $0x0  }
0x19: {  	s7 =	sld [smem:$0x3F9B]  }
0x1a: {  	s8 =	sadd.s32 $0xFFFFE003, lr  }
0x1b: {  	s9 =	sadd.s32 $0xFFFFFEF7, lr;
	s5 =	simm.s32 $0xFFFFFFFF;
	p2 =	slt.u32 s8, $0xFFFFF086  }
0x1c: {  	p1 =	slt.u32 s9, $0xF7A;
	s5 =	simm.s32 @!p2 $0x0  }
0x1d: {  	s5 =	simm.s32 @p1 $0x1;
	p0 =	seq.s32 s7, s2  }
0x1e: {  	s7 =	smul.u32 @!p0 $0xF7A, s2;
	p2 =	seq.s32 @!p0 s5, $0x0  }
0x1f: {  	s9 =	smul.u32 $0xF7A, s1;
	s8 =	simm.s32 @!p0 $0x1BF5;
	p2 =	por !p2, p0  }
0x20: {  	[sflag:s8] =	ssyncset.s32 @!p0 $0xFFFFF086;
	s6 =	sadd.s32 @!p0 s3, s7;
	s7 =	simm.s32 @!p0 $0x108  }
0x21: {  	s3 =	sadd.s32 s3, s9;
	s6 =	sadd.s32 @!p0 $0x88, s6;
	s7 =	simm.s32 @p2 $0x1082  }
0x22: {  	[simem:s7], [sflag:s8] =	dma.local @!p0 [hbm:s6], $0xF7A  }
0x23: {  	s9 =	sor.u32 $0xD0000000, s2;
	s6 =	simm.s32 $0x108;
	_ =	swait.ge @!p0 [sflag:s8], $0x0  }
0x24: {  	s3 =	sadd.s32 $0x88, s3;
	s6 =	simm.s32 @!p1 $0x1082;
	[sflag:s4] =	ssyncset.s32 $0xFFFFF086  }
0x25: {  	[simem:s6], [sflag:s4] =	dma.local [hbm:s3], $0xF7A  }
0x26: {  	[smem:$0x3F9B] =	sst s1;
	(tag) =	ssettag s2;
	_ =	strace s9  }
0x27: {  	s1 =	sld [smem:$0x3FAB]  }
0x28: {  	s2 =	sld [smem:$0x3FAC]  }
0x29: {  	s4 =	sld [smem:$0x3FAE]  }
0x2a: {  	p0 =	seq.s32 s5, $0x0;
	s5 =	sld [smem:$0x3FAF]  }
0x2b: {  	s6 =	sld [smem:$0x3FB0]  }
0x2c: {  	s7 =	sld [smem:$0x3FB1]  }
0x2d: {  	s3 =	simm.s32 $0x108;
	s8 =	sld [smem:$0x3FB2]  }
0x2e: {  	s3 =	simm.s32 @!p0 $0x1082;
	s9 =	sld [smem:$0x3FB3]  }
0x2f: {  	lr =	sadd.s32 s0, s3;
	s0 =	sld [smem:$0x3FAA]  }
0x30: {  	s3 =	sld [smem:$0x3FAD]  }
0x31: {  	[smem:$0x3FB6] =	sst s10  }
0x32: {  	s10 =	sld [smem:$0x3FB4];
	_ =	sdelay $0x3  }
0x33: {  	p0 =	seq.s32 s10, $0x1;
	s10 =	sld [smem:$0x3FB6];
	_ =	sdelay $0x3  }
0x34: {  	[smem:$0x3FB6] =	sst s10  }
0x35: {  	s10 =	sld [smem:$0x3FB5];
	_ =	sdelay $0x3  }
0x36: {  	p1 =	seq.s32 s10, $0x1;
	s10 =	sld [smem:$0x3FB6];
	_ =	sdelay $0x3  }
0x37: {  	[smem:$0x3FB6] =	sst s10  }
0x38: {  	s10 =	sld [smem:$0x3FB7]  }
0x39: {  	_ = 	snop;
	(pc) =	sbr.ind lr, $3  }
0x3a: {  	_ = 	snop  }
0x3b: {  	_ = 	snop  }
0x3c: {  	p2 =	seq.s32 s10, $0x1;
	s10 =	sld [smem:$0x3FB6]  }
0x3d: {  	_ =	shalt  }
0x3e: {  	_ =	shalt  }
0x3f: {  	_ =	shalt  }
0x40: {  	_ =	shalt  }
0x41: {  	_ =	shalt  }
0x42: {  	_ =	shalt  }
0x43: {  	_ =	shalt  }
0x44: {  	_ =	shalt  }
0x45: {  	_ =	shalt  }
0x46: {  	_ =	shalt  }
0x47: {  	_ =	shalt  }
0x48: {  	_ =	shalt  }
0x49: {  	_ =	shalt  }
0x4a: {  	_ =	shalt  }
0x4b: {  	_ =	shalt  }
0x4c: {  	_ =	shalt  }
0x4d: {  	_ =	shalt  }
0x4e: {  	_ =	shalt  }
0x4f: {  	_ =	shalt  }
0x50: {  	_ =	shalt  }
0x51: {  	_ =	shalt  }
0x52: {  	_ =	shalt  }
0x53: {  	_ =	shalt  }
0x54: {  	_ =	shalt  }
0x55: {  	_ =	shalt  }
0x56: {  	_ =	shalt  }
0x57: {  	_ =	shalt  }
0x58: {  	_ =	shalt  }
0x59: {  	_ =	shalt  }
0x5a: {  	_ =	shalt  }
0x5b: {  	_ =	shalt  }
0x5c: {  	_ =	shalt  }
0x5d: {  	_ =	shalt  }
0x5e: {  	_ =	shalt  }
0x5f: {  	_ =	shalt  }
0x60: {  	_ =	shalt  }
0x61: {  	_ =	shalt  }
0x62: {  	_ =	shalt  }
0x63: {  	_ =	shalt  }
0x64: {  	_ =	shalt  }
0x65: {  	_ =	shalt  }
0x66: {  	_ =	shalt  }
0x67: {  	_ =	shalt  }
0x68: {  	_ =	shalt  }
0x69: {  	_ =	shalt  }
0x6a: {  	_ =	shalt  }
0x6b: {  	_ =	shalt  }
0x6c: {  	_ =	shalt  }
0x6d: {  	_ =	shalt  }
0x6e: {  	_ =	shalt  }
0x6f: {  	_ =	shalt  }
0x70: {  	_ =	shalt  }
0x71: {  	_ =	shalt  }
0x72: {  	_ =	shalt  }
0x73: {  	_ =	shalt  }
0x74: {  	_ =	shalt  }
0x75: {  	_ =	shalt  }
0x76: {  	_ =	shalt  }
0x77: {  	_ =	shalt  }
0x78: {  	_ =	shalt  }
0x79: {  	_ =	shalt  }
0x7a: {  	_ =	shalt  }
0x7b: {  	_ =	shalt  }
0x7c: {  	_ =	shalt  }
0x7d: {  	_ =	shalt  }
0x7e: {  	_ =	shalt  }
0x7f: {  	_ =	shalt  }
0x80: {  	_ =	shalt  }
0x81: {  	_ =	shalt  }
0x82: {  	_ =	shalt  }
0x83: {  	_ =	shalt  }
0x84: {  	_ =	shalt  }
0x85: {  	_ =	shalt  }
0x86: {  	_ =	shalt  }
0x87: {  	_ =	shalt  }
.Lfunc_end0:
.L_simem_size_0:
called_computation_lowered:
.L_overlay_start_0:
0x88: {  	s2 =	sld [smem:$0x3FD9]  }
0x89: {  	s3 =	sld [smem:$0x3FFE];
	_ =	sdelay $0x1  }
0x8a: {  	s1 =	srdreg.scid  }
0x8b: {  	s0 =	sand.u32 $0x1, s1  }
0x8c: {  	s17 =	sshll.u32 s0, $0xA;
	s2 =	sadd.s32 s3, s2  }
0x8d: {  	s2 =	sadd.s32 s2, s17  }
0x8e: {  	[smem:$0x3FC2] =	sst s2  }
0x8f: {  	_ = 	snop  }
0x90: {  	s2 =	sld [smem:$0x3FD0];
	(tm) =	ssettm $0x1  }
0x91: {  	s18 =	sld [smem:$0x3FFB];
	_ =	sdelay $0x3  }
0x92: {  	_ =	strace s18  }
0x93: {  	s3 =	sld [smem:$0x3FFC];
	_ =	sdelay $0x3  }
0x94: {  	_ =	strace s3  }
0x95: {  	s3 =	sld [smem:$0x3FFD];
	_ =	sdelay $0x3  }
0x96: {  	_ =	strace s3  }
0x97: {  	_ =	strace $0x8FFFFFFF  }
0x98: {  	s19 =	sld [smem:$0x3FDB];
	_ =	sdelay $0x1  }
0x99: {  	s4 =	simm.s32 $_scs_section_size  }
0x9a: {  	s5 =	simm.s32 $_size__tile_overlayer_lowered;
	s6 =	simm.s32 $_tile_overlayer_lowered  }
0x9b: {  	s22 =	simm.s32 $0x1BFF;
	s21 =	sshll.u32 s6, $0x1;
	s3 =	sadd.s32 s4, s19  }
0x9c: {  	s7 =	simm.s32 $0x0;
	s20 =	sshll.u32 s5, $0x1;
	s5 =	sadd.s32 s21, s3  }
0x9d: {  	[timem:s7], [sflag:s22] =	dma.local [hbm:s5], s20  }
0x9e: {  	_ =	swait.ge [sflag:s22], s20  }
0x9f: {  	s4 =	ssub.s32 $0x0, s20;
	[sflag:s22] =	ssyncset.done $0x0  }
0xa0: {  	[sflag:s22] =	ssyncadd.s32 s4;
	_ =	sdelay $0x1  }
0xa1: {  	s23 =	simm.s32 $0x1B8B  }
0xa2: {  	_ =	swait.ge [sflag:s23], $0x1  }
0xa3: {  	[sflag:s23] =	ssyncset.done $0x0  }
0xa4: {  	s25 =	simm.s32 $0x1B8E;
	s24 =	sld [smem:$0x3FFE];
	[sflag:s23] =	ssyncadd.s32 $0xFFFFFFFF  }
0xa5: {  	s26 =	simm.s32 $execute0_lowered;
	[smem:$0x3FD2] =	sst s25  }
0xa6: {  	s5 =	sshll.u32 s26, $0x1;
	_ =	strace $0x80000046;
	[dreg:$0x1] =	wrdreg $0xFFFFFFFF  }
0xa7: {  	s28 =	simm.s32 $_size_execute0_lowered;
	s3 =	sadd.s32 s3, s5;
	[dreg:$0x0] =	wrdreg $0x0  }
0xa8: {  	s5 =	sshll.u32 s28, $0x1;
	[dreg:$0x2] =	wrdreg s3  }
0xa9: {  	[dreg:$0x3] =	wrdreg s5  }
0xaa: {  	[dreg:$0x4] =	wrdreg $0xC0  }
0xab: {  	_ =	task [dreg:s7], $0x5FFFF  }
0xac: {  	[dreg:$0x1] =	wrdreg $0xFFFFFFFF  }
0xad: {  	[dreg:$0x0] =	wrdreg $0x60  }
0xae: {  	[dreg:$0x2] =	wrdreg s2  }
0xaf: {  	[dreg:$0x3] =	wrdreg s24  }
0xb0: {  	[dreg:$0x4] =	wrdreg $0xAF000  }
0xb1: {  	[dreg:$0x5] =	wrdreg $0x14D000  }
0xb2: {  	[dreg:$0x6] =	wrdreg $0x9  }
0xb3: {  	_ =	task.clear_ibuf [dreg:s7], $0x7FFFF;
	_ =	strace $0x90000046  }
0xb4: {  	s29 =	simm.s32 $0x9;
	_ =	strace $0x80000048  }
0xb5: {  	_ =	swait.ge [sflag:s29], $0x1  }
0xb6: {  	[sflag:s29] =	ssyncadd.s32 $0xFFFFFFFF  }
0xb7: {  	_ =	strace $0x90000048  }
0xb8: {  	_ =	sfence  }
0xb9: {  	s30 =	sld [smem:$0x0];
	_ =	sdelay $0x2  }
0xba: {  	s31 =	sshll.u32 s1, $0xD;
	s1 =	sshrl.u32 s1, $0x2  }
0xbb: {  	s3 =	sand.u32 $0x4000, s31;
	s1 =	sadd.s32 s1, s30  }
0xbc: {  	s0 =	sor.u32 s3, s0;
	s1 =	sshll.u32 s1, $0x11  }
0xbd: {  	s0 =	sor.u32 s1, s0  }
0xbe: {  	s0 =	sadd.s32 $0x8F2B, s0  }
0xbf: {  	[sflag:s0] =	ssyncadd.remote.s32 $0x1  }
0xc0: {  	_ =	sfence.sel $0xFFFF  }
0xc1: {  	[dreg:$0x0] =	wrdreg $0xFFFFFFFF;
	(pc) =	sbr.abs _section_cstart, $3  }
0xc2: {  	[dreg:$0x1] =	wrdreg $0xFFFFFFFF  }
0xc3: {  	_ =	task.clear_ibuf [dreg:s7], $0x2FFFF;
	_ =	strace $0x9FFFFFFF  }
0xc4: {  	(tm) =	ssettm $0x7FFFFFFF  }
0xc5: {  	_ =	shalt  }
tec
execute0_lowered:
.L_overlay_start_1:
0x0: {  	(tag) =	ssettag $0x1  }
0x1: {  	s2 =	rddreg [dreg:$0x0]  }
0x2: {  	s6 =	rddreg [dreg:$0x1]  }
0x3: {  	s1 =	rddreg [dreg:$0x2]  }
0x4: {  	s0 =	stileid.u32;
	s4 =	srdreg.scid  }
0x5: {  	s3 =	rddreg [dreg:$0x3];
	s18 =	simm.s32 $0x4;
	s19 =	simm.s32 $0x5  }
0x6: {  	s20 =	simm.s32 $0x1;
	s21 =	simm.s32 $0x2;
	s22 =	simm.s32 $0x80  }
0x7: {  	s23 =	simm.s32 $0x4F00;
	s24 =	simm.s32 $0x6F00;
	s5 =	smul.u32 $0x4E0, s0  }
0x8: {  	s25 =	simm.s32 $0x3;
	s26 =	simm.s32 $0x8F00;
	s8 =	smul.u32 $0x9E00, s0  }
0x9: {  	s7 =	sand.u32 $0x1, s4;
	s4 =	simm.s32 $0x0;
	s10 =	smul.u32 $0x4F0, s0  }
0xa: {  	s28 =	simm.s32 $0x7;
	s9 =	smul.u32 $0x9E000, s7;
	[smem:$0x7FF] =	sst s4  }
0xb: {  	s12 =	ssub.s32 $0x2, s7;
	p0 =	seq.s32 s7, $0x1;
	_ =	strace $0x80000047  }
0xc: {  	s11 =	sadd.s32 s5, s6;
	s10 =	sadd.s32 s10, s6;
	s5 =	sadd.s32 $0x15000, s6  }
0xd: {  	s30 =	sshrl.u32 s12, $0x1;
	s31 =	sshrl.u32 s8, $0x3;
	s15 =	sadd.s32 s8, s1  }
0xe: {  	s17 =	sadd.s32 s8, s3;
	s29 =	sadd.s32 s8, s9;
	s14 =	ssub.s32 s12, s30  }
.Ltmp0:
0xf: {  	s7 =	sadd.s32 $0x6200, s11;
	s8 =	sadd.s32 $0x1400, s11;
	(pc) =	sbr.rel .LBB2_1-.Ltmp0, $4  }
0x10: {  	s12 =	sshll.u32 s0, $0x6;
	s15 =	sshrl.u32 s15, $0x3;
	s9 =	sshrl.u32 s29, $0x3  }
0x11: {  	s17 =	sshrl.u32 s17, $0x3;
	s16 =	sor.u32 $0x1C05, s12;
	s13 =	sadd.s32 s9, s6  }
0x12: {  	s6 =	sadd.s32 s2, s31;
	s9 =	sadd.s32 $0x10000, s10;
	s10 =	sadd.s32 $0xB000, s10  }
0x13: {  	s11 =	sadd.s32 $0x16400, s13;
	s13 =	smax.u32 s14, $0x1;
	s14 =	sor.u32 $0x1C04, s12  }
.LBB2_19:
0x14: {  	s29 =	simm.s32 $0x4  }
.LBB2_20:
0x15: {  	_ =	swait.ge [sflag:s29], $0x2000  }
0x16: {  	s4 =	sadd.s32 $0x1, s4;
	[sflag:s29] =	ssyncset.done $0x0  }
0x17: {  	p1 =	sne.s32 s4, s13;
	[sflag:s29] =	ssyncadd.s32 $0xFFFFE000  }
.Ltmp1:
0x18: {  	s0 =	sor.u32 $0x1C07, s12;
	[bflag:$0x0] =	sbarrier.arrive $0xFFFF;
	(pc) =	sbr.rel @!p1 .LBB2_21-.Ltmp1, $4  }
0x19: {  	[hbm:s11], [sflag:s0] =	dma.local [spmem:s15], $0x13C0  }
0x1a: {  	_ =	swait.ge [sflag:s28], $0x13C0  }
0x1b: {  	[sflag:s28] =	ssyncset.done $0x0  }
0x1c: {  	[sflag:s28] =	ssyncadd.s32 $0xFFFFEC40  }
.LBB2_1:
.Ltmp2:
0x1d: {  	(pc) =	sbr.rel @!p0 .LBB2_2-.Ltmp2, $4  }
0x1e: {  	_ = 	snop  }
0x1f: {  	[spmem:s15], [sflag:s14] =	dma.local [hbm:s5], $0x13C0  }
0x20: {  	s29 =	simm.s32 $0x0  }
0x21: {  	[spmem:s17], [sflag:s16] =	dma.local [hbm:s6], $0x13C0  }
0x22: {  	[tilespmem:s29], [sflag:$0x1] =	stream.linear.gather [hbm4b:s9+s29], $0x2780, $0x38;
	[tilespmem:$0x1EB00] =	vst v63  }
0x23: {  	s30 =	simm.s32 $0x2780  }
0x24: {  	[tilespmem:s30], [sflag:$0x2] =	stream.linear.gather [hbm4b:s10+s29], $0x2780, $0x38;
	[tilespmem:$0x1EB00] =	vst v63  }
0x25: {  	_ =	swait.ge [sflag:s18], $0x13C0  }
0x26: {  	[sflag:s18] =	ssyncset.done $0x0  }
0x27: {  	[sflag:s18] =	ssyncadd.s32 $0xFFFFEC40  }
0x28: {  	_ =	swait.ge [sflag:s19], $0x13C0  }
0x29: {  	[sflag:s19] =	ssyncset.done $0x0  }
0x2a: {  	[sflag:s19] =	ssyncadd.s32 $0xFFFFEC40  }
0x2b: {  	_ =	swait.ge [sflag:s20], $0x2780  }
0x2c: {  	[sflag:s20] =	ssyncset.done $0x0  }
0x2d: {  	[sflag:s20] =	ssyncadd.s32 $0xFFFFD880  }
0x2e: {  	_ =	swait.ge [sflag:s21], $0x2780  }
0x2f: {  	[sflag:s21] =	ssyncset.done $0x0  }
.Ltmp3:
0x30: {  	[sflag:s21] =	ssyncadd.s32 $0xFFFFD880;
	(pc) =	sbr.rel .LBB2_12-.Ltmp3, $4  }
0x31: {  	[bflag:$0x0] =	sbarrier.arrive $0xFFFF  }
0x32: {  	[tilespmem:s23], [sflag:$0x1] =	stream.indirect.gather [spmem:s3], $0x40, s29, s22, $0xb8;
	[tilespmem:$0x1EB00] =	vst v63  }
0x33: {  	s31 =	simm.s32 $0x100  }
0x34: {  	[tilespmem:s24], [sflag:$0x2] =	stream.indirect.gather [spmem:s3], $0x40, s22, s22, $0xb8;
	[tilespmem:$0x1EB00] =	vst v63  }
.LBB2_17:
0x35: {  	_ =	swait.ge [sflag:s25], $0x2000  }
0x36: {  	[sflag:s25] =	ssyncset.done $0x0  }
0x37: {  	[sflag:s25] =	ssyncadd.s32 $0xFFFFE000  }
0x38: {  	[spmem:s1] =	stream.indirect.scatter.add.f32 [tilespmem:s26], [sflag:$0x6], $0x40, s30, s22, $0xb8;
	[tilespmem:$0x1EB00] =	vst v63  }
0x39: {  	_ =	swait.ge [sflag:s19], $0x2000  }
0x3a: {  	p1 =	sgt.u32 s29, $0x4C;
	[sflag:s19] =	ssyncset.done $0x0  }
0x3b: {  	s0 =	simm.s32 @!p1 $0x80;
	s2 =	simm.s32 @!p1 $0x6F00;
	[sflag:s19] =	ssyncadd.s32 $0xFFFFE000  }
0x3c: {  	[tilespmem:s2], [sflag:$0x2] =	stream.indirect.gather @!p1 [spmem:s3], $0x40, s31, s0, $0xb8;
	[tilespmem:$0x1EB00] =	vst v63  }
.LBB2_18:
0x3d: {  	s29 =	sadd.s32 $0x1, s29  }
0x3e: {  	p1 =	sne.s32 s29, $0x4F  }
.Ltmp4:
0x3f: {  	_ = 	snop;
	(pc) =	sbr.rel @!p1 .LBB2_19-.Ltmp4, $2  }
0x40: {  	_ =	sdelay $0x2  }
0x41: {  	s31 =	sadd.s32 $0x80, s31;
	s30 =	sadd.s32 $0x80, s30  }
.LBB2_12:
0x42: {  	s0 =	smul.u32 $0xAB, s29;
	_ =	sdelay $0x1  }
0x43: {  	s0 =	sshrl.u32 s0, $0x9  }
0x44: {  	s0 =	sand.u32 $0x7F, s0  }
0x45: {  	s0 =	smul.u32 $0x3, s0;
	_ =	sdelay $0x1  }
0x46: {  	s0 =	ssub.s32 s29, s0  }
0x47: {  	s2 =	sand.u32 $0xFF, s0  }
0x48: {  	p1 =	seq.s32 s2, $0x2  }
.Ltmp5:
0x49: {  	_ = 	snop;
	(pc) =	sbr.rel @p1 .LBB2_17-.Ltmp5, $1  }
0x4a: {  	_ =	sdelay $0x3  }
0x4b: {  	p1 =	seq.s32 s2, $0x1  }
.Ltmp6:
0x4c: {  	_ = 	snop;
	(pc) =	sbr.rel @!p1 .LBB2_14-.Ltmp6, $1  }
0x4d: {  	_ =	sdelay $0x3  }
0x4e: {  	_ =	swait.ge [sflag:s21], $0x2000  }
0x4f: {  	[sflag:s21] =	ssyncset.done $0x0  }
0x50: {  	[sflag:s21] =	ssyncadd.s32 $0xFFFFE000  }
0x51: {  	[spmem:s1] =	stream.indirect.scatter.add.f32 [tilespmem:s24], [sflag:$0x5], $0x40, s30, s22, $0xb8;
	[tilespmem:$0x1EB00] =	vst v63  }
.Ltmp7:
0x52: {  	_ = 	snop;
	(pc) =	sbr.rel .LBB2_18-.Ltmp7, $4  }
0x53: {  	_ =	swait.ge [sflag:s18], $0x2000  }
0x54: {  	p1 =	sgt.u32 s29, $0x4C;
	[sflag:s18] =	ssyncset.done $0x0  }
0x55: {  	s0 =	simm.s32 @!p1 $0x80;
	s2 =	simm.s32 @!p1 $0x4F00;
	[sflag:s18] =	ssyncadd.s32 $0xFFFFE000  }
0x56: {  	[tilespmem:s2], [sflag:$0x1] =	stream.indirect.gather @!p1 [spmem:s3], $0x40, s31, s0, $0xb8;
	[tilespmem:$0x1EB00] =	vst v63  }
.LBB2_14:
0x57: {  	p1 =	seq.s32 s29, $0x0  }
0x58: {  	_ =	swait.ge [sflag:s20], $0x2000;
	p2 =	sgt.u32 @!p1 s29, $0x4C  }
0x59: {  	[sflag:s20] =	ssyncset.done $0x0;
	p2 =	por p1, !p2  }
.Ltmp8:
0x5a: {  	s0 =	simm.s32 @!p1 $0x6;
	[sflag:s20] =	ssyncadd.s32 $0xFFFFE000;
	(pc) =	sbr.rel @!p2 .LBB2_18-.Ltmp8, $4  }
0x5b: {  	[spmem:s1] =	stream.indirect.scatter.add.f32 [tilespmem:s23], [sflag:$0x4], $0x40, s30, s22, $0xb8;
	[tilespmem:$0x1EB00] =	vst v63  }
0x5c: {  	_ =	swait.ge @!p1 [sflag:s0], $0x2000  }
0x5d: {  	[sflag:s0] =	ssyncset.done @!p1 $0x0  }
0x5e: {  	[sflag:s0] =	ssyncadd.s32 @!p1 $0xFFFFE000  }
.Ltmp9:
0x5f: {  	(pc) =	sbr.rel .LBB2_18-.Ltmp9, $2  }
0x60: {  	_ =	sdelay $0x2  }
0x61: {  	[tilespmem:s26], [sflag:$0x3] =	stream.indirect.gather [spmem:s3], $0x40, s31, s22, $0xb8;
	[tilespmem:$0x1EB00] =	vst v63  }
.LBB2_2:
0x62: {  	[tilespmem:s29], [sflag:$0x1] =	stream.linear.gather [hbm4b:s7+s29], $0x2700, $0x38;
	[tilespmem:$0x1EB00] =	vst v63  }
0x63: {  	s30 =	simm.s32 $0x2780  }
0x64: {  	[tilespmem:s30], [sflag:$0x2] =	stream.linear.gather [hbm4b:s8+s29], $0x2700, $0x38;
	[tilespmem:$0x1EB00] =	vst v63  }
0x65: {  	_ =	swait.ge [sflag:s18], $0x13C0  }
0x66: {  	[sflag:s18] =	ssyncset.done $0x0  }
0x67: {  	[sflag:s18] =	ssyncadd.s32 $0xFFFFEC40  }
0x68: {  	_ =	swait.ge [sflag:s19], $0x13C0  }
0x69: {  	[sflag:s19] =	ssyncset.done $0x0  }
0x6a: {  	[sflag:s19] =	ssyncadd.s32 $0xFFFFEC40  }
0x6b: {  	_ =	swait.ge [sflag:s20], $0x2700  }
0x6c: {  	[sflag:s20] =	ssyncset.done $0x0  }
0x6d: {  	[sflag:s20] =	ssyncadd.s32 $0xFFFFD900  }
0x6e: {  	_ =	swait.ge [sflag:s21], $0x2700  }
0x6f: {  	[sflag:s21] =	ssyncset.done $0x0  }
.Ltmp10:
0x70: {  	[sflag:s21] =	ssyncadd.s32 $0xFFFFD900;
	(pc) =	sbr.rel .LBB2_3-.Ltmp10, $4  }
0x71: {  	[bflag:$0x0] =	sbarrier.arrive $0xFFFF  }
0x72: {  	[tilespmem:s23], [sflag:$0x1] =	stream.indirect.gather [spmem:s3], $0x40, s29, s22, $0xb8;
	[tilespmem:$0x1EB00] =	vst v63  }
0x73: {  	s31 =	simm.s32 $0x100  }
0x74: {  	[tilespmem:s24], [sflag:$0x2] =	stream.indirect.gather [spmem:s3], $0x40, s22, s22, $0xb8;
	[tilespmem:$0x1EB00] =	vst v63  }
.LBB2_8:
0x75: {  	_ =	swait.ge [sflag:s25], $0x2000  }
0x76: {  	[sflag:s25] =	ssyncset.done $0x0  }
0x77: {  	[sflag:s25] =	ssyncadd.s32 $0xFFFFE000  }
0x78: {  	[spmem:s1] =	stream.indirect.scatter.add.f32 [tilespmem:s26], [sflag:$0x6], $0x40, s30, s22, $0xb8;
	[tilespmem:$0x1EB00] =	vst v63  }
0x79: {  	_ =	swait.ge [sflag:s19], $0x2000  }
0x7a: {  	p1 =	sgt.u32 s29, $0x4B;
	[sflag:s19] =	ssyncset.done $0x0  }
0x7b: {  	s0 =	simm.s32 @!p1 $0x80;
	s2 =	simm.s32 @!p1 $0x6F00;
	[sflag:s19] =	ssyncadd.s32 $0xFFFFE000  }
0x7c: {  	[tilespmem:s2], [sflag:$0x2] =	stream.indirect.gather @!p1 [spmem:s3], $0x40, s31, s0, $0xb8;
	[tilespmem:$0x1EB00] =	vst v63  }
.LBB2_9:
0x7d: {  	s29 =	sadd.s32 $0x1, s29  }
0x7e: {  	p1 =	seq.s32 s29, $0x4E  }
.Ltmp11:
0x7f: {  	_ = 	snop;
	(pc) =	sbr.rel @p1 .LBB2_10-.Ltmp11, $2  }
0x80: {  	_ =	sdelay $0x2  }
0x81: {  	s31 =	sadd.s32 $0x80, s31;
	s30 =	sadd.s32 $0x80, s30  }
.LBB2_3:
0x82: {  	s2 =	smul.u32 $0xAB, s29;
	_ =	sdelay $0x1  }
0x83: {  	s2 =	sshrl.u32 s2, $0x9  }
0x84: {  	s2 =	sand.u32 $0x7F, s2  }
0x85: {  	s2 =	smul.u32 $0x3, s2;
	_ =	sdelay $0x1  }
0x86: {  	s2 =	ssub.s32 s29, s2  }
0x87: {  	s2 =	sand.u32 $0xFF, s2  }
0x88: {  	p1 =	seq.s32 s2, $0x2  }
.Ltmp12:
0x89: {  	_ = 	snop;
	(pc) =	sbr.rel @p1 .LBB2_8-.Ltmp12, $1  }
0x8a: {  	_ =	sdelay $0x3  }
0x8b: {  	p1 =	seq.s32 s2, $0x1  }
.Ltmp13:
0x8c: {  	_ = 	snop;
	(pc) =	sbr.rel @!p1 .LBB2_5-.Ltmp13, $1  }
0x8d: {  	_ =	sdelay $0x3  }
0x8e: {  	_ =	swait.ge [sflag:s21], $0x2000  }
0x8f: {  	[sflag:s21] =	ssyncset.done $0x0  }
0x90: {  	[sflag:s21] =	ssyncadd.s32 $0xFFFFE000  }
0x91: {  	[spmem:s1] =	stream.indirect.scatter.add.f32 [tilespmem:s24], [sflag:$0x5], $0x40, s30, s22, $0xb8;
	[tilespmem:$0x1EB00] =	vst v63  }
.Ltmp14:
0x92: {  	_ = 	snop;
	(pc) =	sbr.rel .LBB2_9-.Ltmp14, $4  }
0x93: {  	_ =	swait.ge [sflag:s18], $0x2000  }
0x94: {  	p1 =	sgt.u32 s29, $0x4B;
	[sflag:s18] =	ssyncset.done $0x0  }
0x95: {  	s2 =	simm.s32 @!p1 $0x80;
	s0 =	simm.s32 @!p1 $0x4F00;
	[sflag:s18] =	ssyncadd.s32 $0xFFFFE000  }
0x96: {  	[tilespmem:s0], [sflag:$0x1] =	stream.indirect.gather @!p1 [spmem:s3], $0x40, s31, s2, $0xb8;
	[tilespmem:$0x1EB00] =	vst v63  }
.LBB2_5:
0x97: {  	p1 =	seq.s32 s29, $0x0  }
0x98: {  	_ =	swait.ge [sflag:s20], $0x2000;
	p2 =	sgt.u32 @!p1 s29, $0x4B  }
0x99: {  	[sflag:s20] =	ssyncset.done $0x0;
	p2 =	por p1, !p2  }
.Ltmp15:
0x9a: {  	s2 =	simm.s32 @!p1 $0x6;
	[sflag:s20] =	ssyncadd.s32 $0xFFFFE000;
	(pc) =	sbr.rel @!p2 .LBB2_9-.Ltmp15, $4  }
0x9b: {  	[spmem:s1] =	stream.indirect.scatter.add.f32 [tilespmem:s23], [sflag:$0x4], $0x40, s30, s22, $0xb8;
	[tilespmem:$0x1EB00] =	vst v63  }
0x9c: {  	_ =	swait.ge @!p1 [sflag:s2], $0x2000  }
0x9d: {  	[sflag:s2] =	ssyncset.done @!p1 $0x0  }
0x9e: {  	[sflag:s2] =	ssyncadd.s32 @!p1 $0xFFFFE000  }
.Ltmp16:
0x9f: {  	(pc) =	sbr.rel .LBB2_9-.Ltmp16, $2  }
0xa0: {  	_ =	sdelay $0x2  }
0xa1: {  	[tilespmem:s26], [sflag:$0x3] =	stream.indirect.gather [spmem:s3], $0x40, s31, s22, $0xb8;
	[tilespmem:$0x1EB00] =	vst v63  }
.LBB2_10:
.Ltmp17:
0xa2: {  	(pc) =	sbr.rel .LBB2_20-.Ltmp17, $2  }
0xa3: {  	_ =	sdelay $0x2  }
0xa4: {  	s29 =	simm.s32 $0x6  }
.LBB2_21:
0xa5: {  	_ =	sfence.sel $0x180000  }
0xa6: {  	[bflag:$0x0] =	sbarrier.arrive $0xFFFF  }
0xa7: {  	_ =	strace $0x90000047  }
0xa8: {  	s0 =	stileid.u32;
	[bflag:$0x2] =	sbarrier.arrive $0xFFFF  }
0xa9: {  	p0 =	sne.s32 s0, $0x0;
	s0 =	rddreg [dreg:$0x4]  }
0xaa: {  	s0 =	sadd.s32 @!p0 $0x100000, s0  }
0xab: {  	[sflag:s0] =	ssyncadd.tile.s32 @!p0 $0x1;
	_ =	shalt  }
.Lfunc_end2:
_tile_overlayer_lowered:
.L_overlay_start_2:
0xac: {  	(tag) =	ssettag $0x2  }
0xad: {  	s0 =	rddreg [dreg:$0x0];
	s2 =	stileid.u32  }
0xae: {  	s1 =	rddreg [dreg:$0x1];
	p0 =	sne.s32 s2, $0x0  }
0xaf: {  	s3 =	rddreg [dreg:$0x2];
	[bflag:$0x3] =	sbarrier.arrive $0xFFFF;
	s2 =	simm.s32 @!p0 $0x1C07  }
0xb0: {  	[timem:s3], [sflag:s2] =	dma.local @!p0 [hbm:s0], s1  }
0xb1: {  	s0 =	simm.s32 @!p0 $0x7  }
0xb2: {  	_ =	swait.ge @!p0 [sflag:s0], s1  }
0xb3: {  	s1 =	ssub.s32 @!p0 $0x0, s1;
	[sflag:s0] =	ssyncset.done @!p0 $0x0  }
0xb4: {  	[sflag:s0] =	ssyncadd.s32 @!p0 s1  }
0xb5: {  	[bflag:$0x3] =	sbarrier.arrive $0xFFFF  }
0xb6: {  	_ =	shalt  }

</sc_bundles>
